<compile_context>
chip_gen: v7x
topology: tpu7x:2x2x1
jax: 0.10.2.dev20260603
libtpu: 0.0.44.dev20260713+nightly
codegen_flags: <defaults>
</compile_context>

<pallas_src>
import functools

import jax
import jax.numpy as jnp
from jax import lax
from jax.experimental import pallas as pl
from jax.experimental.pallas import tpu as pltpu
from jax.experimental.pallas import tpu_sc as plsc

NUM_EVENTS = 8
MAX_TIME = 512
EPS = 1e-08

L = 16
NC = 2
NS = 16
NW = NC * NS
ROW_W = 16
LN2 = 0.6931471805599453
_GCH = 128


def _ln(x):
    bits = plsc.bitcast(x, jnp.int32)
    e = ((bits >> 23) & 0xFF) - 127
    m = plsc.bitcast((bits & 0x007FFFFF) | 0x3F800000, jnp.float32)
    z = (m - 1.0) / (m + 1.0)
    z2 = z * z
    ln_m = 2.0 * z * (1.0 + z2 * (1.0 / 3.0 + z2 * (0.2 + z2 * (1.0 / 7.0 + z2 * (1.0 / 9.0)))))
    return e.astype(jnp.float32) * LN2 + ln_m


def _make_sc_call(batch):
    spw = batch // NW
    ng = spw // L

    def body(x_hbm, ev_hbm, tm_hbm, out_hbm, idx_v, rows_v, ev_v, tm_v, res_v, sem):
        cid = lax.axis_index("c")
        sid = lax.axis_index("s")
        wid = sid * NC + cid
        base = wid * spw

        pltpu.sync_copy(ev_hbm.at[pl.ds(base, spw)], ev_v)
        pltpu.sync_copy(tm_hbm.at[pl.ds(base, spw)], tm_v)

        lane = lax.iota(jnp.int32, L)

        def build(g, carry):
            b = base + g * L + lane
            hi = (b >> 3) * 2048 + (b & 7) * 8
            for e in range(NUM_EVENTS):
                idx_v[pl.ds(e * spw + g * L, L)] = hi + e * 256
            return carry

        lax.fori_loop(0, ng, build, 0)

        copies = [
            pltpu.async_copy(
                x_hbm.at[idx_v.at[pl.ds(k * _GCH, _GCH)]],
                rows_v.at[pl.ds(k * _GCH, _GCH)],
                sem,
            )
            for k in range((spw * NUM_EVENTS) // _GCH)
        ]
        for c in copies:
            c.wait()

        def group(g, acc):
            o = g * L
            ev = ev_v[pl.ds(o, L)]
            tm = tm_v[pl.ds(o, L)]
            i_vec = o + lane

            csum = jnp.zeros((L,), jnp.float32)
            for e in range(NUM_EVENTS):
                row = e * spw + i_vec
                for t in range(NUM_EVENTS):
                    col = jnp.full((L,), t, jnp.int32)
                    val = plsc.load_gather(rows_v, [row, col])
                    csum = csum + jnp.where(tm >= t, val, 0.0)

            evm1 = jnp.maximum(ev - 1, 0)
            u = plsc.load_gather(rows_v, [evm1 * spw + i_vec, tm])

            cpe = (1.0 - csum) + EPS
            lu = _ln(u + EPS)
            lc = _ln(cpe)
            contrib = jnp.where(ev > 0, lu, jnp.where(cpe > 0.0, lc, 0.0))
            return acc + contrib

        acc = lax.fori_loop(0, ng, group, jnp.zeros((L,), jnp.float32))
        res_v[...] = acc
        pltpu.sync_copy(res_v, out_hbm.at[wid])

    spw = batch // NW
    return pl.kernel(
        body,
        out_type=jax.ShapeDtypeStruct((NW, L), jnp.float32),
        mesh=plsc.VectorSubcoreMesh(core_axis_name="c", subcore_axis_name="s"),
        compiler_params=pltpu.CompilerParams(
            needs_layout_passes=False, use_tc_tiling_on_sc=False
        ),
        scratch_types=[
            pltpu.VMEM((spw * NUM_EVENTS,), jnp.int32),
            pltpu.VMEM((spw * NUM_EVENTS, ROW_W), jnp.float32),
            pltpu.VMEM((spw,), jnp.int32),
            pltpu.VMEM((spw,), jnp.int32),
            pltpu.VMEM((L,), jnp.float32),
            pltpu.SemaphoreType.DMA,
        ],
    )


def _finish_body(p_ref, o_ref):
    o_ref[0, 0] = -jnp.sum(p_ref[...])


@jax.jit
def _run(x_tbl, ev, tm):
    batch = ev.shape[0]
    partials = _make_sc_call(batch)(x_tbl, ev, tm)
    out = pl.pallas_call(
        _finish_body,
        out_specs=pl.BlockSpec(memory_space=pltpu.SMEM),
        out_shape=jax.ShapeDtypeStruct((1, 1), jnp.float32),
    )(partials)
    return out[0, 0]


def kernel(outputs, labels):
    batch = outputs.shape[0]
    x_tbl = (
        outputs.reshape(batch // 8, 8, 32, 128)
        .transpose(0, 2, 1, 3)
        .reshape(-1, ROW_W)
    )
    lab = labels.reshape(-1, 2).astype(jnp.int32)
    return _run(x_tbl, lab[:, 0], lab[:, 1])

# --- scband reference (transcript-rebuilt; emitter-appended) ---
"""Pipeline reference for scband-survival-log-likelihood-loss-18064632446990 (READ-ONLY COPY).

The authoritative reference and input builder live on the scoring server;
editing this copy changes nothing except your own understanding.
"""

import jax, jax.numpy as jnp
import numpy as np

NUM_EVENTS = 8
MAX_TIME = 512
EPS = 1e-08
BATCH = 16384


def setup_inputs(seed: int = 0) -> dict:
    key = jax.random.key(seed)
    k1, k2 = jax.random.split(key)
    outputs = jax.random.uniform(k1, (BATCH, NUM_EVENTS * MAX_TIME), dtype=jnp.float32)
    labels = jax.random.randint(k2, (BATCH, 1, 2), 0, 8, dtype=jnp.int64)
    return {"outputs": outputs, "labels": labels}


def _uncensored_mask(labels, batch_dim):
    ev = labels[:, 0, 0]
    tm = labels[:, 0, 1]
    mask = jnp.zeros((batch_dim, NUM_EVENTS, MAX_TIME), dtype=jnp.float32)
    mask = mask.at[jnp.arange(batch_dim), jnp.maximum(ev - 1, 0), tm].set(1.0)
    censored = (ev == 0)
    mask = mask.at[:, 0, :].set(jnp.where(censored[:, None], 0.0, mask[:, 0, :]))
    return mask


def _censored_mask(labels, batch_dim):
    ev = labels[:, 0, 0]
    tm = labels[:, 0, 1]
    mask = jnp.zeros((batch_dim, MAX_TIME), dtype=jnp.float32)
    mask = mask.at[jnp.arange(batch_dim), tm].set(1.0)
    mask = jnp.where((ev != 0)[:, None], 0.0, mask)
    return mask


def reference(outputs, labels):
    outputs = outputs.reshape(-1, NUM_EVENTS, MAX_TIME)
    batch_dim = outputs.shape[0]
    uncensored_mask = _uncensored_mask(labels, batch_dim)
    censored_mask = _censored_mask(labels, batch_dim)
    CIF = jnp.cumsum(outputs, axis=-1)
    censored_values = 1.0 - jnp.sum(CIF, axis=1)
    uncensored_map = jnp.sign(labels[:, :, 0]).astype(outputs.dtype)
    tmp1 = jnp.nansum(jnp.sum(uncensored_mask * outputs, axis=2), axis=1, keepdims=True)
    tmp1 = jnp.log(tmp1 + EPS) * uncensored_map
    tmp2 = jnp.nansum(censored_mask * censored_values, axis=1, keepdims=True)
    tmp2 = jnp.log(tmp2 + EPS) * (1.0 - uncensored_map)
    L1 = tmp1 + tmp2
    loss = -jnp.nansum(L1)
    return loss

if __name__ == "__main__":
    import jax
    _d = setup_inputs()
    print(jax.jit(kernel)(*tuple(_d.values())))

</pallas_src>

<mosaic_0001>
#map = affine_map<(d0, d1) -> (0, 0)>
#map1 = affine_map<(d0, d1) -> (0)>
module attributes {stable_mosaic.version = 14 : i64} {
  func.func @body(%arg0: i32, %arg1: i32, %arg2: memref<4194304x16xf32, #tpu.memory_space<hbm>>, %arg3: memref<16384xi32, #tpu.memory_space<hbm>>, %arg4: memref<16384xi32, #tpu.memory_space<hbm>>, %arg5: memref<32x16xf32, #tpu.memory_space<hbm>>, %arg6: memref<4096xi32, #tpu.memory_space<vmem>>, %arg7: memref<4096x16xf32, #tpu.memory_space<vmem>>, %arg8: memref<512xi32, #tpu.memory_space<vmem>>, %arg9: memref<512xi32, #tpu.memory_space<vmem>>, %arg10: memref<16xf32, #tpu.memory_space<vmem>>, %arg11: memref<!tpu.dma_semaphore, #tpu.memory_space<semaphore_mem>>) attributes {dimension_semantics = [#tpu.dimension_semantics<core_parallel>, #tpu.dimension_semantics<subcore_parallel>], iteration_bounds = array<i64: 2, 16>, scalar_prefetch = 0 : i64, scratch_operands = 6 : i64, tpu.core_type = #tpu.core_type<sc_vector_subcore>, window_params = [{transform_indices = #map}, {transform_indices = #map1}, {transform_indices = #map1}, {transform_indices = #map}]} {
    %mul3A = arith.constant 2 : i32
    %mul3A_0 = arith.muli %arg1, %mul3A : i32
    %add3A = arith.addi %mul3A_0, %arg0 : i32
    %mul3A_1 = arith.constant 512 : i32
    %mul3A_2 = arith.muli %add3A, %mul3A_1 : i32
    "tpu.region"() ({
      %run_scoped3A = tpu.sem_alloc : memref<!tpu.dma_semaphore, #tpu.memory_space<semaphore_mem>>
      %dma_start3A_526 = tpu.memref_slice %arg3[%mul3A_2] : memref<16384xi32, #tpu.memory_space<hbm>> -> memref<512xi32, #tpu.memory_space<hbm>>
      %dma_start3A_527 = tpu.memref_slice %arg3[%mul3A_2] : memref<16384xi32, #tpu.memory_space<hbm>> -> memref<512xi32, #tpu.memory_space<hbm>>
      tpu.enqueue_dma source(%dma_start3A_527 : memref<512xi32, #tpu.memory_space<hbm>>) target(%arg8 : memref<512xi32, #tpu.memory_space<vmem>>) target_semaphore(%run_scoped3A : memref<!tpu.dma_semaphore, #tpu.memory_space<semaphore_mem>>)
      %dma_wait3A_528 = tpu.memref_slice %arg3[%mul3A_2] : memref<16384xi32, #tpu.memory_space<hbm>> -> memref<512xi32, #tpu.memory_space<hbm>>
      %dma_wait3A_529 = tpu.memref_slice %arg3[%mul3A_2] : memref<16384xi32, #tpu.memory_space<hbm>> -> memref<512xi32, #tpu.memory_space<hbm>>
      tpu.wait_dma2 semaphore(%run_scoped3A : memref<!tpu.dma_semaphore, #tpu.memory_space<semaphore_mem>>) src(%dma_wait3A_529 : memref<512xi32, #tpu.memory_space<hbm>>) dst(%arg8 : memref<512xi32, #tpu.memory_space<vmem>>)
      tpu.yield
    }) : () -> ()
    "tpu.region"() ({
      %run_scoped3A = tpu.sem_alloc : memref<!tpu.dma_semaphore, #tpu.memory_space<semaphore_mem>>
      %dma_start3A_526 = tpu.memref_slice %arg4[%mul3A_2] : memref<16384xi32, #tpu.memory_space<hbm>> -> memref<512xi32, #tpu.memory_space<hbm>>
      %dma_start3A_527 = tpu.memref_slice %arg4[%mul3A_2] : memref<16384xi32, #tpu.memory_space<hbm>> -> memref<512xi32, #tpu.memory_space<hbm>>
      tpu.enqueue_dma source(%dma_start3A_527 : memref<512xi32, #tpu.memory_space<hbm>>) target(%arg9 : memref<512xi32, #tpu.memory_space<vmem>>) target_semaphore(%run_scoped3A : memref<!tpu.dma_semaphore, #tpu.memory_space<semaphore_mem>>)
      %dma_wait3A_528 = tpu.memref_slice %arg4[%mul3A_2] : memref<16384xi32, #tpu.memory_space<hbm>> -> memref<512xi32, #tpu.memory_space<hbm>>
      %dma_wait3A_529 = tpu.memref_slice %arg4[%mul3A_2] : memref<16384xi32, #tpu.memory_space<hbm>> -> memref<512xi32, #tpu.memory_space<hbm>>
      tpu.wait_dma2 semaphore(%run_scoped3A : memref<!tpu.dma_semaphore, #tpu.memory_space<semaphore_mem>>) src(%dma_wait3A_529 : memref<512xi32, #tpu.memory_space<hbm>>) dst(%arg9 : memref<512xi32, #tpu.memory_space<vmem>>)
      tpu.yield
    }) : () -> ()
    %iota3A = tpu.iota {dimensions = array<i32: 0>} : vector<16xi32>
    %scan3A = arith.constant 0 : i32
    %scan3A_3 = arith.constant 0 : i32
    %scan3A_4 = arith.constant 32 : i32
    %scan3A_5 = arith.addi %scan3A_3, %scan3A_4 : i32
    %scan3A_6 = arith.constant 1 : i32
    scf.for %scan3A_526 = %scan3A_3 to %scan3A_5 step %scan3A_6  : i32 {
      %mul3A_527 = arith.constant 16 : i32
      %mul3A_528 = arith.muli %scan3A_526, %mul3A_527 : i32
      %add3A_529 = arith.addi %mul3A_2, %mul3A_528 : i32
      %add3A_530 = vector.broadcast %add3A_529 : i32 to vector<16xi32>
      %add3A_531 = arith.addi %add3A_530, %iota3A : vector<16xi32>
      %shift_right_arithmetic3A = arith.constant 3 : i32
      %shift_right_arithmetic3A_532 = vector.broadcast %shift_right_arithmetic3A : i32 to vector<16xi32>
      %shift_right_arithmetic3A_533 = arith.shrsi %add3A_531, %shift_right_arithmetic3A_532 : vector<16xi32>
      %mul3A_534 = arith.constant 2048 : i32
      %mul3A_535 = vector.broadcast %mul3A_534 : i32 to vector<16xi32>
      %mul3A_536 = arith.muli %shift_right_arithmetic3A_533, %mul3A_535 : vector<16xi32>
      %and3A = arith.constant 7 : i32
      %and3A_537 = vector.broadcast %and3A : i32 to vector<16xi32>
      %and3A_538 = arith.andi %add3A_531, %and3A_537 : vector<16xi32>
      %mul3A_539 = arith.constant 8 : i32
      %mul3A_540 = vector.broadcast %mul3A_539 : i32 to vector<16xi32>
      %mul3A_541 = arith.muli %and3A_538, %mul3A_540 : vector<16xi32>
      %add3A_542 = arith.addi %mul3A_536, %mul3A_541 : vector<16xi32>
      %add3A_543 = arith.constant 0 : i32
      %add3A_544 = vector.broadcast %add3A_543 : i32 to vector<16xi32>
      %add3A_545 = arith.addi %add3A_542, %add3A_544 : vector<16xi32>
      %mul3A_546 = arith.constant 16 : i32
      %mul3A_547 = arith.muli %scan3A_526, %mul3A_546 : i32
      %add3A_548 = arith.constant 0 : i32
      %add3A_549 = arith.addi %add3A_548, %mul3A_547 : i32
      %swap3A_550 = arith.index_cast %add3A_549 : i32 to index
      %swap3A_551 = tpu.vector_load %arg6[%swap3A_550] {strides = array<i32>} : memref<4096xi32, #tpu.memory_space<vmem>>, vector<16xi32>,
      tpu.vector_store %arg6[%swap3A_550], %add3A_545 {strides = array<i32>} : memref<4096xi32, #tpu.memory_space<vmem>>, vector<16xi32>,
      %add3A_552 = arith.constant 256 : i32
      %add3A_553 = vector.broadcast %add3A_552 : i32 to vector<16xi32>
      %add3A_554 = arith.addi %add3A_542, %add3A_553 : vector<16xi32>
      %mul3A_555 = arith.constant 16 : i32
      %mul3A_556 = arith.muli %scan3A_526, %mul3A_555 : i32
      %add3A_557 = arith.constant 512 : i32
      %add3A_558 = arith.addi %add3A_557, %mul3A_556 : i32
      %swap3A_559 = arith.index_cast %add3A_558 : i32 to index
      %swap3A_560 = tpu.vector_load %arg6[%swap3A_559] {strides = array<i32>} : memref<4096xi32, #tpu.memory_space<vmem>>, vector<16xi32>,
      tpu.vector_store %arg6[%swap3A_559], %add3A_554 {strides = array<i32>} : memref<4096xi32, #tpu.memory_space<vmem>>, vector<16xi32>,
      %add3A_561 = arith.constant 512 : i32
      %add3A_562 = vector.broadcast %add3A_561 : i32 to vector<16xi32>
      %add3A_563 = arith.addi %add3A_542, %add3A_562 : vector<16xi32>
      %mul3A_564 = arith.constant 16 : i32
      %mul3A_565 = arith.muli %scan3A_526, %mul3A_564 : i32
      %add3A_566 = arith.constant 1024 : i32
      %add3A_567 = arith.addi %add3A_566, %mul3A_565 : i32
      %swap3A_568 = arith.index_cast %add3A_567 : i32 to index
      %swap3A_569 = tpu.vector_load %arg6[%swap3A_568] {strides = array<i32>} : memref<4096xi32, #tpu.memory_space<vmem>>, vector<16xi32>,
      tpu.vector_store %arg6[%swap3A_568], %add3A_563 {strides = array<i32>} : memref<4096xi32, #tpu.memory_space<vmem>>, vector<16xi32>,
      %add3A_570 = arith.constant 768 : i32
      %add3A_571 = vector.broadcast %add3A_570 : i32 to vector<16xi32>
      %add3A_572 = arith.addi %add3A_542, %add3A_571 : vector<16xi32>
      %mul3A_573 = arith.constant 16 : i32
      %mul3A_574 = arith.muli %scan3A_526, %mul3A_573 : i32
      %add3A_575 = arith.constant 1536 : i32
      %add3A_576 = arith.addi %add3A_575, %mul3A_574 : i32
      %swap3A_577 = arith.index_cast %add3A_576 : i32 to index
      %swap3A_578 = tpu.vector_load %arg6[%swap3A_577] {strides = array<i32>} : memref<4096xi32, #tpu.memory_space<vmem>>, vector<16xi32>,
      tpu.vector_store %arg6[%swap3A_577], %add3A_572 {strides = array<i32>} : memref<4096xi32, #tpu.memory_space<vmem>>, vector<16xi32>,
      %add3A_579 = arith.constant 1024 : i32
      %add3A_580 = vector.broadcast %add3A_579 : i32 to vector<16xi32>
      %add3A_581 = arith.addi %add3A_542, %add3A_580 : vector<16xi32>
      %mul3A_582 = arith.constant 16 : i32
      %mul3A_583 = arith.muli %scan3A_526, %mul3A_582 : i32
      %add3A_584 = arith.constant 2048 : i32
      %add3A_585 = arith.addi %add3A_584, %mul3A_583 : i32
      %swap3A_586 = arith.index_cast %add3A_585 : i32 to index
      %swap3A_587 = tpu.vector_load %arg6[%swap3A_586] {strides = array<i32>} : memref<4096xi32, #tpu.memory_space<vmem>>, vector<16xi32>,
      tpu.vector_store %arg6[%swap3A_586], %add3A_581 {strides = array<i32>} : memref<4096xi32, #tpu.memory_space<vmem>>, vector<16xi32>,
      %add3A_588 = arith.constant 1280 : i32
      %add3A_589 = vector.broadcast %add3A_588 : i32 to vector<16xi32>
      %add3A_590 = arith.addi %add3A_542, %add3A_589 : vector<16xi32>
      %mul3A_591 = arith.constant 16 : i32
      %mul3A_592 = arith.muli %scan3A_526, %mul3A_591 : i32
      %add3A_593 = arith.constant 2560 : i32
      %add3A_594 = arith.addi %add3A_593, %mul3A_592 : i32
      %swap3A_595 = arith.index_cast %add3A_594 : i32 to index
      %swap3A_596 = tpu.vector_load %arg6[%swap3A_595] {strides = array<i32>} : memref<4096xi32, #tpu.memory_space<vmem>>, vector<16xi32>,
      tpu.vector_store %arg6[%swap3A_595], %add3A_590 {strides = array<i32>} : memref<4096xi32, #tpu.memory_space<vmem>>, vector<16xi32>,
      %add3A_597 = arith.constant 1536 : i32
      %add3A_598 = vector.broadcast %add3A_597 : i32 to vector<16xi32>
      %add3A_599 = arith.addi %add3A_542, %add3A_598 : vector<16xi32>
      %mul3A_600 = arith.constant 16 : i32
      %mul3A_601 = arith.muli %scan3A_526, %mul3A_600 : i32
      %add3A_602 = arith.constant 3072 : i32
      %add3A_603 = arith.addi %add3A_602, %mul3A_601 : i32
      %swap3A_604 = arith.index_cast %add3A_603 : i32 to index
      %swap3A_605 = tpu.vector_load %arg6[%swap3A_604] {strides = array<i32>} : memref<4096xi32, #tpu.memory_space<vmem>>, vector<16xi32>,
      tpu.vector_store %arg6[%swap3A_604], %add3A_599 {strides = array<i32>} : memref<4096xi32, #tpu.memory_space<vmem>>, vector<16xi32>,
      %add3A_606 = arith.constant 1792 : i32
      %add3A_607 = vector.broadcast %add3A_606 : i32 to vector<16xi32>
      %add3A_608 = arith.addi %add3A_542, %add3A_607 : vector<16xi32>
      %mul3A_609 = arith.constant 16 : i32
      %mul3A_610 = arith.muli %scan3A_526, %mul3A_609 : i32
      %add3A_611 = arith.constant 3584 : i32
      %add3A_612 = arith.addi %add3A_611, %mul3A_610 : i32
      %swap3A_613 = arith.index_cast %add3A_612 : i32 to index
      %swap3A_614 = tpu.vector_load %arg6[%swap3A_613] {strides = array<i32>} : memref<4096xi32, #tpu.memory_space<vmem>>, vector<16xi32>,
      tpu.vector_store %arg6[%swap3A_613], %add3A_608 {strides = array<i32>} : memref<4096xi32, #tpu.memory_space<vmem>>, vector<16xi32>,
    }
    %scan3A_7 = arith.constant 32 : i32
    %dma_start3A = arith.constant 0 : i32
    %dma_start3A_8 = arith.constant 0 : i32
    %dma_start3A_9 = tpu.memref_slice %arg7[%dma_start3A, %dma_start3A_8] : memref<4096x16xf32, #tpu.memory_space<vmem>> -> memref<128x16xf32, #tpu.memory_space<vmem>>
    %dma_start3A_10 = arith.constant 0 : i32
    %dma_start3A_11 = tpu.memref_slice %arg6[%dma_start3A_10] : memref<4096xi32, #tpu.memory_space<vmem>> -> memref<128xi32, #tpu.memory_space<vmem>>
    %dma_start3A_12 = arith.constant 0 : i32
    %dma_start3A_13 = arith.constant 0 : i32
    %dma_start3A_14 = tpu.memref_slice %arg2[%dma_start3A_12, %dma_start3A_13] : memref<4194304x16xf32, #tpu.memory_space<hbm>> -> memref<4194304x16xf32, #tpu.memory_space<hbm>>
    tpu.enqueue_indirect_dma source(%dma_start3A_14 : memref<4194304x16xf32, #tpu.memory_space<hbm>>) target(%dma_start3A_9 : memref<128x16xf32, #tpu.memory_space<vmem>>) offsets(%dma_start3A_11 : memref<128xi32, #tpu.memory_space<vmem>>) semaphore(%arg11 : memref<!tpu.dma_semaphore, #tpu.memory_space<semaphore_mem>>)
    %dma_start3A_15 = arith.constant 128 : i32
    %dma_start3A_16 = arith.constant 0 : i32
    %dma_start3A_17 = tpu.memref_slice %arg7[%dma_start3A_15, %dma_start3A_16] : memref<4096x16xf32, #tpu.memory_space<vmem>> -> memref<128x16xf32, #tpu.memory_space<vmem>>
    %dma_start3A_18 = arith.constant 128 : i32
    %dma_start3A_19 = tpu.memref_slice %arg6[%dma_start3A_18] : memref<4096xi32, #tpu.memory_space<vmem>> -> memref<128xi32, #tpu.memory_space<vmem>>
    %dma_start3A_20 = arith.constant 0 : i32
    %dma_start3A_21 = arith.constant 0 : i32
    %dma_start3A_22 = tpu.memref_slice %arg2[%dma_start3A_20, %dma_start3A_21] : memref<4194304x16xf32, #tpu.memory_space<hbm>> -> memref<4194304x16xf32, #tpu.memory_space<hbm>>
    tpu.enqueue_indirect_dma source(%dma_start3A_22 : memref<4194304x16xf32, #tpu.memory_space<hbm>>) target(%dma_start3A_17 : memref<128x16xf32, #tpu.memory_space<vmem>>) offsets(%dma_start3A_19 : memref<128xi32, #tpu.memory_space<vmem>>) semaphore(%arg11 : memref<!tpu.dma_semaphore, #tpu.memory_space<semaphore_mem>>)
    %dma_start3A_23 = arith.constant 256 : i32
    %dma_start3A_24 = arith.constant 0 : i32
    %dma_start3A_25 = tpu.memref_slice %arg7[%dma_start3A_23, %dma_start3A_24] : memref<4096x16xf32, #tpu.memory_space<vmem>> -> memref<128x16xf32, #tpu.memory_space<vmem>>
    %dma_start3A_26 = arith.constant 256 : i32
    %dma_start3A_27 = tpu.memref_slice %arg6[%dma_start3A_26] : memref<4096xi32, #tpu.memory_space<vmem>> -> memref<128xi32, #tpu.memory_space<vmem>>
    %dma_start3A_28 = arith.constant 0 : i32
    %dma_start3A_29 = arith.constant 0 : i32
    %dma_start3A_30 = tpu.memref_slice %arg2[%dma_start3A_28, %dma_start3A_29] : memref<4194304x16xf32, #tpu.memory_space<hbm>> -> memref<4194304x16xf32, #tpu.memory_space<hbm>>
    tpu.enqueue_indirect_dma source(%dma_start3A_30 : memref<4194304x16xf32, #tpu.memory_space<hbm>>) target(%dma_start3A_25 : memref<128x16xf32, #tpu.memory_space<vmem>>) offsets(%dma_start3A_27 : memref<128xi32, #tpu.memory_space<vmem>>) semaphore(%arg11 : memref<!tpu.dma_semaphore, #tpu.memory_space<semaphore_mem>>)
    %dma_start3A_31 = arith.constant 384 : i32
    %dma_start3A_32 = arith.constant 0 : i32
    %dma_start3A_33 = tpu.memref_slice %arg7[%dma_start3A_31, %dma_start3A_32] : memref<4096x16xf32, #tpu.memory_space<vmem>> -> memref<128x16xf32, #tpu.memory_space<vmem>>
    %dma_start3A_34 = arith.constant 384 : i32
    %dma_start3A_35 = tpu.memref_slice %arg6[%dma_start3A_34] : memref<4096xi32, #tpu.memory_space<vmem>> -> memref<128xi32, #tpu.memory_space<vmem>>
    %dma_start3A_36 = arith.constant 0 : i32
    %dma_start3A_37 = arith.constant 0 : i32
    %dma_start3A_38 = tpu.memref_slice %arg2[%dma_start3A_36, %dma_start3A_37] : memref<4194304x16xf32, #tpu.memory_space<hbm>> -> memref<4194304x16xf32, #tpu.memory_space<hbm>>
    tpu.enqueue_indirect_dma source(%dma_start3A_38 : memref<4194304x16xf32, #tpu.memory_space<hbm>>) target(%dma_start3A_33 : memref<128x16xf32, #tpu.memory_space<vmem>>) offsets(%dma_start3A_35 : memref<128xi32, #tpu.memory_space<vmem>>) semaphore(%arg11 : memref<!tpu.dma_semaphore, #tpu.memory_space<semaphore_mem>>)
    %dma_start3A_39 = arith.constant 512 : i32
    %dma_start3A_40 = arith.constant 0 : i32
    %dma_start3A_41 = tpu.memref_slice %arg7[%dma_start3A_39, %dma_start3A_40] : memref<4096x16xf32, #tpu.memory_space<vmem>> -> memref<128x16xf32, #tpu.memory_space<vmem>>
    %dma_start3A_42 = arith.constant 512 : i32
    %dma_start3A_43 = tpu.memref_slice %arg6[%dma_start3A_42] : memref<4096xi32, #tpu.memory_space<vmem>> -> memref<128xi32, #tpu.memory_space<vmem>>
    %dma_start3A_44 = arith.constant 0 : i32
    %dma_start3A_45 = arith.constant 0 : i32
    %dma_start3A_46 = tpu.memref_slice %arg2[%dma_start3A_44, %dma_start3A_45] : memref<4194304x16xf32, #tpu.memory_space<hbm>> -> memref<4194304x16xf32, #tpu.memory_space<hbm>>
    tpu.enqueue_indirect_dma source(%dma_start3A_46 : memref<4194304x16xf32, #tpu.memory_space<hbm>>) target(%dma_start3A_41 : memref<128x16xf32, #tpu.memory_space<vmem>>) offsets(%dma_start3A_43 : memref<128xi32, #tpu.memory_space<vmem>>) semaphore(%arg11 : memref<!tpu.dma_semaphore, #tpu.memory_space<semaphore_mem>>)
    %dma_start3A_47 = arith.constant 640 : i32
    %dma_start3A_48 = arith.constant 0 : i32
    %dma_start3A_49 = tpu.memref_slice %arg7[%dma_start3A_47, %dma_start3A_48] : memref<4096x16xf32, #tpu.memory_space<vmem>> -> memref<128x16xf32, #tpu.memory_space<vmem>>
    %dma_start3A_50 = arith.constant 640 : i32
    %dma_start3A_51 = tpu.memref_slice %arg6[%dma_start3A_50] : memref<4096xi32, #tpu.memory_space<vmem>> -> memref<128xi32, #tpu.memory_space<vmem>>
    %dma_start3A_52 = arith.constant 0 : i32
    %dma_start3A_53 = arith.constant 0 : i32
    %dma_start3A_54 = tpu.memref_slice %arg2[%dma_start3A_52, %dma_start3A_53] : memref<4194304x16xf32, #tpu.memory_space<hbm>> -> memref<4194304x16xf32, #tpu.memory_space<hbm>>
    tpu.enqueue_indirect_dma source(%dma_start3A_54 : memref<4194304x16xf32, #tpu.memory_space<hbm>>) target(%dma_start3A_49 : memref<128x16xf32, #tpu.memory_space<vmem>>) offsets(%dma_start3A_51 : memref<128xi32, #tpu.memory_space<vmem>>) semaphore(%arg11 : memref<!tpu.dma_semaphore, #tpu.memory_space<semaphore_mem>>)
    %dma_start3A_55 = arith.constant 768 : i32
    %dma_start3A_56 = arith.constant 0 : i32
    %dma_start3A_57 = tpu.memref_slice %arg7[%dma_start3A_55, %dma_start3A_56] : memref<4096x16xf32, #tpu.memory_space<vmem>> -> memref<128x16xf32, #tpu.memory_space<vmem>>
    %dma_start3A_58 = arith.constant 768 : i32
    %dma_start3A_59 = tpu.memref_slice %arg6[%dma_start3A_58] : memref<4096xi32, #tpu.memory_space<vmem>> -> memref<128xi32, #tpu.memory_space<vmem>>
    %dma_start3A_60 = arith.constant 0 : i32
    %dma_start3A_61 = arith.constant 0 : i32
    %dma_start3A_62 = tpu.memref_slice %arg2[%dma_start3A_60, %dma_start3A_61] : memref<4194304x16xf32, #tpu.memory_space<hbm>> -> memref<4194304x16xf32, #tpu.memory_space<hbm>>
    tpu.enqueue_indirect_dma source(%dma_start3A_62 : memref<4194304x16xf32, #tpu.memory_space<hbm>>) target(%dma_start3A_57 : memref<128x16xf32, #tpu.memory_space<vmem>>) offsets(%dma_start3A_59 : memref<128xi32, #tpu.memory_space<vmem>>) semaphore(%arg11 : memref<!tpu.dma_semaphore, #tpu.memory_space<semaphore_mem>>)
    %dma_start3A_63 = arith.constant 896 : i32
    %dma_start3A_64 = arith.constant 0 : i32
    %dma_start3A_65 = tpu.memref_slice %arg7[%dma_start3A_63, %dma_start3A_64] : memref<4096x16xf32, #tpu.memory_space<vmem>> -> memref<128x16xf32, #tpu.memory_space<vmem>>
    %dma_start3A_66 = arith.constant 896 : i32
    %dma_start3A_67 = tpu.memref_slice %arg6[%dma_start3A_66] : memref<4096xi32, #tpu.memory_space<vmem>> -> memref<128xi32, #tpu.memory_space<vmem>>
    %dma_start3A_68 = arith.constant 0 : i32
    %dma_start3A_69 = arith.constant 0 : i32
    %dma_start3A_70 = tpu.memref_slice %arg2[%dma_start3A_68, %dma_start3A_69] : memref<4194304x16xf32, #tpu.memory_space<hbm>> -> memref<4194304x16xf32, #tpu.memory_space<hbm>>
    tpu.enqueue_indirect_dma source(%dma_start3A_70 : memref<4194304x16xf32, #tpu.memory_space<hbm>>) target(%dma_start3A_65 : memref<128x16xf32, #tpu.memory_space<vmem>>) offsets(%dma_start3A_67 : memref<128xi32, #tpu.memory_space<vmem>>) semaphore(%arg11 : memref<!tpu.dma_semaphore, #tpu.memory_space<semaphore_mem>>)
    %dma_start3A_71 = arith.constant 1024 : i32
    %dma_start3A_72 = arith.constant 0 : i32
    %dma_start3A_73 = tpu.memref_slice %arg7[%dma_start3A_71, %dma_start3A_72] : memref<4096x16xf32, #tpu.memory_space<vmem>> -> memref<128x16xf32, #tpu.memory_space<vmem>>
    %dma_start3A_74 = arith.constant 1024 : i32
    %dma_start3A_75 = tpu.memref_slice %arg6[%dma_start3A_74] : memref<4096xi32, #tpu.memory_space<vmem>> -> memref<128xi32, #tpu.memory_space<vmem>>
    %dma_start3A_76 = arith.constant 0 : i32
    %dma_start3A_77 = arith.constant 0 : i32
    %dma_start3A_78 = tpu.memref_slice %arg2[%dma_start3A_76, %dma_start3A_77] : memref<4194304x16xf32, #tpu.memory_space<hbm>> -> memref<4194304x16xf32, #tpu.memory_space<hbm>>
    tpu.enqueue_indirect_dma source(%dma_start3A_78 : memref<4194304x16xf32, #tpu.memory_space<hbm>>) target(%dma_start3A_73 : memref<128x16xf32, #tpu.memory_space<vmem>>) offsets(%dma_start3A_75 : memref<128xi32, #tpu.memory_space<vmem>>) semaphore(%arg11 : memref<!tpu.dma_semaphore, #tpu.memory_space<semaphore_mem>>)
    %dma_start3A_79 = arith.constant 1152 : i32
    %dma_start3A_80 = arith.constant 0 : i32
    %dma_start3A_81 = tpu.memref_slice %arg7[%dma_start3A_79, %dma_start3A_80] : memref<4096x16xf32, #tpu.memory_space<vmem>> -> memref<128x16xf32, #tpu.memory_space<vmem>>
    %dma_start3A_82 = arith.constant 1152 : i32
    %dma_start3A_83 = tpu.memref_slice %arg6[%dma_start3A_82] : memref<4096xi32, #tpu.memory_space<vmem>> -> memref<128xi32, #tpu.memory_space<vmem>>
    %dma_start3A_84 = arith.constant 0 : i32
    %dma_start3A_85 = arith.constant 0 : i32
    %dma_start3A_86 = tpu.memref_slice %arg2[%dma_start3A_84, %dma_start3A_85] : memref<4194304x16xf32, #tpu.memory_space<hbm>> -> memref<4194304x16xf32, #tpu.memory_space<hbm>>
    tpu.enqueue_indirect_dma source(%dma_start3A_86 : memref<4194304x16xf32, #tpu.memory_space<hbm>>) target(%dma_start3A_81 : memref<128x16xf32, #tpu.memory_space<vmem>>) offsets(%dma_start3A_83 : memref<128xi32, #tpu.memory_space<vmem>>) semaphore(%arg11 : memref<!tpu.dma_semaphore, #tpu.memory_space<semaphore_mem>>)
    %dma_start3A_87 = arith.constant 1280 : i32
    %dma_start3A_88 = arith.constant 0 : i32
    %dma_start3A_89 = tpu.memref_slice %arg7[%dma_start3A_87, %dma_start3A_88] : memref<4096x16xf32, #tpu.memory_space<vmem>> -> memref<128x16xf32, #tpu.memory_space<vmem>>
    %dma_start3A_90 = arith.constant 1280 : i32
    %dma_start3A_91 = tpu.memref_slice %arg6[%dma_start3A_90] : memref<4096xi32, #tpu.memory_space<vmem>> -> memref<128xi32, #tpu.memory_space<vmem>>
    %dma_start3A_92 = arith.constant 0 : i32
    %dma_start3A_93 = arith.constant 0 : i32
    %dma_start3A_94 = tpu.memref_slice %arg2[%dma_start3A_92, %dma_start3A_93] : memref<4194304x16xf32, #tpu.memory_space<hbm>> -> memref<4194304x16xf32, #tpu.memory_space<hbm>>
    tpu.enqueue_indirect_dma source(%dma_start3A_94 : memref<4194304x16xf32, #tpu.memory_space<hbm>>) target(%dma_start3A_89 : memref<128x16xf32, #tpu.memory_space<vmem>>) offsets(%dma_start3A_91 : memref<128xi32, #tpu.memory_space<vmem>>) semaphore(%arg11 : memref<!tpu.dma_semaphore, #tpu.memory_space<semaphore_mem>>)
    %dma_start3A_95 = arith.constant 1408 : i32
    %dma_start3A_96 = arith.constant 0 : i32
    %dma_start3A_97 = tpu.memref_slice %arg7[%dma_start3A_95, %dma_start3A_96] : memref<4096x16xf32, #tpu.memory_space<vmem>> -> memref<128x16xf32, #tpu.memory_space<vmem>>
    %dma_start3A_98 = arith.constant 1408 : i32
    %dma_start3A_99 = tpu.memref_slice %arg6[%dma_start3A_98] : memref<4096xi32, #tpu.memory_space<vmem>> -> memref<128xi32, #tpu.memory_space<vmem>>
    %dma_start3A_100 = arith.constant 0 : i32
    %dma_start3A_101 = arith.constant 0 : i32
    %dma_start3A_102 = tpu.memref_slice %arg2[%dma_start3A_100, %dma_start3A_101] : memref<4194304x16xf32, #tpu.memory_space<hbm>> -> memref<4194304x16xf32, #tpu.memory_space<hbm>>
    tpu.enqueue_indirect_dma source(%dma_start3A_102 : memref<4194304x16xf32, #tpu.memory_space<hbm>>) target(%dma_start3A_97 : memref<128x16xf32, #tpu.memory_space<vmem>>) offsets(%dma_start3A_99 : memref<128xi32, #tpu.memory_space<vmem>>) semaphore(%arg11 : memref<!tpu.dma_semaphore, #tpu.memory_space<semaphore_mem>>)
    %dma_start3A_103 = arith.constant 1536 : i32
    %dma_start3A_104 = arith.constant 0 : i32
    %dma_start3A_105 = tpu.memref_slice %arg7[%dma_start3A_103, %dma_start3A_104] : memref<4096x16xf32, #tpu.memory_space<vmem>> -> memref<128x16xf32, #tpu.memory_space<vmem>>
    %dma_start3A_106 = arith.constant 1536 : i32
    %dma_start3A_107 = tpu.memref_slice %arg6[%dma_start3A_106] : memref<4096xi32, #tpu.memory_space<vmem>> -> memref<128xi32, #tpu.memory_space<vmem>>
    %dma_start3A_108 = arith.constant 0 : i32
    %dma_start3A_109 = arith.constant 0 : i32
    %dma_start3A_110 = tpu.memref_slice %arg2[%dma_start3A_108, %dma_start3A_109] : memref<4194304x16xf32, #tpu.memory_space<hbm>> -> memref<4194304x16xf32, #tpu.memory_space<hbm>>
    tpu.enqueue_indirect_dma source(%dma_start3A_110 : memref<4194304x16xf32, #tpu.memory_space<hbm>>) target(%dma_start3A_105 : memref<128x16xf32, #tpu.memory_space<vmem>>) offsets(%dma_start3A_107 : memref<128xi32, #tpu.memory_space<vmem>>) semaphore(%arg11 : memref<!tpu.dma_semaphore, #tpu.memory_space<semaphore_mem>>)
    %dma_start3A_111 = arith.constant 1664 : i32
    %dma_start3A_112 = arith.constant 0 : i32
    %dma_start3A_113 = tpu.memref_slice %arg7[%dma_start3A_111, %dma_start3A_112] : memref<4096x16xf32, #tpu.memory_space<vmem>> -> memref<128x16xf32, #tpu.memory_space<vmem>>
    %dma_start3A_114 = arith.constant 1664 : i32
    %dma_start3A_115 = tpu.memref_slice %arg6[%dma_start3A_114] : memref<4096xi32, #tpu.memory_space<vmem>> -> memref<128xi32, #tpu.memory_space<vmem>>
    %dma_start3A_116 = arith.constant 0 : i32
    %dma_start3A_117 = arith.constant 0 : i32
    %dma_start3A_118 = tpu.memref_slice %arg2[%dma_start3A_116, %dma_start3A_117] : memref<4194304x16xf32, #tpu.memory_space<hbm>> -> memref<4194304x16xf32, #tpu.memory_space<hbm>>
    tpu.enqueue_indirect_dma source(%dma_start3A_118 : memref<4194304x16xf32, #tpu.memory_space<hbm>>) target(%dma_start3A_113 : memref<128x16xf32, #tpu.memory_space<vmem>>) offsets(%dma_start3A_115 : memref<128xi32, #tpu.memory_space<vmem>>) semaphore(%arg11 : memref<!tpu.dma_semaphore, #tpu.memory_space<semaphore_mem>>)
    %dma_start3A_119 = arith.constant 1792 : i32
    %dma_start3A_120 = arith.constant 0 : i32
    %dma_start3A_121 = tpu.memref_slice %arg7[%dma_start3A_119, %dma_start3A_120] : memref<4096x16xf32, #tpu.memory_space<vmem>> -> memref<128x16xf32, #tpu.memory_space<vmem>>
    %dma_start3A_122 = arith.constant 1792 : i32
    %dma_start3A_123 = tpu.memref_slice %arg6[%dma_start3A_122] : memref<4096xi32, #tpu.memory_space<vmem>> -> memref<128xi32, #tpu.memory_space<vmem>>
    %dma_start3A_124 = arith.constant 0 : i32
    %dma_start3A_125 = arith.constant 0 : i32
    %dma_start3A_126 = tpu.memref_slice %arg2[%dma_start3A_124, %dma_start3A_125] : memref<4194304x16xf32, #tpu.memory_space<hbm>> -> memref<4194304x16xf32, #tpu.memory_space<hbm>>
    tpu.enqueue_indirect_dma source(%dma_start3A_126 : memref<4194304x16xf32, #tpu.memory_space<hbm>>) target(%dma_start3A_121 : memref<128x16xf32, #tpu.memory_space<vmem>>) offsets(%dma_start3A_123 : memref<128xi32, #tpu.memory_space<vmem>>) semaphore(%arg11 : memref<!tpu.dma_semaphore, #tpu.memory_space<semaphore_mem>>)
    %dma_start3A_127 = arith.constant 1920 : i32
    %dma_start3A_128 = arith.constant 0 : i32
    %dma_start3A_129 = tpu.memref_slice %arg7[%dma_start3A_127, %dma_start3A_128] : memref<4096x16xf32, #tpu.memory_space<vmem>> -> memref<128x16xf32, #tpu.memory_space<vmem>>
    %dma_start3A_130 = arith.constant 1920 : i32
    %dma_start3A_131 = tpu.memref_slice %arg6[%dma_start3A_130] : memref<4096xi32, #tpu.memory_space<vmem>> -> memref<128xi32, #tpu.memory_space<vmem>>
    %dma_start3A_132 = arith.constant 0 : i32
    %dma_start3A_133 = arith.constant 0 : i32
    %dma_start3A_134 = tpu.memref_slice %arg2[%dma_start3A_132, %dma_start3A_133] : memref<4194304x16xf32, #tpu.memory_space<hbm>> -> memref<4194304x16xf32, #tpu.memory_space<hbm>>
    tpu.enqueue_indirect_dma source(%dma_start3A_134 : memref<4194304x16xf32, #tpu.memory_space<hbm>>) target(%dma_start3A_129 : memref<128x16xf32, #tpu.memory_space<vmem>>) offsets(%dma_start3A_131 : memref<128xi32, #tpu.memory_space<vmem>>) semaphore(%arg11 : memref<!tpu.dma_semaphore, #tpu.memory_space<semaphore_mem>>)
    %dma_start3A_135 = arith.constant 2048 : i32
    %dma_start3A_136 = arith.constant 0 : i32
    %dma_start3A_137 = tpu.memref_slice %arg7[%dma_start3A_135, %dma_start3A_136] : memref<4096x16xf32, #tpu.memory_space<vmem>> -> memref<128x16xf32, #tpu.memory_space<vmem>>
    %dma_start3A_138 = arith.constant 2048 : i32
    %dma_start3A_139 = tpu.memref_slice %arg6[%dma_start3A_138] : memref<4096xi32, #tpu.memory_space<vmem>> -> memref<128xi32, #tpu.memory_space<vmem>>
    %dma_start3A_140 = arith.constant 0 : i32
    %dma_start3A_141 = arith.constant 0 : i32
    %dma_start3A_142 = tpu.memref_slice %arg2[%dma_start3A_140, %dma_start3A_141] : memref<4194304x16xf32, #tpu.memory_space<hbm>> -> memref<4194304x16xf32, #tpu.memory_space<hbm>>
    tpu.enqueue_indirect_dma source(%dma_start3A_142 : memref<4194304x16xf32, #tpu.memory_space<hbm>>) target(%dma_start3A_137 : memref<128x16xf32, #tpu.memory_space<vmem>>) offsets(%dma_start3A_139 : memref<128xi32, #tpu.memory_space<vmem>>) semaphore(%arg11 : memref<!tpu.dma_semaphore, #tpu.memory_space<semaphore_mem>>)
    %dma_start3A_143 = arith.constant 2176 : i32
    %dma_start3A_144 = arith.constant 0 : i32
    %dma_start3A_145 = tpu.memref_slice %arg7[%dma_start3A_143, %dma_start3A_144] : memref<4096x16xf32, #tpu.memory_space<vmem>> -> memref<128x16xf32, #tpu.memory_space<vmem>>
    %dma_start3A_146 = arith.constant 2176 : i32
    %dma_start3A_147 = tpu.memref_slice %arg6[%dma_start3A_146] : memref<4096xi32, #tpu.memory_space<vmem>> -> memref<128xi32, #tpu.memory_space<vmem>>
    %dma_start3A_148 = arith.constant 0 : i32
    %dma_start3A_149 = arith.constant 0 : i32
    %dma_start3A_150 = tpu.memref_slice %arg2[%dma_start3A_148, %dma_start3A_149] : memref<4194304x16xf32, #tpu.memory_space<hbm>> -> memref<4194304x16xf32, #tpu.memory_space<hbm>>
    tpu.enqueue_indirect_dma source(%dma_start3A_150 : memref<4194304x16xf32, #tpu.memory_space<hbm>>) target(%dma_start3A_145 : memref<128x16xf32, #tpu.memory_space<vmem>>) offsets(%dma_start3A_147 : memref<128xi32, #tpu.memory_space<vmem>>) semaphore(%arg11 : memref<!tpu.dma_semaphore, #tpu.memory_space<semaphore_mem>>)
    %dma_start3A_151 = arith.constant 2304 : i32
    %dma_start3A_152 = arith.constant 0 : i32
    %dma_start3A_153 = tpu.memref_slice %arg7[%dma_start3A_151, %dma_start3A_152] : memref<4096x16xf32, #tpu.memory_space<vmem>> -> memref<128x16xf32, #tpu.memory_space<vmem>>
    %dma_start3A_154 = arith.constant 2304 : i32
    %dma_start3A_155 = tpu.memref_slice %arg6[%dma_start3A_154] : memref<4096xi32, #tpu.memory_space<vmem>> -> memref<128xi32, #tpu.memory_space<vmem>>
    %dma_start3A_156 = arith.constant 0 : i32
    %dma_start3A_157 = arith.constant 0 : i32
    %dma_start3A_158 = tpu.memref_slice %arg2[%dma_start3A_156, %dma_start3A_157] : memref<4194304x16xf32, #tpu.memory_space<hbm>> -> memref<4194304x16xf32, #tpu.memory_space<hbm>>
    tpu.enqueue_indirect_dma source(%dma_start3A_158 : memref<4194304x16xf32, #tpu.memory_space<hbm>>) target(%dma_start3A_153 : memref<128x16xf32, #tpu.memory_space<vmem>>) offsets(%dma_start3A_155 : memref<128xi32, #tpu.memory_space<vmem>>) semaphore(%arg11 : memref<!tpu.dma_semaphore, #tpu.memory_space<semaphore_mem>>)
    %dma_start3A_159 = arith.constant 2432 : i32
    %dma_start3A_160 = arith.constant 0 : i32
    %dma_start3A_161 = tpu.memref_slice %arg7[%dma_start3A_159, %dma_start3A_160] : memref<4096x16xf32, #tpu.memory_space<vmem>> -> memref<128x16xf32, #tpu.memory_space<vmem>>
    %dma_start3A_162 = arith.constant 2432 : i32
    %dma_start3A_163 = tpu.memref_slice %arg6[%dma_start3A_162] : memref<4096xi32, #tpu.memory_space<vmem>> -> memref<128xi32, #tpu.memory_space<vmem>>
    %dma_start3A_164 = arith.constant 0 : i32
    %dma_start3A_165 = arith.constant 0 : i32
    %dma_start3A_166 = tpu.memref_slice %arg2[%dma_start3A_164, %dma_start3A_165] : memref<4194304x16xf32, #tpu.memory_space<hbm>> -> memref<4194304x16xf32, #tpu.memory_space<hbm>>
    tpu.enqueue_indirect_dma source(%dma_start3A_166 : memref<4194304x16xf32, #tpu.memory_space<hbm>>) target(%dma_start3A_161 : memref<128x16xf32, #tpu.memory_space<vmem>>) offsets(%dma_start3A_163 : memref<128xi32, #tpu.memory_space<vmem>>) semaphore(%arg11 : memref<!tpu.dma_semaphore, #tpu.memory_space<semaphore_mem>>)
    %dma_start3A_167 = arith.constant 2560 : i32
    %dma_start3A_168 = arith.constant 0 : i32
    %dma_start3A_169 = tpu.memref_slice %arg7[%dma_start3A_167, %dma_start3A_168] : memref<4096x16xf32, #tpu.memory_space<vmem>> -> memref<128x16xf32, #tpu.memory_space<vmem>>
    %dma_start3A_170 = arith.constant 2560 : i32
    %dma_start3A_171 = tpu.memref_slice %arg6[%dma_start3A_170] : memref<4096xi32, #tpu.memory_space<vmem>> -> memref<128xi32, #tpu.memory_space<vmem>>
    %dma_start3A_172 = arith.constant 0 : i32
    %dma_start3A_173 = arith.constant 0 : i32
    %dma_start3A_174 = tpu.memref_slice %arg2[%dma_start3A_172, %dma_start3A_173] : memref<4194304x16xf32, #tpu.memory_space<hbm>> -> memref<4194304x16xf32, #tpu.memory_space<hbm>>
    tpu.enqueue_indirect_dma source(%dma_start3A_174 : memref<4194304x16xf32, #tpu.memory_space<hbm>>) target(%dma_start3A_169 : memref<128x16xf32, #tpu.memory_space<vmem>>) offsets(%dma_start3A_171 : memref<128xi32, #tpu.memory_space<vmem>>) semaphore(%arg11 : memref<!tpu.dma_semaphore, #tpu.memory_space<semaphore_mem>>)
    %dma_start3A_175 = arith.constant 2688 : i32
    %dma_start3A_176 = arith.constant 0 : i32
    %dma_start3A_177 = tpu.memref_slice %arg7[%dma_start3A_175, %dma_start3A_176] : memref<4096x16xf32, #tpu.memory_space<vmem>> -> memref<128x16xf32, #tpu.memory_space<vmem>>
    %dma_start3A_178 = arith.constant 2688 : i32
    %dma_start3A_179 = tpu.memref_slice %arg6[%dma_start3A_178] : memref<4096xi32, #tpu.memory_space<vmem>> -> memref<128xi32, #tpu.memory_space<vmem>>
    %dma_start3A_180 = arith.constant 0 : i32
    %dma_start3A_181 = arith.constant 0 : i32
    %dma_start3A_182 = tpu.memref_slice %arg2[%dma_start3A_180, %dma_start3A_181] : memref<4194304x16xf32, #tpu.memory_space<hbm>> -> memref<4194304x16xf32, #tpu.memory_space<hbm>>
    tpu.enqueue_indirect_dma source(%dma_start3A_182 : memref<4194304x16xf32, #tpu.memory_space<hbm>>) target(%dma_start3A_177 : memref<128x16xf32, #tpu.memory_space<vmem>>) offsets(%dma_start3A_179 : memref<128xi32, #tpu.memory_space<vmem>>) semaphore(%arg11 : memref<!tpu.dma_semaphore, #tpu.memory_space<semaphore_mem>>)
    %dma_start3A_183 = arith.constant 2816 : i32
    %dma_start3A_184 = arith.constant 0 : i32
    %dma_start3A_185 = tpu.memref_slice %arg7[%dma_start3A_183, %dma_start3A_184] : memref<4096x16xf32, #tpu.memory_space<vmem>> -> memref<128x16xf32, #tpu.memory_space<vmem>>
    %dma_start3A_186 = arith.constant 2816 : i32
    %dma_start3A_187 = tpu.memref_slice %arg6[%dma_start3A_186] : memref<4096xi32, #tpu.memory_space<vmem>> -> memref<128xi32, #tpu.memory_space<vmem>>
    %dma_start3A_188 = arith.constant 0 : i32
    %dma_start3A_189 = arith.constant 0 : i32
    %dma_start3A_190 = tpu.memref_slice %arg2[%dma_start3A_188, %dma_start3A_189] : memref<4194304x16xf32, #tpu.memory_space<hbm>> -> memref<4194304x16xf32, #tpu.memory_space<hbm>>
    tpu.enqueue_indirect_dma source(%dma_start3A_190 : memref<4194304x16xf32, #tpu.memory_space<hbm>>) target(%dma_start3A_185 : memref<128x16xf32, #tpu.memory_space<vmem>>) offsets(%dma_start3A_187 : memref<128xi32, #tpu.memory_space<vmem>>) semaphore(%arg11 : memref<!tpu.dma_semaphore, #tpu.memory_space<semaphore_mem>>)
    %dma_start3A_191 = arith.constant 2944 : i32
    %dma_start3A_192 = arith.constant 0 : i32
    %dma_start3A_193 = tpu.memref_slice %arg7[%dma_start3A_191, %dma_start3A_192] : memref<4096x16xf32, #tpu.memory_space<vmem>> -> memref<128x16xf32, #tpu.memory_space<vmem>>
    %dma_start3A_194 = arith.constant 2944 : i32
    %dma_start3A_195 = tpu.memref_slice %arg6[%dma_start3A_194] : memref<4096xi32, #tpu.memory_space<vmem>> -> memref<128xi32, #tpu.memory_space<vmem>>
    %dma_start3A_196 = arith.constant 0 : i32
    %dma_start3A_197 = arith.constant 0 : i32
    %dma_start3A_198 = tpu.memref_slice %arg2[%dma_start3A_196, %dma_start3A_197] : memref<4194304x16xf32, #tpu.memory_space<hbm>> -> memref<4194304x16xf32, #tpu.memory_space<hbm>>
    tpu.enqueue_indirect_dma source(%dma_start3A_198 : memref<4194304x16xf32, #tpu.memory_space<hbm>>) target(%dma_start3A_193 : memref<128x16xf32, #tpu.memory_space<vmem>>) offsets(%dma_start3A_195 : memref<128xi32, #tpu.memory_space<vmem>>) semaphore(%arg11 : memref<!tpu.dma_semaphore, #tpu.memory_space<semaphore_mem>>)
    %dma_start3A_199 = arith.constant 3072 : i32
    %dma_start3A_200 = arith.constant 0 : i32
    %dma_start3A_201 = tpu.memref_slice %arg7[%dma_start3A_199, %dma_start3A_200] : memref<4096x16xf32, #tpu.memory_space<vmem>> -> memref<128x16xf32, #tpu.memory_space<vmem>>
    %dma_start3A_202 = arith.constant 3072 : i32
    %dma_start3A_203 = tpu.memref_slice %arg6[%dma_start3A_202] : memref<4096xi32, #tpu.memory_space<vmem>> -> memref<128xi32, #tpu.memory_space<vmem>>
    %dma_start3A_204 = arith.constant 0 : i32
    %dma_start3A_205 = arith.constant 0 : i32
    %dma_start3A_206 = tpu.memref_slice %arg2[%dma_start3A_204, %dma_start3A_205] : memref<4194304x16xf32, #tpu.memory_space<hbm>> -> memref<4194304x16xf32, #tpu.memory_space<hbm>>
    tpu.enqueue_indirect_dma source(%dma_start3A_206 : memref<4194304x16xf32, #tpu.memory_space<hbm>>) target(%dma_start3A_201 : memref<128x16xf32, #tpu.memory_space<vmem>>) offsets(%dma_start3A_203 : memref<128xi32, #tpu.memory_space<vmem>>) semaphore(%arg11 : memref<!tpu.dma_semaphore, #tpu.memory_space<semaphore_mem>>)
    %dma_start3A_207 = arith.constant 3200 : i32
    %dma_start3A_208 = arith.constant 0 : i32
    %dma_start3A_209 = tpu.memref_slice %arg7[%dma_start3A_207, %dma_start3A_208] : memref<4096x16xf32, #tpu.memory_space<vmem>> -> memref<128x16xf32, #tpu.memory_space<vmem>>
    %dma_start3A_210 = arith.constant 3200 : i32
    %dma_start3A_211 = tpu.memref_slice %arg6[%dma_start3A_210] : memref<4096xi32, #tpu.memory_space<vmem>> -> memref<128xi32, #tpu.memory_space<vmem>>
    %dma_start3A_212 = arith.constant 0 : i32
    %dma_start3A_213 = arith.constant 0 : i32
    %dma_start3A_214 = tpu.memref_slice %arg2[%dma_start3A_212, %dma_start3A_213] : memref<4194304x16xf32, #tpu.memory_space<hbm>> -> memref<4194304x16xf32, #tpu.memory_space<hbm>>
    tpu.enqueue_indirect_dma source(%dma_start3A_214 : memref<4194304x16xf32, #tpu.memory_space<hbm>>) target(%dma_start3A_209 : memref<128x16xf32, #tpu.memory_space<vmem>>) offsets(%dma_start3A_211 : memref<128xi32, #tpu.memory_space<vmem>>) semaphore(%arg11 : memref<!tpu.dma_semaphore, #tpu.memory_space<semaphore_mem>>)
    %dma_start3A_215 = arith.constant 3328 : i32
    %dma_start3A_216 = arith.constant 0 : i32
    %dma_start3A_217 = tpu.memref_slice %arg7[%dma_start3A_215, %dma_start3A_216] : memref<4096x16xf32, #tpu.memory_space<vmem>> -> memref<128x16xf32, #tpu.memory_space<vmem>>
    %dma_start3A_218 = arith.constant 3328 : i32
    %dma_start3A_219 = tpu.memref_slice %arg6[%dma_start3A_218] : memref<4096xi32, #tpu.memory_space<vmem>> -> memref<128xi32, #tpu.memory_space<vmem>>
    %dma_start3A_220 = arith.constant 0 : i32
    %dma_start3A_221 = arith.constant 0 : i32
    %dma_start3A_222 = tpu.memref_slice %arg2[%dma_start3A_220, %dma_start3A_221] : memref<4194304x16xf32, #tpu.memory_space<hbm>> -> memref<4194304x16xf32, #tpu.memory_space<hbm>>
    tpu.enqueue_indirect_dma source(%dma_start3A_222 : memref<4194304x16xf32, #tpu.memory_space<hbm>>) target(%dma_start3A_217 : memref<128x16xf32, #tpu.memory_space<vmem>>) offsets(%dma_start3A_219 : memref<128xi32, #tpu.memory_space<vmem>>) semaphore(%arg11 : memref<!tpu.dma_semaphore, #tpu.memory_space<semaphore_mem>>)
    %dma_start3A_223 = arith.constant 3456 : i32
    %dma_start3A_224 = arith.constant 0 : i32
    %dma_start3A_225 = tpu.memref_slice %arg7[%dma_start3A_223, %dma_start3A_224] : memref<4096x16xf32, #tpu.memory_space<vmem>> -> memref<128x16xf32, #tpu.memory_space<vmem>>
    %dma_start3A_226 = arith.constant 3456 : i32
    %dma_start3A_227 = tpu.memref_slice %arg6[%dma_start3A_226] : memref<4096xi32, #tpu.memory_space<vmem>> -> memref<128xi32, #tpu.memory_space<vmem>>
    %dma_start3A_228 = arith.constant 0 : i32
    %dma_start3A_229 = arith.constant 0 : i32
    %dma_start3A_230 = tpu.memref_slice %arg2[%dma_start3A_228, %dma_start3A_229] : memref<4194304x16xf32, #tpu.memory_space<hbm>> -> memref<4194304x16xf32, #tpu.memory_space<hbm>>
    tpu.enqueue_indirect_dma source(%dma_start3A_230 : memref<4194304x16xf32, #tpu.memory_space<hbm>>) target(%dma_start3A_225 : memref<128x16xf32, #tpu.memory_space<vmem>>) offsets(%dma_start3A_227 : memref<128xi32, #tpu.memory_space<vmem>>) semaphore(%arg11 : memref<!tpu.dma_semaphore, #tpu.memory_space<semaphore_mem>>)
    %dma_start3A_231 = arith.constant 3584 : i32
    %dma_start3A_232 = arith.constant 0 : i32
    %dma_start3A_233 = tpu.memref_slice %arg7[%dma_start3A_231, %dma_start3A_232] : memref<4096x16xf32, #tpu.memory_space<vmem>> -> memref<128x16xf32, #tpu.memory_space<vmem>>
    %dma_start3A_234 = arith.constant 3584 : i32
    %dma_start3A_235 = tpu.memref_slice %arg6[%dma_start3A_234] : memref<4096xi32, #tpu.memory_space<vmem>> -> memref<128xi32, #tpu.memory_space<vmem>>
    %dma_start3A_236 = arith.constant 0 : i32
    %dma_start3A_237 = arith.constant 0 : i32
    %dma_start3A_238 = tpu.memref_slice %arg2[%dma_start3A_236, %dma_start3A_237] : memref<4194304x16xf32, #tpu.memory_space<hbm>> -> memref<4194304x16xf32, #tpu.memory_space<hbm>>
    tpu.enqueue_indirect_dma source(%dma_start3A_238 : memref<4194304x16xf32, #tpu.memory_space<hbm>>) target(%dma_start3A_233 : memref<128x16xf32, #tpu.memory_space<vmem>>) offsets(%dma_start3A_235 : memref<128xi32, #tpu.memory_space<vmem>>) semaphore(%arg11 : memref<!tpu.dma_semaphore, #tpu.memory_space<semaphore_mem>>)
    %dma_start3A_239 = arith.constant 3712 : i32
    %dma_start3A_240 = arith.constant 0 : i32
    %dma_start3A_241 = tpu.memref_slice %arg7[%dma_start3A_239, %dma_start3A_240] : memref<4096x16xf32, #tpu.memory_space<vmem>> -> memref<128x16xf32, #tpu.memory_space<vmem>>
    %dma_start3A_242 = arith.constant 3712 : i32
    %dma_start3A_243 = tpu.memref_slice %arg6[%dma_start3A_242] : memref<4096xi32, #tpu.memory_space<vmem>> -> memref<128xi32, #tpu.memory_space<vmem>>
    %dma_start3A_244 = arith.constant 0 : i32
    %dma_start3A_245 = arith.constant 0 : i32
    %dma_start3A_246 = tpu.memref_slice %arg2[%dma_start3A_244, %dma_start3A_245] : memref<4194304x16xf32, #tpu.memory_space<hbm>> -> memref<4194304x16xf32, #tpu.memory_space<hbm>>
    tpu.enqueue_indirect_dma source(%dma_start3A_246 : memref<4194304x16xf32, #tpu.memory_space<hbm>>) target(%dma_start3A_241 : memref<128x16xf32, #tpu.memory_space<vmem>>) offsets(%dma_start3A_243 : memref<128xi32, #tpu.memory_space<vmem>>) semaphore(%arg11 : memref<!tpu.dma_semaphore, #tpu.memory_space<semaphore_mem>>)
    %dma_start3A_247 = arith.constant 3840 : i32
    %dma_start3A_248 = arith.constant 0 : i32
    %dma_start3A_249 = tpu.memref_slice %arg7[%dma_start3A_247, %dma_start3A_248] : memref<4096x16xf32, #tpu.memory_space<vmem>> -> memref<128x16xf32, #tpu.memory_space<vmem>>
    %dma_start3A_250 = arith.constant 3840 : i32
    %dma_start3A_251 = tpu.memref_slice %arg6[%dma_start3A_250] : memref<4096xi32, #tpu.memory_space<vmem>> -> memref<128xi32, #tpu.memory_space<vmem>>
    %dma_start3A_252 = arith.constant 0 : i32
    %dma_start3A_253 = arith.constant 0 : i32
    %dma_start3A_254 = tpu.memref_slice %arg2[%dma_start3A_252, %dma_start3A_253] : memref<4194304x16xf32, #tpu.memory_space<hbm>> -> memref<4194304x16xf32, #tpu.memory_space<hbm>>
    tpu.enqueue_indirect_dma source(%dma_start3A_254 : memref<4194304x16xf32, #tpu.memory_space<hbm>>) target(%dma_start3A_249 : memref<128x16xf32, #tpu.memory_space<vmem>>) offsets(%dma_start3A_251 : memref<128xi32, #tpu.memory_space<vmem>>) semaphore(%arg11 : memref<!tpu.dma_semaphore, #tpu.memory_space<semaphore_mem>>)
    %dma_start3A_255 = arith.constant 3968 : i32
    %dma_start3A_256 = arith.constant 0 : i32
    %dma_start3A_257 = tpu.memref_slice %arg7[%dma_start3A_255, %dma_start3A_256] : memref<4096x16xf32, #tpu.memory_space<vmem>> -> memref<128x16xf32, #tpu.memory_space<vmem>>
    %dma_start3A_258 = arith.constant 3968 : i32
    %dma_start3A_259 = tpu.memref_slice %arg6[%dma_start3A_258] : memref<4096xi32, #tpu.memory_space<vmem>> -> memref<128xi32, #tpu.memory_space<vmem>>
    %dma_start3A_260 = arith.constant 0 : i32
    %dma_start3A_261 = arith.constant 0 : i32
    %dma_start3A_262 = tpu.memref_slice %arg2[%dma_start3A_260, %dma_start3A_261] : memref<4194304x16xf32, #tpu.memory_space<hbm>> -> memref<4194304x16xf32, #tpu.memory_space<hbm>>
    tpu.enqueue_indirect_dma source(%dma_start3A_262 : memref<4194304x16xf32, #tpu.memory_space<hbm>>) target(%dma_start3A_257 : memref<128x16xf32, #tpu.memory_space<vmem>>) offsets(%dma_start3A_259 : memref<128xi32, #tpu.memory_space<vmem>>) semaphore(%arg11 : memref<!tpu.dma_semaphore, #tpu.memory_space<semaphore_mem>>)
    %dma_wait3A = arith.constant 0 : i32
    %dma_wait3A_263 = arith.constant 0 : i32
    %dma_wait3A_264 = tpu.memref_slice %arg7[%dma_wait3A, %dma_wait3A_263] : memref<4096x16xf32, #tpu.memory_space<vmem>> -> memref<128x16xf32, #tpu.memory_space<vmem>>
    %dma_wait3A_265 = arith.constant 0 : i32
    %dma_wait3A_266 = tpu.memref_slice %arg6[%dma_wait3A_265] : memref<4096xi32, #tpu.memory_space<vmem>> -> memref<128xi32, #tpu.memory_space<vmem>>
    %dma_wait3A_267 = arith.constant 0 : i32
    %dma_wait3A_268 = arith.constant 0 : i32
    %dma_wait3A_269 = tpu.memref_slice %arg2[%dma_wait3A_267, %dma_wait3A_268] : memref<4194304x16xf32, #tpu.memory_space<hbm>> -> memref<4194304x16xf32, #tpu.memory_space<hbm>>
    tpu.wait_indirect_dma semaphore(%arg11 : memref<!tpu.dma_semaphore, #tpu.memory_space<semaphore_mem>>) src(%dma_wait3A_269 : memref<4194304x16xf32, #tpu.memory_space<hbm>>) dst(%dma_wait3A_264 : memref<128x16xf32, #tpu.memory_space<vmem>>)
    %dma_wait3A_270 = arith.constant 128 : i32
    %dma_wait3A_271 = arith.constant 0 : i32
    %dma_wait3A_272 = tpu.memref_slice %arg7[%dma_wait3A_270, %dma_wait3A_271] : memref<4096x16xf32, #tpu.memory_space<vmem>> -> memref<128x16xf32, #tpu.memory_space<vmem>>
    %dma_wait3A_273 = arith.constant 128 : i32
    %dma_wait3A_274 = tpu.memref_slice %arg6[%dma_wait3A_273] : memref<4096xi32, #tpu.memory_space<vmem>> -> memref<128xi32, #tpu.memory_space<vmem>>
    %dma_wait3A_275 = arith.constant 0 : i32
    %dma_wait3A_276 = arith.constant 0 : i32
    %dma_wait3A_277 = tpu.memref_slice %arg2[%dma_wait3A_275, %dma_wait3A_276] : memref<4194304x16xf32, #tpu.memory_space<hbm>> -> memref<4194304x16xf32, #tpu.memory_space<hbm>>
    tpu.wait_indirect_dma semaphore(%arg11 : memref<!tpu.dma_semaphore, #tpu.memory_space<semaphore_mem>>) src(%dma_wait3A_277 : memref<4194304x16xf32, #tpu.memory_space<hbm>>) dst(%dma_wait3A_272 : memref<128x16xf32, #tpu.memory_space<vmem>>)
    %dma_wait3A_278 = arith.constant 256 : i32
    %dma_wait3A_279 = arith.constant 0 : i32
    %dma_wait3A_280 = tpu.memref_slice %arg7[%dma_wait3A_278, %dma_wait3A_279] : memref<4096x16xf32, #tpu.memory_space<vmem>> -> memref<128x16xf32, #tpu.memory_space<vmem>>
    %dma_wait3A_281 = arith.constant 256 : i32
    %dma_wait3A_282 = tpu.memref_slice %arg6[%dma_wait3A_281] : memref<4096xi32, #tpu.memory_space<vmem>> -> memref<128xi32, #tpu.memory_space<vmem>>
    %dma_wait3A_283 = arith.constant 0 : i32
    %dma_wait3A_284 = arith.constant 0 : i32
    %dma_wait3A_285 = tpu.memref_slice %arg2[%dma_wait3A_283, %dma_wait3A_284] : memref<4194304x16xf32, #tpu.memory_space<hbm>> -> memref<4194304x16xf32, #tpu.memory_space<hbm>>
    tpu.wait_indirect_dma semaphore(%arg11 : memref<!tpu.dma_semaphore, #tpu.memory_space<semaphore_mem>>) src(%dma_wait3A_285 : memref<4194304x16xf32, #tpu.memory_space<hbm>>) dst(%dma_wait3A_280 : memref<128x16xf32, #tpu.memory_space<vmem>>)
    %dma_wait3A_286 = arith.constant 384 : i32
    %dma_wait3A_287 = arith.constant 0 : i32
    %dma_wait3A_288 = tpu.memref_slice %arg7[%dma_wait3A_286, %dma_wait3A_287] : memref<4096x16xf32, #tpu.memory_space<vmem>> -> memref<128x16xf32, #tpu.memory_space<vmem>>
    %dma_wait3A_289 = arith.constant 384 : i32
    %dma_wait3A_290 = tpu.memref_slice %arg6[%dma_wait3A_289] : memref<4096xi32, #tpu.memory_space<vmem>> -> memref<128xi32, #tpu.memory_space<vmem>>
    %dma_wait3A_291 = arith.constant 0 : i32
    %dma_wait3A_292 = arith.constant 0 : i32
    %dma_wait3A_293 = tpu.memref_slice %arg2[%dma_wait3A_291, %dma_wait3A_292] : memref<4194304x16xf32, #tpu.memory_space<hbm>> -> memref<4194304x16xf32, #tpu.memory_space<hbm>>
    tpu.wait_indirect_dma semaphore(%arg11 : memref<!tpu.dma_semaphore, #tpu.memory_space<semaphore_mem>>) src(%dma_wait3A_293 : memref<4194304x16xf32, #tpu.memory_space<hbm>>) dst(%dma_wait3A_288 : memref<128x16xf32, #tpu.memory_space<vmem>>)
    %dma_wait3A_294 = arith.constant 512 : i32
    %dma_wait3A_295 = arith.constant 0 : i32
    %dma_wait3A_296 = tpu.memref_slice %arg7[%dma_wait3A_294, %dma_wait3A_295] : memref<4096x16xf32, #tpu.memory_space<vmem>> -> memref<128x16xf32, #tpu.memory_space<vmem>>
    %dma_wait3A_297 = arith.constant 512 : i32
    %dma_wait3A_298 = tpu.memref_slice %arg6[%dma_wait3A_297] : memref<4096xi32, #tpu.memory_space<vmem>> -> memref<128xi32, #tpu.memory_space<vmem>>
    %dma_wait3A_299 = arith.constant 0 : i32
    %dma_wait3A_300 = arith.constant 0 : i32
    %dma_wait3A_301 = tpu.memref_slice %arg2[%dma_wait3A_299, %dma_wait3A_300] : memref<4194304x16xf32, #tpu.memory_space<hbm>> -> memref<4194304x16xf32, #tpu.memory_space<hbm>>
    tpu.wait_indirect_dma semaphore(%arg11 : memref<!tpu.dma_semaphore, #tpu.memory_space<semaphore_mem>>) src(%dma_wait3A_301 : memref<4194304x16xf32, #tpu.memory_space<hbm>>) dst(%dma_wait3A_296 : memref<128x16xf32, #tpu.memory_space<vmem>>)
    %dma_wait3A_302 = arith.constant 640 : i32
    %dma_wait3A_303 = arith.constant 0 : i32
    %dma_wait3A_304 = tpu.memref_slice %arg7[%dma_wait3A_302, %dma_wait3A_303] : memref<4096x16xf32, #tpu.memory_space<vmem>> -> memref<128x16xf32, #tpu.memory_space<vmem>>
    %dma_wait3A_305 = arith.constant 640 : i32
    %dma_wait3A_306 = tpu.memref_slice %arg6[%dma_wait3A_305] : memref<4096xi32, #tpu.memory_space<vmem>> -> memref<128xi32, #tpu.memory_space<vmem>>
    %dma_wait3A_307 = arith.constant 0 : i32
    %dma_wait3A_308 = arith.constant 0 : i32
    %dma_wait3A_309 = tpu.memref_slice %arg2[%dma_wait3A_307, %dma_wait3A_308] : memref<4194304x16xf32, #tpu.memory_space<hbm>> -> memref<4194304x16xf32, #tpu.memory_space<hbm>>
    tpu.wait_indirect_dma semaphore(%arg11 : memref<!tpu.dma_semaphore, #tpu.memory_space<semaphore_mem>>) src(%dma_wait3A_309 : memref<4194304x16xf32, #tpu.memory_space<hbm>>) dst(%dma_wait3A_304 : memref<128x16xf32, #tpu.memory_space<vmem>>)
    %dma_wait3A_310 = arith.constant 768 : i32
    %dma_wait3A_311 = arith.constant 0 : i32
    %dma_wait3A_312 = tpu.memref_slice %arg7[%dma_wait3A_310, %dma_wait3A_311] : memref<4096x16xf32, #tpu.memory_space<vmem>> -> memref<128x16xf32, #tpu.memory_space<vmem>>
    %dma_wait3A_313 = arith.constant 768 : i32
    %dma_wait3A_314 = tpu.memref_slice %arg6[%dma_wait3A_313] : memref<4096xi32, #tpu.memory_space<vmem>> -> memref<128xi32, #tpu.memory_space<vmem>>
    %dma_wait3A_315 = arith.constant 0 : i32
    %dma_wait3A_316 = arith.constant 0 : i32
    %dma_wait3A_317 = tpu.memref_slice %arg2[%dma_wait3A_315, %dma_wait3A_316] : memref<4194304x16xf32, #tpu.memory_space<hbm>> -> memref<4194304x16xf32, #tpu.memory_space<hbm>>
    tpu.wait_indirect_dma semaphore(%arg11 : memref<!tpu.dma_semaphore, #tpu.memory_space<semaphore_mem>>) src(%dma_wait3A_317 : memref<4194304x16xf32, #tpu.memory_space<hbm>>) dst(%dma_wait3A_312 : memref<128x16xf32, #tpu.memory_space<vmem>>)
    %dma_wait3A_318 = arith.constant 896 : i32
    %dma_wait3A_319 = arith.constant 0 : i32
    %dma_wait3A_320 = tpu.memref_slice %arg7[%dma_wait3A_318, %dma_wait3A_319] : memref<4096x16xf32, #tpu.memory_space<vmem>> -> memref<128x16xf32, #tpu.memory_space<vmem>>
    %dma_wait3A_321 = arith.constant 896 : i32
    %dma_wait3A_322 = tpu.memref_slice %arg6[%dma_wait3A_321] : memref<4096xi32, #tpu.memory_space<vmem>> -> memref<128xi32, #tpu.memory_space<vmem>>
    %dma_wait3A_323 = arith.constant 0 : i32
    %dma_wait3A_324 = arith.constant 0 : i32
    %dma_wait3A_325 = tpu.memref_slice %arg2[%dma_wait3A_323, %dma_wait3A_324] : memref<4194304x16xf32, #tpu.memory_space<hbm>> -> memref<4194304x16xf32, #tpu.memory_space<hbm>>
    tpu.wait_indirect_dma semaphore(%arg11 : memref<!tpu.dma_semaphore, #tpu.memory_space<semaphore_mem>>) src(%dma_wait3A_325 : memref<4194304x16xf32, #tpu.memory_space<hbm>>) dst(%dma_wait3A_320 : memref<128x16xf32, #tpu.memory_space<vmem>>)
    %dma_wait3A_326 = arith.constant 1024 : i32
    %dma_wait3A_327 = arith.constant 0 : i32
    %dma_wait3A_328 = tpu.memref_slice %arg7[%dma_wait3A_326, %dma_wait3A_327] : memref<4096x16xf32, #tpu.memory_space<vmem>> -> memref<128x16xf32, #tpu.memory_space<vmem>>
    %dma_wait3A_329 = arith.constant 1024 : i32
    %dma_wait3A_330 = tpu.memref_slice %arg6[%dma_wait3A_329] : memref<4096xi32, #tpu.memory_space<vmem>> -> memref<128xi32, #tpu.memory_space<vmem>>
    %dma_wait3A_331 = arith.constant 0 : i32
    %dma_wait3A_332 = arith.constant 0 : i32
    %dma_wait3A_333 = tpu.memref_slice %arg2[%dma_wait3A_331, %dma_wait3A_332] : memref<4194304x16xf32, #tpu.memory_space<hbm>> -> memref<4194304x16xf32, #tpu.memory_space<hbm>>
    tpu.wait_indirect_dma semaphore(%arg11 : memref<!tpu.dma_semaphore, #tpu.memory_space<semaphore_mem>>) src(%dma_wait3A_333 : memref<4194304x16xf32, #tpu.memory_space<hbm>>) dst(%dma_wait3A_328 : memref<128x16xf32, #tpu.memory_space<vmem>>)
    %dma_wait3A_334 = arith.constant 1152 : i32
    %dma_wait3A_335 = arith.constant 0 : i32
    %dma_wait3A_336 = tpu.memref_slice %arg7[%dma_wait3A_334, %dma_wait3A_335] : memref<4096x16xf32, #tpu.memory_space<vmem>> -> memref<128x16xf32, #tpu.memory_space<vmem>>
    %dma_wait3A_337 = arith.constant 1152 : i32
    %dma_wait3A_338 = tpu.memref_slice %arg6[%dma_wait3A_337] : memref<4096xi32, #tpu.memory_space<vmem>> -> memref<128xi32, #tpu.memory_space<vmem>>
    %dma_wait3A_339 = arith.constant 0 : i32
    %dma_wait3A_340 = arith.constant 0 : i32
    %dma_wait3A_341 = tpu.memref_slice %arg2[%dma_wait3A_339, %dma_wait3A_340] : memref<4194304x16xf32, #tpu.memory_space<hbm>> -> memref<4194304x16xf32, #tpu.memory_space<hbm>>
    tpu.wait_indirect_dma semaphore(%arg11 : memref<!tpu.dma_semaphore, #tpu.memory_space<semaphore_mem>>) src(%dma_wait3A_341 : memref<4194304x16xf32, #tpu.memory_space<hbm>>) dst(%dma_wait3A_336 : memref<128x16xf32, #tpu.memory_space<vmem>>)
    %dma_wait3A_342 = arith.constant 1280 : i32
    %dma_wait3A_343 = arith.constant 0 : i32
    %dma_wait3A_344 = tpu.memref_slice %arg7[%dma_wait3A_342, %dma_wait3A_343] : memref<4096x16xf32, #tpu.memory_space<vmem>> -> memref<128x16xf32, #tpu.memory_space<vmem>>
    %dma_wait3A_345 = arith.constant 1280 : i32
    %dma_wait3A_346 = tpu.memref_slice %arg6[%dma_wait3A_345] : memref<4096xi32, #tpu.memory_space<vmem>> -> memref<128xi32, #tpu.memory_space<vmem>>
    %dma_wait3A_347 = arith.constant 0 : i32
    %dma_wait3A_348 = arith.constant 0 : i32
    %dma_wait3A_349 = tpu.memref_slice %arg2[%dma_wait3A_347, %dma_wait3A_348] : memref<4194304x16xf32, #tpu.memory_space<hbm>> -> memref<4194304x16xf32, #tpu.memory_space<hbm>>
    tpu.wait_indirect_dma semaphore(%arg11 : memref<!tpu.dma_semaphore, #tpu.memory_space<semaphore_mem>>) src(%dma_wait3A_349 : memref<4194304x16xf32, #tpu.memory_space<hbm>>) dst(%dma_wait3A_344 : memref<128x16xf32, #tpu.memory_space<vmem>>)
    %dma_wait3A_350 = arith.constant 1408 : i32
    %dma_wait3A_351 = arith.constant 0 : i32
    %dma_wait3A_352 = tpu.memref_slice %arg7[%dma_wait3A_350, %dma_wait3A_351] : memref<4096x16xf32, #tpu.memory_space<vmem>> -> memref<128x16xf32, #tpu.memory_space<vmem>>
    %dma_wait3A_353 = arith.constant 1408 : i32
    %dma_wait3A_354 = tpu.memref_slice %arg6[%dma_wait3A_353] : memref<4096xi32, #tpu.memory_space<vmem>> -> memref<128xi32, #tpu.memory_space<vmem>>
    %dma_wait3A_355 = arith.constant 0 : i32
    %dma_wait3A_356 = arith.constant 0 : i32
    %dma_wait3A_357 = tpu.memref_slice %arg2[%dma_wait3A_355, %dma_wait3A_356] : memref<4194304x16xf32, #tpu.memory_space<hbm>> -> memref<4194304x16xf32, #tpu.memory_space<hbm>>
    tpu.wait_indirect_dma semaphore(%arg11 : memref<!tpu.dma_semaphore, #tpu.memory_space<semaphore_mem>>) src(%dma_wait3A_357 : memref<4194304x16xf32, #tpu.memory_space<hbm>>) dst(%dma_wait3A_352 : memref<128x16xf32, #tpu.memory_space<vmem>>)
    %dma_wait3A_358 = arith.constant 1536 : i32
    %dma_wait3A_359 = arith.constant 0 : i32
    %dma_wait3A_360 = tpu.memref_slice %arg7[%dma_wait3A_358, %dma_wait3A_359] : memref<4096x16xf32, #tpu.memory_space<vmem>> -> memref<128x16xf32, #tpu.memory_space<vmem>>
    %dma_wait3A_361 = arith.constant 1536 : i32
    %dma_wait3A_362 = tpu.memref_slice %arg6[%dma_wait3A_361] : memref<4096xi32, #tpu.memory_space<vmem>> -> memref<128xi32, #tpu.memory_space<vmem>>
    %dma_wait3A_363 = arith.constant 0 : i32
    %dma_wait3A_364 = arith.constant 0 : i32
    %dma_wait3A_365 = tpu.memref_slice %arg2[%dma_wait3A_363, %dma_wait3A_364] : memref<4194304x16xf32, #tpu.memory_space<hbm>> -> memref<4194304x16xf32, #tpu.memory_space<hbm>>
    tpu.wait_indirect_dma semaphore(%arg11 : memref<!tpu.dma_semaphore, #tpu.memory_space<semaphore_mem>>) src(%dma_wait3A_365 : memref<4194304x16xf32, #tpu.memory_space<hbm>>) dst(%dma_wait3A_360 : memref<128x16xf32, #tpu.memory_space<vmem>>)
    %dma_wait3A_366 = arith.constant 1664 : i32
    %dma_wait3A_367 = arith.constant 0 : i32
    %dma_wait3A_368 = tpu.memref_slice %arg7[%dma_wait3A_366, %dma_wait3A_367] : memref<4096x16xf32, #tpu.memory_space<vmem>> -> memref<128x16xf32, #tpu.memory_space<vmem>>
    %dma_wait3A_369 = arith.constant 1664 : i32
    %dma_wait3A_370 = tpu.memref_slice %arg6[%dma_wait3A_369] : memref<4096xi32, #tpu.memory_space<vmem>> -> memref<128xi32, #tpu.memory_space<vmem>>
    %dma_wait3A_371 = arith.constant 0 : i32
    %dma_wait3A_372 = arith.constant 0 : i32
    %dma_wait3A_373 = tpu.memref_slice %arg2[%dma_wait3A_371, %dma_wait3A_372] : memref<4194304x16xf32, #tpu.memory_space<hbm>> -> memref<4194304x16xf32, #tpu.memory_space<hbm>>
    tpu.wait_indirect_dma semaphore(%arg11 : memref<!tpu.dma_semaphore, #tpu.memory_space<semaphore_mem>>) src(%dma_wait3A_373 : memref<4194304x16xf32, #tpu.memory_space<hbm>>) dst(%dma_wait3A_368 : memref<128x16xf32, #tpu.memory_space<vmem>>)
    %dma_wait3A_374 = arith.constant 1792 : i32
    %dma_wait3A_375 = arith.constant 0 : i32
    %dma_wait3A_376 = tpu.memref_slice %arg7[%dma_wait3A_374, %dma_wait3A_375] : memref<4096x16xf32, #tpu.memory_space<vmem>> -> memref<128x16xf32, #tpu.memory_space<vmem>>
    %dma_wait3A_377 = arith.constant 1792 : i32
    %dma_wait3A_378 = tpu.memref_slice %arg6[%dma_wait3A_377] : memref<4096xi32, #tpu.memory_space<vmem>> -> memref<128xi32, #tpu.memory_space<vmem>>
    %dma_wait3A_379 = arith.constant 0 : i32
    %dma_wait3A_380 = arith.constant 0 : i32
    %dma_wait3A_381 = tpu.memref_slice %arg2[%dma_wait3A_379, %dma_wait3A_380] : memref<4194304x16xf32, #tpu.memory_space<hbm>> -> memref<4194304x16xf32, #tpu.memory_space<hbm>>
    tpu.wait_indirect_dma semaphore(%arg11 : memref<!tpu.dma_semaphore, #tpu.memory_space<semaphore_mem>>) src(%dma_wait3A_381 : memref<4194304x16xf32, #tpu.memory_space<hbm>>) dst(%dma_wait3A_376 : memref<128x16xf32, #tpu.memory_space<vmem>>)
    %dma_wait3A_382 = arith.constant 1920 : i32
    %dma_wait3A_383 = arith.constant 0 : i32
    %dma_wait3A_384 = tpu.memref_slice %arg7[%dma_wait3A_382, %dma_wait3A_383] : memref<4096x16xf32, #tpu.memory_space<vmem>> -> memref<128x16xf32, #tpu.memory_space<vmem>>
    %dma_wait3A_385 = arith.constant 1920 : i32
    %dma_wait3A_386 = tpu.memref_slice %arg6[%dma_wait3A_385] : memref<4096xi32, #tpu.memory_space<vmem>> -> memref<128xi32, #tpu.memory_space<vmem>>
    %dma_wait3A_387 = arith.constant 0 : i32
    %dma_wait3A_388 = arith.constant 0 : i32
    %dma_wait3A_389 = tpu.memref_slice %arg2[%dma_wait3A_387, %dma_wait3A_388] : memref<4194304x16xf32, #tpu.memory_space<hbm>> -> memref<4194304x16xf32, #tpu.memory_space<hbm>>
    tpu.wait_indirect_dma semaphore(%arg11 : memref<!tpu.dma_semaphore, #tpu.memory_space<semaphore_mem>>) src(%dma_wait3A_389 : memref<4194304x16xf32, #tpu.memory_space<hbm>>) dst(%dma_wait3A_384 : memref<128x16xf32, #tpu.memory_space<vmem>>)
    %dma_wait3A_390 = arith.constant 2048 : i32
    %dma_wait3A_391 = arith.constant 0 : i32
    %dma_wait3A_392 = tpu.memref_slice %arg7[%dma_wait3A_390, %dma_wait3A_391] : memref<4096x16xf32, #tpu.memory_space<vmem>> -> memref<128x16xf32, #tpu.memory_space<vmem>>
    %dma_wait3A_393 = arith.constant 2048 : i32
    %dma_wait3A_394 = tpu.memref_slice %arg6[%dma_wait3A_393] : memref<4096xi32, #tpu.memory_space<vmem>> -> memref<128xi32, #tpu.memory_space<vmem>>
    %dma_wait3A_395 = arith.constant 0 : i32
    %dma_wait3A_396 = arith.constant 0 : i32
    %dma_wait3A_397 = tpu.memref_slice %arg2[%dma_wait3A_395, %dma_wait3A_396] : memref<4194304x16xf32, #tpu.memory_space<hbm>> -> memref<4194304x16xf32, #tpu.memory_space<hbm>>
    tpu.wait_indirect_dma semaphore(%arg11 : memref<!tpu.dma_semaphore, #tpu.memory_space<semaphore_mem>>) src(%dma_wait3A_397 : memref<4194304x16xf32, #tpu.memory_space<hbm>>) dst(%dma_wait3A_392 : memref<128x16xf32, #tpu.memory_space<vmem>>)
    %dma_wait3A_398 = arith.constant 2176 : i32
    %dma_wait3A_399 = arith.constant 0 : i32
    %dma_wait3A_400 = tpu.memref_slice %arg7[%dma_wait3A_398, %dma_wait3A_399] : memref<4096x16xf32, #tpu.memory_space<vmem>> -> memref<128x16xf32, #tpu.memory_space<vmem>>
    %dma_wait3A_401 = arith.constant 2176 : i32
    %dma_wait3A_402 = tpu.memref_slice %arg6[%dma_wait3A_401] : memref<4096xi32, #tpu.memory_space<vmem>> -> memref<128xi32, #tpu.memory_space<vmem>>
    %dma_wait3A_403 = arith.constant 0 : i32
    %dma_wait3A_404 = arith.constant 0 : i32
    %dma_wait3A_405 = tpu.memref_slice %arg2[%dma_wait3A_403, %dma_wait3A_404] : memref<4194304x16xf32, #tpu.memory_space<hbm>> -> memref<4194304x16xf32, #tpu.memory_space<hbm>>
    tpu.wait_indirect_dma semaphore(%arg11 : memref<!tpu.dma_semaphore, #tpu.memory_space<semaphore_mem>>) src(%dma_wait3A_405 : memref<4194304x16xf32, #tpu.memory_space<hbm>>) dst(%dma_wait3A_400 : memref<128x16xf32, #tpu.memory_space<vmem>>)
    %dma_wait3A_406 = arith.constant 2304 : i32
    %dma_wait3A_407 = arith.constant 0 : i32
    %dma_wait3A_408 = tpu.memref_slice %arg7[%dma_wait3A_406, %dma_wait3A_407] : memref<4096x16xf32, #tpu.memory_space<vmem>> -> memref<128x16xf32, #tpu.memory_space<vmem>>
    %dma_wait3A_409 = arith.constant 2304 : i32
    %dma_wait3A_410 = tpu.memref_slice %arg6[%dma_wait3A_409] : memref<4096xi32, #tpu.memory_space<vmem>> -> memref<128xi32, #tpu.memory_space<vmem>>
    %dma_wait3A_411 = arith.constant 0 : i32
    %dma_wait3A_412 = arith.constant 0 : i32
    %dma_wait3A_413 = tpu.memref_slice %arg2[%dma_wait3A_411, %dma_wait3A_412] : memref<4194304x16xf32, #tpu.memory_space<hbm>> -> memref<4194304x16xf32, #tpu.memory_space<hbm>>
    tpu.wait_indirect_dma semaphore(%arg11 : memref<!tpu.dma_semaphore, #tpu.memory_space<semaphore_mem>>) src(%dma_wait3A_413 : memref<4194304x16xf32, #tpu.memory_space<hbm>>) dst(%dma_wait3A_408 : memref<128x16xf32, #tpu.memory_space<vmem>>)
    %dma_wait3A_414 = arith.constant 2432 : i32
    %dma_wait3A_415 = arith.constant 0 : i32
    %dma_wait3A_416 = tpu.memref_slice %arg7[%dma_wait3A_414, %dma_wait3A_415] : memref<4096x16xf32, #tpu.memory_space<vmem>> -> memref<128x16xf32, #tpu.memory_space<vmem>>
    %dma_wait3A_417 = arith.constant 2432 : i32
    %dma_wait3A_418 = tpu.memref_slice %arg6[%dma_wait3A_417] : memref<4096xi32, #tpu.memory_space<vmem>> -> memref<128xi32, #tpu.memory_space<vmem>>
    %dma_wait3A_419 = arith.constant 0 : i32
    %dma_wait3A_420 = arith.constant 0 : i32
    %dma_wait3A_421 = tpu.memref_slice %arg2[%dma_wait3A_419, %dma_wait3A_420] : memref<4194304x16xf32, #tpu.memory_space<hbm>> -> memref<4194304x16xf32, #tpu.memory_space<hbm>>
    tpu.wait_indirect_dma semaphore(%arg11 : memref<!tpu.dma_semaphore, #tpu.memory_space<semaphore_mem>>) src(%dma_wait3A_421 : memref<4194304x16xf32, #tpu.memory_space<hbm>>) dst(%dma_wait3A_416 : memref<128x16xf32, #tpu.memory_space<vmem>>)
    %dma_wait3A_422 = arith.constant 2560 : i32
    %dma_wait3A_423 = arith.constant 0 : i32
    %dma_wait3A_424 = tpu.memref_slice %arg7[%dma_wait3A_422, %dma_wait3A_423] : memref<4096x16xf32, #tpu.memory_space<vmem>> -> memref<128x16xf32, #tpu.memory_space<vmem>>
    %dma_wait3A_425 = arith.constant 2560 : i32
    %dma_wait3A_426 = tpu.memref_slice %arg6[%dma_wait3A_425] : memref<4096xi32, #tpu.memory_space<vmem>> -> memref<128xi32, #tpu.memory_space<vmem>>
    %dma_wait3A_427 = arith.constant 0 : i32
    %dma_wait3A_428 = arith.constant 0 : i32
    %dma_wait3A_429 = tpu.memref_slice %arg2[%dma_wait3A_427, %dma_wait3A_428] : memref<4194304x16xf32, #tpu.memory_space<hbm>> -> memref<4194304x16xf32, #tpu.memory_space<hbm>>
    tpu.wait_indirect_dma semaphore(%arg11 : memref<!tpu.dma_semaphore, #tpu.memory_space<semaphore_mem>>) src(%dma_wait3A_429 : memref<4194304x16xf32, #tpu.memory_space<hbm>>) dst(%dma_wait3A_424 : memref<128x16xf32, #tpu.memory_space<vmem>>)
    %dma_wait3A_430 = arith.constant 2688 : i32
    %dma_wait3A_431 = arith.constant 0 : i32
    %dma_wait3A_432 = tpu.memref_slice %arg7[%dma_wait3A_430, %dma_wait3A_431] : memref<4096x16xf32, #tpu.memory_space<vmem>> -> memref<128x16xf32, #tpu.memory_space<vmem>>
    %dma_wait3A_433 = arith.constant 2688 : i32
    %dma_wait3A_434 = tpu.memref_slice %arg6[%dma_wait3A_433] : memref<4096xi32, #tpu.memory_space<vmem>> -> memref<128xi32, #tpu.memory_space<vmem>>
    %dma_wait3A_435 = arith.constant 0 : i32
    %dma_wait3A_436 = arith.constant 0 : i32
    %dma_wait3A_437 = tpu.memref_slice %arg2[%dma_wait3A_435, %dma_wait3A_436] : memref<4194304x16xf32, #tpu.memory_space<hbm>> -> memref<4194304x16xf32, #tpu.memory_space<hbm>>
    tpu.wait_indirect_dma semaphore(%arg11 : memref<!tpu.dma_semaphore, #tpu.memory_space<semaphore_mem>>) src(%dma_wait3A_437 : memref<4194304x16xf32, #tpu.memory_space<hbm>>) dst(%dma_wait3A_432 : memref<128x16xf32, #tpu.memory_space<vmem>>)
    %dma_wait3A_438 = arith.constant 2816 : i32
    %dma_wait3A_439 = arith.constant 0 : i32
    %dma_wait3A_440 = tpu.memref_slice %arg7[%dma_wait3A_438, %dma_wait3A_439] : memref<4096x16xf32, #tpu.memory_space<vmem>> -> memref<128x16xf32, #tpu.memory_space<vmem>>
    %dma_wait3A_441 = arith.constant 2816 : i32
    %dma_wait3A_442 = tpu.memref_slice %arg6[%dma_wait3A_441] : memref<4096xi32, #tpu.memory_space<vmem>> -> memref<128xi32, #tpu.memory_space<vmem>>
    %dma_wait3A_443 = arith.constant 0 : i32
    %dma_wait3A_444 = arith.constant 0 : i32
    %dma_wait3A_445 = tpu.memref_slice %arg2[%dma_wait3A_443, %dma_wait3A_444] : memref<4194304x16xf32, #tpu.memory_space<hbm>> -> memref<4194304x16xf32, #tpu.memory_space<hbm>>
    tpu.wait_indirect_dma semaphore(%arg11 : memref<!tpu.dma_semaphore, #tpu.memory_space<semaphore_mem>>) src(%dma_wait3A_445 : memref<4194304x16xf32, #tpu.memory_space<hbm>>) dst(%dma_wait3A_440 : memref<128x16xf32, #tpu.memory_space<vmem>>)
    %dma_wait3A_446 = arith.constant 2944 : i32
    %dma_wait3A_447 = arith.constant 0 : i32
    %dma_wait3A_448 = tpu.memref_slice %arg7[%dma_wait3A_446, %dma_wait3A_447] : memref<4096x16xf32, #tpu.memory_space<vmem>> -> memref<128x16xf32, #tpu.memory_space<vmem>>
    %dma_wait3A_449 = arith.constant 2944 : i32
    %dma_wait3A_450 = tpu.memref_slice %arg6[%dma_wait3A_449] : memref<4096xi32, #tpu.memory_space<vmem>> -> memref<128xi32, #tpu.memory_space<vmem>>
    %dma_wait3A_451 = arith.constant 0 : i32
    %dma_wait3A_452 = arith.constant 0 : i32
    %dma_wait3A_453 = tpu.memref_slice %arg2[%dma_wait3A_451, %dma_wait3A_452] : memref<4194304x16xf32, #tpu.memory_space<hbm>> -> memref<4194304x16xf32, #tpu.memory_space<hbm>>
    tpu.wait_indirect_dma semaphore(%arg11 : memref<!tpu.dma_semaphore, #tpu.memory_space<semaphore_mem>>) src(%dma_wait3A_453 : memref<4194304x16xf32, #tpu.memory_space<hbm>>) dst(%dma_wait3A_448 : memref<128x16xf32, #tpu.memory_space<vmem>>)
    %dma_wait3A_454 = arith.constant 3072 : i32
    %dma_wait3A_455 = arith.constant 0 : i32
    %dma_wait3A_456 = tpu.memref_slice %arg7[%dma_wait3A_454, %dma_wait3A_455] : memref<4096x16xf32, #tpu.memory_space<vmem>> -> memref<128x16xf32, #tpu.memory_space<vmem>>
    %dma_wait3A_457 = arith.constant 3072 : i32
    %dma_wait3A_458 = tpu.memref_slice %arg6[%dma_wait3A_457] : memref<4096xi32, #tpu.memory_space<vmem>> -> memref<128xi32, #tpu.memory_space<vmem>>
    %dma_wait3A_459 = arith.constant 0 : i32
    %dma_wait3A_460 = arith.constant 0 : i32
    %dma_wait3A_461 = tpu.memref_slice %arg2[%dma_wait3A_459, %dma_wait3A_460] : memref<4194304x16xf32, #tpu.memory_space<hbm>> -> memref<4194304x16xf32, #tpu.memory_space<hbm>>
    tpu.wait_indirect_dma semaphore(%arg11 : memref<!tpu.dma_semaphore, #tpu.memory_space<semaphore_mem>>) src(%dma_wait3A_461 : memref<4194304x16xf32, #tpu.memory_space<hbm>>) dst(%dma_wait3A_456 : memref<128x16xf32, #tpu.memory_space<vmem>>)
    %dma_wait3A_462 = arith.constant 3200 : i32
    %dma_wait3A_463 = arith.constant 0 : i32
    %dma_wait3A_464 = tpu.memref_slice %arg7[%dma_wait3A_462, %dma_wait3A_463] : memref<4096x16xf32, #tpu.memory_space<vmem>> -> memref<128x16xf32, #tpu.memory_space<vmem>>
    %dma_wait3A_465 = arith.constant 3200 : i32
    %dma_wait3A_466 = tpu.memref_slice %arg6[%dma_wait3A_465] : memref<4096xi32, #tpu.memory_space<vmem>> -> memref<128xi32, #tpu.memory_space<vmem>>
    %dma_wait3A_467 = arith.constant 0 : i32
    %dma_wait3A_468 = arith.constant 0 : i32
    %dma_wait3A_469 = tpu.memref_slice %arg2[%dma_wait3A_467, %dma_wait3A_468] : memref<4194304x16xf32, #tpu.memory_space<hbm>> -> memref<4194304x16xf32, #tpu.memory_space<hbm>>
    tpu.wait_indirect_dma semaphore(%arg11 : memref<!tpu.dma_semaphore, #tpu.memory_space<semaphore_mem>>) src(%dma_wait3A_469 : memref<4194304x16xf32, #tpu.memory_space<hbm>>) dst(%dma_wait3A_464 : memref<128x16xf32, #tpu.memory_space<vmem>>)
    %dma_wait3A_470 = arith.constant 3328 : i32
    %dma_wait3A_471 = arith.constant 0 : i32
    %dma_wait3A_472 = tpu.memref_slice %arg7[%dma_wait3A_470, %dma_wait3A_471] : memref<4096x16xf32, #tpu.memory_space<vmem>> -> memref<128x16xf32, #tpu.memory_space<vmem>>
    %dma_wait3A_473 = arith.constant 3328 : i32
    %dma_wait3A_474 = tpu.memref_slice %arg6[%dma_wait3A_473] : memref<4096xi32, #tpu.memory_space<vmem>> -> memref<128xi32, #tpu.memory_space<vmem>>
    %dma_wait3A_475 = arith.constant 0 : i32
    %dma_wait3A_476 = arith.constant 0 : i32
    %dma_wait3A_477 = tpu.memref_slice %arg2[%dma_wait3A_475, %dma_wait3A_476] : memref<4194304x16xf32, #tpu.memory_space<hbm>> -> memref<4194304x16xf32, #tpu.memory_space<hbm>>
    tpu.wait_indirect_dma semaphore(%arg11 : memref<!tpu.dma_semaphore, #tpu.memory_space<semaphore_mem>>) src(%dma_wait3A_477 : memref<4194304x16xf32, #tpu.memory_space<hbm>>) dst(%dma_wait3A_472 : memref<128x16xf32, #tpu.memory_space<vmem>>)
    %dma_wait3A_478 = arith.constant 3456 : i32
    %dma_wait3A_479 = arith.constant 0 : i32
    %dma_wait3A_480 = tpu.memref_slice %arg7[%dma_wait3A_478, %dma_wait3A_479] : memref<4096x16xf32, #tpu.memory_space<vmem>> -> memref<128x16xf32, #tpu.memory_space<vmem>>
    %dma_wait3A_481 = arith.constant 3456 : i32
    %dma_wait3A_482 = tpu.memref_slice %arg6[%dma_wait3A_481] : memref<4096xi32, #tpu.memory_space<vmem>> -> memref<128xi32, #tpu.memory_space<vmem>>
    %dma_wait3A_483 = arith.constant 0 : i32
    %dma_wait3A_484 = arith.constant 0 : i32
    %dma_wait3A_485 = tpu.memref_slice %arg2[%dma_wait3A_483, %dma_wait3A_484] : memref<4194304x16xf32, #tpu.memory_space<hbm>> -> memref<4194304x16xf32, #tpu.memory_space<hbm>>
    tpu.wait_indirect_dma semaphore(%arg11 : memref<!tpu.dma_semaphore, #tpu.memory_space<semaphore_mem>>) src(%dma_wait3A_485 : memref<4194304x16xf32, #tpu.memory_space<hbm>>) dst(%dma_wait3A_480 : memref<128x16xf32, #tpu.memory_space<vmem>>)
    %dma_wait3A_486 = arith.constant 3584 : i32
    %dma_wait3A_487 = arith.constant 0 : i32
    %dma_wait3A_488 = tpu.memref_slice %arg7[%dma_wait3A_486, %dma_wait3A_487] : memref<4096x16xf32, #tpu.memory_space<vmem>> -> memref<128x16xf32, #tpu.memory_space<vmem>>
    %dma_wait3A_489 = arith.constant 3584 : i32
    %dma_wait3A_490 = tpu.memref_slice %arg6[%dma_wait3A_489] : memref<4096xi32, #tpu.memory_space<vmem>> -> memref<128xi32, #tpu.memory_space<vmem>>
    %dma_wait3A_491 = arith.constant 0 : i32
    %dma_wait3A_492 = arith.constant 0 : i32
    %dma_wait3A_493 = tpu.memref_slice %arg2[%dma_wait3A_491, %dma_wait3A_492] : memref<4194304x16xf32, #tpu.memory_space<hbm>> -> memref<4194304x16xf32, #tpu.memory_space<hbm>>
    tpu.wait_indirect_dma semaphore(%arg11 : memref<!tpu.dma_semaphore, #tpu.memory_space<semaphore_mem>>) src(%dma_wait3A_493 : memref<4194304x16xf32, #tpu.memory_space<hbm>>) dst(%dma_wait3A_488 : memref<128x16xf32, #tpu.memory_space<vmem>>)
    %dma_wait3A_494 = arith.constant 3712 : i32
    %dma_wait3A_495 = arith.constant 0 : i32
    %dma_wait3A_496 = tpu.memref_slice %arg7[%dma_wait3A_494, %dma_wait3A_495] : memref<4096x16xf32, #tpu.memory_space<vmem>> -> memref<128x16xf32, #tpu.memory_space<vmem>>
    %dma_wait3A_497 = arith.constant 3712 : i32
    %dma_wait3A_498 = tpu.memref_slice %arg6[%dma_wait3A_497] : memref<4096xi32, #tpu.memory_space<vmem>> -> memref<128xi32, #tpu.memory_space<vmem>>
    %dma_wait3A_499 = arith.constant 0 : i32
    %dma_wait3A_500 = arith.constant 0 : i32
    %dma_wait3A_501 = tpu.memref_slice %arg2[%dma_wait3A_499, %dma_wait3A_500] : memref<4194304x16xf32, #tpu.memory_space<hbm>> -> memref<4194304x16xf32, #tpu.memory_space<hbm>>
    tpu.wait_indirect_dma semaphore(%arg11 : memref<!tpu.dma_semaphore, #tpu.memory_space<semaphore_mem>>) src(%dma_wait3A_501 : memref<4194304x16xf32, #tpu.memory_space<hbm>>) dst(%dma_wait3A_496 : memref<128x16xf32, #tpu.memory_space<vmem>>)
    %dma_wait3A_502 = arith.constant 3840 : i32
    %dma_wait3A_503 = arith.constant 0 : i32
    %dma_wait3A_504 = tpu.memref_slice %arg7[%dma_wait3A_502, %dma_wait3A_503] : memref<4096x16xf32, #tpu.memory_space<vmem>> -> memref<128x16xf32, #tpu.memory_space<vmem>>
    %dma_wait3A_505 = arith.constant 3840 : i32
    %dma_wait3A_506 = tpu.memref_slice %arg6[%dma_wait3A_505] : memref<4096xi32, #tpu.memory_space<vmem>> -> memref<128xi32, #tpu.memory_space<vmem>>
    %dma_wait3A_507 = arith.constant 0 : i32
    %dma_wait3A_508 = arith.constant 0 : i32
    %dma_wait3A_509 = tpu.memref_slice %arg2[%dma_wait3A_507, %dma_wait3A_508] : memref<4194304x16xf32, #tpu.memory_space<hbm>> -> memref<4194304x16xf32, #tpu.memory_space<hbm>>
    tpu.wait_indirect_dma semaphore(%arg11 : memref<!tpu.dma_semaphore, #tpu.memory_space<semaphore_mem>>) src(%dma_wait3A_509 : memref<4194304x16xf32, #tpu.memory_space<hbm>>) dst(%dma_wait3A_504 : memref<128x16xf32, #tpu.memory_space<vmem>>)
    %dma_wait3A_510 = arith.constant 3968 : i32
    %dma_wait3A_511 = arith.constant 0 : i32
    %dma_wait3A_512 = tpu.memref_slice %arg7[%dma_wait3A_510, %dma_wait3A_511] : memref<4096x16xf32, #tpu.memory_space<vmem>> -> memref<128x16xf32, #tpu.memory_space<vmem>>
    %dma_wait3A_513 = arith.constant 3968 : i32
    %dma_wait3A_514 = tpu.memref_slice %arg6[%dma_wait3A_513] : memref<4096xi32, #tpu.memory_space<vmem>> -> memref<128xi32, #tpu.memory_space<vmem>>
    %dma_wait3A_515 = arith.constant 0 : i32
    %dma_wait3A_516 = arith.constant 0 : i32
    %dma_wait3A_517 = tpu.memref_slice %arg2[%dma_wait3A_515, %dma_wait3A_516] : memref<4194304x16xf32, #tpu.memory_space<hbm>> -> memref<4194304x16xf32, #tpu.memory_space<hbm>>
    tpu.wait_indirect_dma semaphore(%arg11 : memref<!tpu.dma_semaphore, #tpu.memory_space<semaphore_mem>>) src(%dma_wait3A_517 : memref<4194304x16xf32, #tpu.memory_space<hbm>>) dst(%dma_wait3A_512 : memref<128x16xf32, #tpu.memory_space<vmem>>)
    %broadcast_in_dim3A = arith.constant 0.000000e+00 : f32
    %broadcast_in_dim3A_518 = vector.broadcast %broadcast_in_dim3A : f32 to vector<16xf32>
    %scan3A_519 = arith.constant 0 : i32
    %scan3A_520 = arith.constant 32 : i32
    %scan3A_521 = arith.addi %scan3A_519, %scan3A_520 : i32
    %scan3A_522 = arith.constant 1 : i32
    %scan3A_523 = scf.for %scan3A_526 = %scan3A_519 to %scan3A_521 step %scan3A_522 iter_args(%scan3A_527 = %broadcast_in_dim3A_518) -> (vector<16xf32>)  : i32 {
      %mul3A_528 = arith.constant 16 : i32
      %mul3A_529 = arith.muli %scan3A_526, %mul3A_528 : i32
      %get3A = arith.index_cast %mul3A_529 : i32 to index
      %get3A_530 = tpu.vector_load %arg8[%get3A] {strides = array<i32>} : memref<512xi32, #tpu.memory_space<vmem>>, vector<16xi32>,
      %get3A_531 = arith.index_cast %mul3A_529 : i32 to index
      %get3A_532 = tpu.vector_load %arg9[%get3A_531] {strides = array<i32>} : memref<512xi32, #tpu.memory_space<vmem>>, vector<16xi32>,
      %add3A_533 = vector.broadcast %mul3A_529 : i32 to vector<16xi32>
      %add3A_534 = arith.addi %add3A_533, %iota3A : vector<16xi32>
      %broadcast_in_dim3A_535 = arith.constant 0.000000e+00 : f32
      %broadcast_in_dim3A_536 = vector.broadcast %broadcast_in_dim3A_535 : f32 to vector<16xf32>
      %add3A_537 = arith.constant 0 : i32
      %add3A_538 = vector.broadcast %add3A_537 : i32 to vector<16xi32>
      %add3A_539 = arith.addi %add3A_538, %add3A_534 : vector<16xi32>
      %broadcast_in_dim3A_540 = arith.constant 0 : i32
      %broadcast_in_dim3A_541 = vector.broadcast %broadcast_in_dim3A_540 : i32 to vector<16xi32>
      %gather3A = tpu.vector_load_idx %arg7[%add3A_539, %broadcast_in_dim3A_541] : memref<4096x16xf32, #tpu.memory_space<vmem>>[vector<16xi32>, vector<16xi32>], vector<16xf32>,
      %ge3A = arith.constant 0 : i32
      %ge3A_542 = vector.broadcast %ge3A : i32 to vector<16xi32>
      %ge3A_543 = arith.cmpi sge, %get3A_532, %ge3A_542 : vector<16xi32>
      %jit3A = arith.constant 0.000000e+00 : f32
      %broadcast_in_dim3A_544 = vector.broadcast %jit3A : f32 to vector<16xf32>
      %select_n3A = arith.select %ge3A_543, %gather3A, %broadcast_in_dim3A_544 : vector<16xi1>, vector<16xf32>
      %add3A_545 = arith.addf %broadcast_in_dim3A_536, %select_n3A : vector<16xf32>
      %broadcast_in_dim3A_546 = arith.constant 1 : i32
      %broadcast_in_dim3A_547 = vector.broadcast %broadcast_in_dim3A_546 : i32 to vector<16xi32>
      %gather3A_548 = tpu.vector_load_idx %arg7[%add3A_539, %broadcast_in_dim3A_547] : memref<4096x16xf32, #tpu.memory_space<vmem>>[vector<16xi32>, vector<16xi32>], vector<16xf32>,
      %ge3A_549 = arith.constant 1 : i32
      %ge3A_550 = vector.broadcast %ge3A_549 : i32 to vector<16xi32>
      %ge3A_551 = arith.cmpi sge, %get3A_532, %ge3A_550 : vector<16xi32>
      %jit3A_552 = arith.constant 0.000000e+00 : f32
      %broadcast_in_dim3A_553 = vector.broadcast %jit3A_552 : f32 to vector<16xf32>
      %select_n3A_554 = arith.select %ge3A_551, %gather3A_548, %broadcast_in_dim3A_553 : vector<16xi1>, vector<16xf32>
      %add3A_555 = arith.addf %add3A_545, %select_n3A_554 : vector<16xf32>
      %broadcast_in_dim3A_556 = arith.constant 2 : i32
      %broadcast_in_dim3A_557 = vector.broadcast %broadcast_in_dim3A_556 : i32 to vector<16xi32>
      %gather3A_558 = tpu.vector_load_idx %arg7[%add3A_539, %broadcast_in_dim3A_557] : memref<4096x16xf32, #tpu.memory_space<vmem>>[vector<16xi32>, vector<16xi32>], vector<16xf32>,
      %ge3A_559 = arith.constant 2 : i32
      %ge3A_560 = vector.broadcast %ge3A_559 : i32 to vector<16xi32>
      %ge3A_561 = arith.cmpi sge, %get3A_532, %ge3A_560 : vector<16xi32>
      %jit3A_562 = arith.constant 0.000000e+00 : f32
      %broadcast_in_dim3A_563 = vector.broadcast %jit3A_562 : f32 to vector<16xf32>
      %select_n3A_564 = arith.select %ge3A_561, %gather3A_558, %broadcast_in_dim3A_563 : vector<16xi1>, vector<16xf32>
      %add3A_565 = arith.addf %add3A_555, %select_n3A_564 : vector<16xf32>
      %broadcast_in_dim3A_566 = arith.constant 3 : i32
      %broadcast_in_dim3A_567 = vector.broadcast %broadcast_in_dim3A_566 : i32 to vector<16xi32>
      %gather3A_568 = tpu.vector_load_idx %arg7[%add3A_539, %broadcast_in_dim3A_567] : memref<4096x16xf32, #tpu.memory_space<vmem>>[vector<16xi32>, vector<16xi32>], vector<16xf32>,
      %ge3A_569 = arith.constant 3 : i32
      %ge3A_570 = vector.broadcast %ge3A_569 : i32 to vector<16xi32>
      %ge3A_571 = arith.cmpi sge, %get3A_532, %ge3A_570 : vector<16xi32>
      %jit3A_572 = arith.constant 0.000000e+00 : f32
      %broadcast_in_dim3A_573 = vector.broadcast %jit3A_572 : f32 to vector<16xf32>
      %select_n3A_574 = arith.select %ge3A_571, %gather3A_568, %broadcast_in_dim3A_573 : vector<16xi1>, vector<16xf32>
      %add3A_575 = arith.addf %add3A_565, %select_n3A_574 : vector<16xf32>
      %broadcast_in_dim3A_576 = arith.constant 4 : i32
      %broadcast_in_dim3A_577 = vector.broadcast %broadcast_in_dim3A_576 : i32 to vector<16xi32>
      %gather3A_578 = tpu.vector_load_idx %arg7[%add3A_539, %broadcast_in_dim3A_577] : memref<4096x16xf32, #tpu.memory_space<vmem>>[vector<16xi32>, vector<16xi32>], vector<16xf32>,
      %ge3A_579 = arith.constant 4 : i32
      %ge3A_580 = vector.broadcast %ge3A_579 : i32 to vector<16xi32>
      %ge3A_581 = arith.cmpi sge, %get3A_532, %ge3A_580 : vector<16xi32>
      %jit3A_582 = arith.constant 0.000000e+00 : f32
      %broadcast_in_dim3A_583 = vector.broadcast %jit3A_582 : f32 to vector<16xf32>
      %select_n3A_584 = arith.select %ge3A_581, %gather3A_578, %broadcast_in_dim3A_583 : vector<16xi1>, vector<16xf32>
      %add3A_585 = arith.addf %add3A_575, %select_n3A_584 : vector<16xf32>
      %broadcast_in_dim3A_586 = arith.constant 5 : i32
      %broadcast_in_dim3A_587 = vector.broadcast %broadcast_in_dim3A_586 : i32 to vector<16xi32>
      %gather3A_588 = tpu.vector_load_idx %arg7[%add3A_539, %broadcast_in_dim3A_587] : memref<4096x16xf32, #tpu.memory_space<vmem>>[vector<16xi32>, vector<16xi32>], vector<16xf32>,
      %ge3A_589 = arith.constant 5 : i32
      %ge3A_590 = vector.broadcast %ge3A_589 : i32 to vector<16xi32>
      %ge3A_591 = arith.cmpi sge, %get3A_532, %ge3A_590 : vector<16xi32>
      %jit3A_592 = arith.constant 0.000000e+00 : f32
      %broadcast_in_dim3A_593 = vector.broadcast %jit3A_592 : f32 to vector<16xf32>
      %select_n3A_594 = arith.select %ge3A_591, %gather3A_588, %broadcast_in_dim3A_593 : vector<16xi1>, vector<16xf32>
      %add3A_595 = arith.addf %add3A_585, %select_n3A_594 : vector<16xf32>
      %broadcast_in_dim3A_596 = arith.constant 6 : i32
      %broadcast_in_dim3A_597 = vector.broadcast %broadcast_in_dim3A_596 : i32 to vector<16xi32>
      %gather3A_598 = tpu.vector_load_idx %arg7[%add3A_539, %broadcast_in_dim3A_597] : memref<4096x16xf32, #tpu.memory_space<vmem>>[vector<16xi32>, vector<16xi32>], vector<16xf32>,
      %ge3A_599 = arith.constant 6 : i32
      %ge3A_600 = vector.broadcast %ge3A_599 : i32 to vector<16xi32>
      %ge3A_601 = arith.cmpi sge, %get3A_532, %ge3A_600 : vector<16xi32>
      %jit3A_602 = arith.constant 0.000000e+00 : f32
      %broadcast_in_dim3A_603 = vector.broadcast %jit3A_602 : f32 to vector<16xf32>
      %select_n3A_604 = arith.select %ge3A_601, %gather3A_598, %broadcast_in_dim3A_603 : vector<16xi1>, vector<16xf32>
      %add3A_605 = arith.addf %add3A_595, %select_n3A_604 : vector<16xf32>
      %broadcast_in_dim3A_606 = arith.constant 7 : i32
      %broadcast_in_dim3A_607 = vector.broadcast %broadcast_in_dim3A_606 : i32 to vector<16xi32>
      %gather3A_608 = tpu.vector_load_idx %arg7[%add3A_539, %broadcast_in_dim3A_607] : memref<4096x16xf32, #tpu.memory_space<vmem>>[vector<16xi32>, vector<16xi32>], vector<16xf32>,
      %ge3A_609 = arith.constant 7 : i32
      %ge3A_610 = vector.broadcast %ge3A_609 : i32 to vector<16xi32>
      %ge3A_611 = arith.cmpi sge, %get3A_532, %ge3A_610 : vector<16xi32>
      %jit3A_612 = arith.constant 0.000000e+00 : f32
      %broadcast_in_dim3A_613 = vector.broadcast %jit3A_612 : f32 to vector<16xf32>
      %select_n3A_614 = arith.select %ge3A_611, %gather3A_608, %broadcast_in_dim3A_613 : vector<16xi1>, vector<16xf32>
      %add3A_615 = arith.addf %add3A_605, %select_n3A_614 : vector<16xf32>
      %add3A_616 = arith.constant 512 : i32
      %add3A_617 = vector.broadcast %add3A_616 : i32 to vector<16xi32>
      %add3A_618 = arith.addi %add3A_617, %add3A_534 : vector<16xi32>
      %broadcast_in_dim3A_619 = arith.constant 0 : i32
      %broadcast_in_dim3A_620 = vector.broadcast %broadcast_in_dim3A_619 : i32 to vector<16xi32>
      %gather3A_621 = tpu.vector_load_idx %arg7[%add3A_618, %broadcast_in_dim3A_620] : memref<4096x16xf32, #tpu.memory_space<vmem>>[vector<16xi32>, vector<16xi32>], vector<16xf32>,
      %ge3A_622 = arith.constant 0 : i32
      %ge3A_623 = vector.broadcast %ge3A_622 : i32 to vector<16xi32>
      %ge3A_624 = arith.cmpi sge, %get3A_532, %ge3A_623 : vector<16xi32>
      %jit3A_625 = arith.constant 0.000000e+00 : f32
      %broadcast_in_dim3A_626 = vector.broadcast %jit3A_625 : f32 to vector<16xf32>
      %select_n3A_627 = arith.select %ge3A_624, %gather3A_621, %broadcast_in_dim3A_626 : vector<16xi1>, vector<16xf32>
      %add3A_628 = arith.addf %add3A_615, %select_n3A_627 : vector<16xf32>
      %broadcast_in_dim3A_629 = arith.constant 1 : i32
      %broadcast_in_dim3A_630 = vector.broadcast %broadcast_in_dim3A_629 : i32 to vector<16xi32>
      %gather3A_631 = tpu.vector_load_idx %arg7[%add3A_618, %broadcast_in_dim3A_630] : memref<4096x16xf32, #tpu.memory_space<vmem>>[vector<16xi32>, vector<16xi32>], vector<16xf32>,
      %ge3A_632 = arith.constant 1 : i32
      %ge3A_633 = vector.broadcast %ge3A_632 : i32 to vector<16xi32>
      %ge3A_634 = arith.cmpi sge, %get3A_532, %ge3A_633 : vector<16xi32>
      %jit3A_635 = arith.constant 0.000000e+00 : f32
      %broadcast_in_dim3A_636 = vector.broadcast %jit3A_635 : f32 to vector<16xf32>
      %select_n3A_637 = arith.select %ge3A_634, %gather3A_631, %broadcast_in_dim3A_636 : vector<16xi1>, vector<16xf32>
      %add3A_638 = arith.addf %add3A_628, %select_n3A_637 : vector<16xf32>
      %broadcast_in_dim3A_639 = arith.constant 2 : i32
      %broadcast_in_dim3A_640 = vector.broadcast %broadcast_in_dim3A_639 : i32 to vector<16xi32>
      %gather3A_641 = tpu.vector_load_idx %arg7[%add3A_618, %broadcast_in_dim3A_640] : memref<4096x16xf32, #tpu.memory_space<vmem>>[vector<16xi32>, vector<16xi32>], vector<16xf32>,
      %ge3A_642 = arith.constant 2 : i32
      %ge3A_643 = vector.broadcast %ge3A_642 : i32 to vector<16xi32>
      %ge3A_644 = arith.cmpi sge, %get3A_532, %ge3A_643 : vector<16xi32>
      %jit3A_645 = arith.constant 0.000000e+00 : f32
      %broadcast_in_dim3A_646 = vector.broadcast %jit3A_645 : f32 to vector<16xf32>
      %select_n3A_647 = arith.select %ge3A_644, %gather3A_641, %broadcast_in_dim3A_646 : vector<16xi1>, vector<16xf32>
      %add3A_648 = arith.addf %add3A_638, %select_n3A_647 : vector<16xf32>
      %broadcast_in_dim3A_649 = arith.constant 3 : i32
      %broadcast_in_dim3A_650 = vector.broadcast %broadcast_in_dim3A_649 : i32 to vector<16xi32>
      %gather3A_651 = tpu.vector_load_idx %arg7[%add3A_618, %broadcast_in_dim3A_650] : memref<4096x16xf32, #tpu.memory_space<vmem>>[vector<16xi32>, vector<16xi32>], vector<16xf32>,
      %ge3A_652 = arith.constant 3 : i32
      %ge3A_653 = vector.broadcast %ge3A_652 : i32 to vector<16xi32>
      %ge3A_654 = arith.cmpi sge, %get3A_532, %ge3A_653 : vector<16xi32>
      %jit3A_655 = arith.constant 0.000000e+00 : f32
      %broadcast_in_dim3A_656 = vector.broadcast %jit3A_655 : f32 to vector<16xf32>
      %select_n3A_657 = arith.select %ge3A_654, %gather3A_651, %broadcast_in_dim3A_656 : vector<16xi1>, vector<16xf32>
      %add3A_658 = arith.addf %add3A_648, %select_n3A_657 : vector<16xf32>
      %broadcast_in_dim3A_659 = arith.constant 4 : i32
      %broadcast_in_dim3A_660 = vector.broadcast %broadcast_in_dim3A_659 : i32 to vector<16xi32>
      %gather3A_661 = tpu.vector_load_idx %arg7[%add3A_618, %broadcast_in_dim3A_660] : memref<4096x16xf32, #tpu.memory_space<vmem>>[vector<16xi32>, vector<16xi32>], vector<16xf32>,
      %ge3A_662 = arith.constant 4 : i32
      %ge3A_663 = vector.broadcast %ge3A_662 : i32 to vector<16xi32>
      %ge3A_664 = arith.cmpi sge, %get3A_532, %ge3A_663 : vector<16xi32>
      %jit3A_665 = arith.constant 0.000000e+00 : f32
      %broadcast_in_dim3A_666 = vector.broadcast %jit3A_665 : f32 to vector<16xf32>
      %select_n3A_667 = arith.select %ge3A_664, %gather3A_661, %broadcast_in_dim3A_666 : vector<16xi1>, vector<16xf32>
      %add3A_668 = arith.addf %add3A_658, %select_n3A_667 : vector<16xf32>
      %broadcast_in_dim3A_669 = arith.constant 5 : i32
      %broadcast_in_dim3A_670 = vector.broadcast %broadcast_in_dim3A_669 : i32 to vector<16xi32>
      %gather3A_671 = tpu.vector_load_idx %arg7[%add3A_618, %broadcast_in_dim3A_670] : memref<4096x16xf32, #tpu.memory_space<vmem>>[vector<16xi32>, vector<16xi32>], vector<16xf32>,
      %ge3A_672 = arith.constant 5 : i32
      %ge3A_673 = vector.broadcast %ge3A_672 : i32 to vector<16xi32>
      %ge3A_674 = arith.cmpi sge, %get3A_532, %ge3A_673 : vector<16xi32>
      %jit3A_675 = arith.constant 0.000000e+00 : f32
      %broadcast_in_dim3A_676 = vector.broadcast %jit3A_675 : f32 to vector<16xf32>
      %select_n3A_677 = arith.select %ge3A_674, %gather3A_671, %broadcast_in_dim3A_676 : vector<16xi1>, vector<16xf32>
      %add3A_678 = arith.addf %add3A_668, %select_n3A_677 : vector<16xf32>
      %broadcast_in_dim3A_679 = arith.constant 6 : i32
      %broadcast_in_dim3A_680 = vector.broadcast %broadcast_in_dim3A_679 : i32 to vector<16xi32>
      %gather3A_681 = tpu.vector_load_idx %arg7[%add3A_618, %broadcast_in_dim3A_680] : memref<4096x16xf32, #tpu.memory_space<vmem>>[vector<16xi32>, vector<16xi32>], vector<16xf32>,
      %ge3A_682 = arith.constant 6 : i32
      %ge3A_683 = vector.broadcast %ge3A_682 : i32 to vector<16xi32>
      %ge3A_684 = arith.cmpi sge, %get3A_532, %ge3A_683 : vector<16xi32>
      %jit3A_685 = arith.constant 0.000000e+00 : f32
      %broadcast_in_dim3A_686 = vector.broadcast %jit3A_685 : f32 to vector<16xf32>
      %select_n3A_687 = arith.select %ge3A_684, %gather3A_681, %broadcast_in_dim3A_686 : vector<16xi1>, vector<16xf32>
      %add3A_688 = arith.addf %add3A_678, %select_n3A_687 : vector<16xf32>
      %broadcast_in_dim3A_689 = arith.constant 7 : i32
      %broadcast_in_dim3A_690 = vector.broadcast %broadcast_in_dim3A_689 : i32 to vector<16xi32>
      %gather3A_691 = tpu.vector_load_idx %arg7[%add3A_618, %broadcast_in_dim3A_690] : memref<4096x16xf32, #tpu.memory_space<vmem>>[vector<16xi32>, vector<16xi32>], vector<16xf32>,
      %ge3A_692 = arith.constant 7 : i32
      %ge3A_693 = vector.broadcast %ge3A_692 : i32 to vector<16xi32>
      %ge3A_694 = arith.cmpi sge, %get3A_532, %ge3A_693 : vector<16xi32>
      %jit3A_695 = arith.constant 0.000000e+00 : f32
      %broadcast_in_dim3A_696 = vector.broadcast %jit3A_695 : f32 to vector<16xf32>
      %select_n3A_697 = arith.select %ge3A_694, %gather3A_691, %broadcast_in_dim3A_696 : vector<16xi1>, vector<16xf32>
      %add3A_698 = arith.addf %add3A_688, %select_n3A_697 : vector<16xf32>
      %add3A_699 = arith.constant 1024 : i32
      %add3A_700 = vector.broadcast %add3A_699 : i32 to vector<16xi32>
      %add3A_701 = arith.addi %add3A_700, %add3A_534 : vector<16xi32>
      %broadcast_in_dim3A_702 = arith.constant 0 : i32
      %broadcast_in_dim3A_703 = vector.broadcast %broadcast_in_dim3A_702 : i32 to vector<16xi32>
      %gather3A_704 = tpu.vector_load_idx %arg7[%add3A_701, %broadcast_in_dim3A_703] : memref<4096x16xf32, #tpu.memory_space<vmem>>[vector<16xi32>, vector<16xi32>], vector<16xf32>,
      %ge3A_705 = arith.constant 0 : i32
      %ge3A_706 = vector.broadcast %ge3A_705 : i32 to vector<16xi32>
      %ge3A_707 = arith.cmpi sge, %get3A_532, %ge3A_706 : vector<16xi32>
      %jit3A_708 = arith.constant 0.000000e+00 : f32
      %broadcast_in_dim3A_709 = vector.broadcast %jit3A_708 : f32 to vector<16xf32>
      %select_n3A_710 = arith.select %ge3A_707, %gather3A_704, %broadcast_in_dim3A_709 : vector<16xi1>, vector<16xf32>
      %add3A_711 = arith.addf %add3A_698, %select_n3A_710 : vector<16xf32>
      %broadcast_in_dim3A_712 = arith.constant 1 : i32
      %broadcast_in_dim3A_713 = vector.broadcast %broadcast_in_dim3A_712 : i32 to vector<16xi32>
      %gather3A_714 = tpu.vector_load_idx %arg7[%add3A_701, %broadcast_in_dim3A_713] : memref<4096x16xf32, #tpu.memory_space<vmem>>[vector<16xi32>, vector<16xi32>], vector<16xf32>,
      %ge3A_715 = arith.constant 1 : i32
      %ge3A_716 = vector.broadcast %ge3A_715 : i32 to vector<16xi32>
      %ge3A_717 = arith.cmpi sge, %get3A_532, %ge3A_716 : vector<16xi32>
      %jit3A_718 = arith.constant 0.000000e+00 : f32
      %broadcast_in_dim3A_719 = vector.broadcast %jit3A_718 : f32 to vector<16xf32>
      %select_n3A_720 = arith.select %ge3A_717, %gather3A_714, %broadcast_in_dim3A_719 : vector<16xi1>, vector<16xf32>
      %add3A_721 = arith.addf %add3A_711, %select_n3A_720 : vector<16xf32>
      %broadcast_in_dim3A_722 = arith.constant 2 : i32
      %broadcast_in_dim3A_723 = vector.broadcast %broadcast_in_dim3A_722 : i32 to vector<16xi32>
      %gather3A_724 = tpu.vector_load_idx %arg7[%add3A_701, %broadcast_in_dim3A_723] : memref<4096x16xf32, #tpu.memory_space<vmem>>[vector<16xi32>, vector<16xi32>], vector<16xf32>,
      %ge3A_725 = arith.constant 2 : i32
      %ge3A_726 = vector.broadcast %ge3A_725 : i32 to vector<16xi32>
      %ge3A_727 = arith.cmpi sge, %get3A_532, %ge3A_726 : vector<16xi32>
      %jit3A_728 = arith.constant 0.000000e+00 : f32
      %broadcast_in_dim3A_729 = vector.broadcast %jit3A_728 : f32 to vector<16xf32>
      %select_n3A_730 = arith.select %ge3A_727, %gather3A_724, %broadcast_in_dim3A_729 : vector<16xi1>, vector<16xf32>
      %add3A_731 = arith.addf %add3A_721, %select_n3A_730 : vector<16xf32>
      %broadcast_in_dim3A_732 = arith.constant 3 : i32
      %broadcast_in_dim3A_733 = vector.broadcast %broadcast_in_dim3A_732 : i32 to vector<16xi32>
      %gather3A_734 = tpu.vector_load_idx %arg7[%add3A_701, %broadcast_in_dim3A_733] : memref<4096x16xf32, #tpu.memory_space<vmem>>[vector<16xi32>, vector<16xi32>], vector<16xf32>,
      %ge3A_735 = arith.constant 3 : i32
      %ge3A_736 = vector.broadcast %ge3A_735 : i32 to vector<16xi32>
      %ge3A_737 = arith.cmpi sge, %get3A_532, %ge3A_736 : vector<16xi32>
      %jit3A_738 = arith.constant 0.000000e+00 : f32
      %broadcast_in_dim3A_739 = vector.broadcast %jit3A_738 : f32 to vector<16xf32>
      %select_n3A_740 = arith.select %ge3A_737, %gather3A_734, %broadcast_in_dim3A_739 : vector<16xi1>, vector<16xf32>
      %add3A_741 = arith.addf %add3A_731, %select_n3A_740 : vector<16xf32>
      %broadcast_in_dim3A_742 = arith.constant 4 : i32
      %broadcast_in_dim3A_743 = vector.broadcast %broadcast_in_dim3A_742 : i32 to vector<16xi32>
      %gather3A_744 = tpu.vector_load_idx %arg7[%add3A_701, %broadcast_in_dim3A_743] : memref<4096x16xf32, #tpu.memory_space<vmem>>[vector<16xi32>, vector<16xi32>], vector<16xf32>,
      %ge3A_745 = arith.constant 4 : i32
      %ge3A_746 = vector.broadcast %ge3A_745 : i32 to vector<16xi32>
      %ge3A_747 = arith.cmpi sge, %get3A_532, %ge3A_746 : vector<16xi32>
      %jit3A_748 = arith.constant 0.000000e+00 : f32
      %broadcast_in_dim3A_749 = vector.broadcast %jit3A_748 : f32 to vector<16xf32>
      %select_n3A_750 = arith.select %ge3A_747, %gather3A_744, %broadcast_in_dim3A_749 : vector<16xi1>, vector<16xf32>
      %add3A_751 = arith.addf %add3A_741, %select_n3A_750 : vector<16xf32>
      %broadcast_in_dim3A_752 = arith.constant 5 : i32
      %broadcast_in_dim3A_753 = vector.broadcast %broadcast_in_dim3A_752 : i32 to vector<16xi32>
      %gather3A_754 = tpu.vector_load_idx %arg7[%add3A_701, %broadcast_in_dim3A_753] : memref<4096x16xf32, #tpu.memory_space<vmem>>[vector<16xi32>, vector<16xi32>], vector<16xf32>,
      %ge3A_755 = arith.constant 5 : i32
      %ge3A_756 = vector.broadcast %ge3A_755 : i32 to vector<16xi32>
      %ge3A_757 = arith.cmpi sge, %get3A_532, %ge3A_756 : vector<16xi32>
      %jit3A_758 = arith.constant 0.000000e+00 : f32
      %broadcast_in_dim3A_759 = vector.broadcast %jit3A_758 : f32 to vector<16xf32>
      %select_n3A_760 = arith.select %ge3A_757, %gather3A_754, %broadcast_in_dim3A_759 : vector<16xi1>, vector<16xf32>
      %add3A_761 = arith.addf %add3A_751, %select_n3A_760 : vector<16xf32>
      %broadcast_in_dim3A_762 = arith.constant 6 : i32
      %broadcast_in_dim3A_763 = vector.broadcast %broadcast_in_dim3A_762 : i32 to vector<16xi32>
      %gather3A_764 = tpu.vector_load_idx %arg7[%add3A_701, %broadcast_in_dim3A_763] : memref<4096x16xf32, #tpu.memory_space<vmem>>[vector<16xi32>, vector<16xi32>], vector<16xf32>,
      %ge3A_765 = arith.constant 6 : i32
      %ge3A_766 = vector.broadcast %ge3A_765 : i32 to vector<16xi32>
      %ge3A_767 = arith.cmpi sge, %get3A_532, %ge3A_766 : vector<16xi32>
      %jit3A_768 = arith.constant 0.000000e+00 : f32
      %broadcast_in_dim3A_769 = vector.broadcast %jit3A_768 : f32 to vector<16xf32>
      %select_n3A_770 = arith.select %ge3A_767, %gather3A_764, %broadcast_in_dim3A_769 : vector<16xi1>, vector<16xf32>
      %add3A_771 = arith.addf %add3A_761, %select_n3A_770 : vector<16xf32>
      %broadcast_in_dim3A_772 = arith.constant 7 : i32
      %broadcast_in_dim3A_773 = vector.broadcast %broadcast_in_dim3A_772 : i32 to vector<16xi32>
      %gather3A_774 = tpu.vector_load_idx %arg7[%add3A_701, %broadcast_in_dim3A_773] : memref<4096x16xf32, #tpu.memory_space<vmem>>[vector<16xi32>, vector<16xi32>], vector<16xf32>,
      %ge3A_775 = arith.constant 7 : i32
      %ge3A_776 = vector.broadcast %ge3A_775 : i32 to vector<16xi32>
      %ge3A_777 = arith.cmpi sge, %get3A_532, %ge3A_776 : vector<16xi32>
      %jit3A_778 = arith.constant 0.000000e+00 : f32
      %broadcast_in_dim3A_779 = vector.broadcast %jit3A_778 : f32 to vector<16xf32>
      %select_n3A_780 = arith.select %ge3A_777, %gather3A_774, %broadcast_in_dim3A_779 : vector<16xi1>, vector<16xf32>
      %add3A_781 = arith.addf %add3A_771, %select_n3A_780 : vector<16xf32>
      %add3A_782 = arith.constant 1536 : i32
      %add3A_783 = vector.broadcast %add3A_782 : i32 to vector<16xi32>
      %add3A_784 = arith.addi %add3A_783, %add3A_534 : vector<16xi32>
      %broadcast_in_dim3A_785 = arith.constant 0 : i32
      %broadcast_in_dim3A_786 = vector.broadcast %broadcast_in_dim3A_785 : i32 to vector<16xi32>
      %gather3A_787 = tpu.vector_load_idx %arg7[%add3A_784, %broadcast_in_dim3A_786] : memref<4096x16xf32, #tpu.memory_space<vmem>>[vector<16xi32>, vector<16xi32>], vector<16xf32>,
      %ge3A_788 = arith.constant 0 : i32
      %ge3A_789 = vector.broadcast %ge3A_788 : i32 to vector<16xi32>
      %ge3A_790 = arith.cmpi sge, %get3A_532, %ge3A_789 : vector<16xi32>
      %jit3A_791 = arith.constant 0.000000e+00 : f32
      %broadcast_in_dim3A_792 = vector.broadcast %jit3A_791 : f32 to vector<16xf32>
      %select_n3A_793 = arith.select %ge3A_790, %gather3A_787, %broadcast_in_dim3A_792 : vector<16xi1>, vector<16xf32>
      %add3A_794 = arith.addf %add3A_781, %select_n3A_793 : vector<16xf32>
      %broadcast_in_dim3A_795 = arith.constant 1 : i32
      %broadcast_in_dim3A_796 = vector.broadcast %broadcast_in_dim3A_795 : i32 to vector<16xi32>
      %gather3A_797 = tpu.vector_load_idx %arg7[%add3A_784, %broadcast_in_dim3A_796] : memref<4096x16xf32, #tpu.memory_space<vmem>>[vector<16xi32>, vector<16xi32>], vector<16xf32>,
      %ge3A_798 = arith.constant 1 : i32
      %ge3A_799 = vector.broadcast %ge3A_798 : i32 to vector<16xi32>
      %ge3A_800 = arith.cmpi sge, %get3A_532, %ge3A_799 : vector<16xi32>
      %jit3A_801 = arith.constant 0.000000e+00 : f32
      %broadcast_in_dim3A_802 = vector.broadcast %jit3A_801 : f32 to vector<16xf32>
      %select_n3A_803 = arith.select %ge3A_800, %gather3A_797, %broadcast_in_dim3A_802 : vector<16xi1>, vector<16xf32>
      %add3A_804 = arith.addf %add3A_794, %select_n3A_803 : vector<16xf32>
      %broadcast_in_dim3A_805 = arith.constant 2 : i32
      %broadcast_in_dim3A_806 = vector.broadcast %broadcast_in_dim3A_805 : i32 to vector<16xi32>
      %gather3A_807 = tpu.vector_load_idx %arg7[%add3A_784, %broadcast_in_dim3A_806] : memref<4096x16xf32, #tpu.memory_space<vmem>>[vector<16xi32>, vector<16xi32>], vector<16xf32>,
      %ge3A_808 = arith.constant 2 : i32
      %ge3A_809 = vector.broadcast %ge3A_808 : i32 to vector<16xi32>
      %ge3A_810 = arith.cmpi sge, %get3A_532, %ge3A_809 : vector<16xi32>
      %jit3A_811 = arith.constant 0.000000e+00 : f32
      %broadcast_in_dim3A_812 = vector.broadcast %jit3A_811 : f32 to vector<16xf32>
      %select_n3A_813 = arith.select %ge3A_810, %gather3A_807, %broadcast_in_dim3A_812 : vector<16xi1>, vector<16xf32>
      %add3A_814 = arith.addf %add3A_804, %select_n3A_813 : vector<16xf32>
      %broadcast_in_dim3A_815 = arith.constant 3 : i32
      %broadcast_in_dim3A_816 = vector.broadcast %broadcast_in_dim3A_815 : i32 to vector<16xi32>
      %gather3A_817 = tpu.vector_load_idx %arg7[%add3A_784, %broadcast_in_dim3A_816] : memref<4096x16xf32, #tpu.memory_space<vmem>>[vector<16xi32>, vector<16xi32>], vector<16xf32>,
      %ge3A_818 = arith.constant 3 : i32
      %ge3A_819 = vector.broadcast %ge3A_818 : i32 to vector<16xi32>
      %ge3A_820 = arith.cmpi sge, %get3A_532, %ge3A_819 : vector<16xi32>
      %jit3A_821 = arith.constant 0.000000e+00 : f32
      %broadcast_in_dim3A_822 = vector.broadcast %jit3A_821 : f32 to vector<16xf32>
      %select_n3A_823 = arith.select %ge3A_820, %gather3A_817, %broadcast_in_dim3A_822 : vector<16xi1>, vector<16xf32>
      %add3A_824 = arith.addf %add3A_814, %select_n3A_823 : vector<16xf32>
      %broadcast_in_dim3A_825 = arith.constant 4 : i32
      %broadcast_in_dim3A_826 = vector.broadcast %broadcast_in_dim3A_825 : i32 to vector<16xi32>
      %gather3A_827 = tpu.vector_load_idx %arg7[%add3A_784, %broadcast_in_dim3A_826] : memref<4096x16xf32, #tpu.memory_space<vmem>>[vector<16xi32>, vector<16xi32>], vector<16xf32>,
      %ge3A_828 = arith.constant 4 : i32
      %ge3A_829 = vector.broadcast %ge3A_828 : i32 to vector<16xi32>
      %ge3A_830 = arith.cmpi sge, %get3A_532, %ge3A_829 : vector<16xi32>
      %jit3A_831 = arith.constant 0.000000e+00 : f32
      %broadcast_in_dim3A_832 = vector.broadcast %jit3A_831 : f32 to vector<16xf32>
      %select_n3A_833 = arith.select %ge3A_830, %gather3A_827, %broadcast_in_dim3A_832 : vector<16xi1>, vector<16xf32>
      %add3A_834 = arith.addf %add3A_824, %select_n3A_833 : vector<16xf32>
      %broadcast_in_dim3A_835 = arith.constant 5 : i32
      %broadcast_in_dim3A_836 = vector.broadcast %broadcast_in_dim3A_835 : i32 to vector<16xi32>
      %gather3A_837 = tpu.vector_load_idx %arg7[%add3A_784, %broadcast_in_dim3A_836] : memref<4096x16xf32, #tpu.memory_space<vmem>>[vector<16xi32>, vector<16xi32>], vector<16xf32>,
      %ge3A_838 = arith.constant 5 : i32
      %ge3A_839 = vector.broadcast %ge3A_838 : i32 to vector<16xi32>
      %ge3A_840 = arith.cmpi sge, %get3A_532, %ge3A_839 : vector<16xi32>
      %jit3A_841 = arith.constant 0.000000e+00 : f32
      %broadcast_in_dim3A_842 = vector.broadcast %jit3A_841 : f32 to vector<16xf32>
      %select_n3A_843 = arith.select %ge3A_840, %gather3A_837, %broadcast_in_dim3A_842 : vector<16xi1>, vector<16xf32>
      %add3A_844 = arith.addf %add3A_834, %select_n3A_843 : vector<16xf32>
      %broadcast_in_dim3A_845 = arith.constant 6 : i32
      %broadcast_in_dim3A_846 = vector.broadcast %broadcast_in_dim3A_845 : i32 to vector<16xi32>
      %gather3A_847 = tpu.vector_load_idx %arg7[%add3A_784, %broadcast_in_dim3A_846] : memref<4096x16xf32, #tpu.memory_space<vmem>>[vector<16xi32>, vector<16xi32>], vector<16xf32>,
      %ge3A_848 = arith.constant 6 : i32
      %ge3A_849 = vector.broadcast %ge3A_848 : i32 to vector<16xi32>
      %ge3A_850 = arith.cmpi sge, %get3A_532, %ge3A_849 : vector<16xi32>
      %jit3A_851 = arith.constant 0.000000e+00 : f32
      %broadcast_in_dim3A_852 = vector.broadcast %jit3A_851 : f32 to vector<16xf32>
      %select_n3A_853 = arith.select %ge3A_850, %gather3A_847, %broadcast_in_dim3A_852 : vector<16xi1>, vector<16xf32>
      %add3A_854 = arith.addf %add3A_844, %select_n3A_853 : vector<16xf32>
      %broadcast_in_dim3A_855 = arith.constant 7 : i32
      %broadcast_in_dim3A_856 = vector.broadcast %broadcast_in_dim3A_855 : i32 to vector<16xi32>
      %gather3A_857 = tpu.vector_load_idx %arg7[%add3A_784, %broadcast_in_dim3A_856] : memref<4096x16xf32, #tpu.memory_space<vmem>>[vector<16xi32>, vector<16xi32>], vector<16xf32>,
      %ge3A_858 = arith.constant 7 : i32
      %ge3A_859 = vector.broadcast %ge3A_858 : i32 to vector<16xi32>
      %ge3A_860 = arith.cmpi sge, %get3A_532, %ge3A_859 : vector<16xi32>
      %jit3A_861 = arith.constant 0.000000e+00 : f32
      %broadcast_in_dim3A_862 = vector.broadcast %jit3A_861 : f32 to vector<16xf32>
      %select_n3A_863 = arith.select %ge3A_860, %gather3A_857, %broadcast_in_dim3A_862 : vector<16xi1>, vector<16xf32>
      %add3A_864 = arith.addf %add3A_854, %select_n3A_863 : vector<16xf32>
      %add3A_865 = arith.constant 2048 : i32
      %add3A_866 = vector.broadcast %add3A_865 : i32 to vector<16xi32>
      %add3A_867 = arith.addi %add3A_866, %add3A_534 : vector<16xi32>
      %broadcast_in_dim3A_868 = arith.constant 0 : i32
      %broadcast_in_dim3A_869 = vector.broadcast %broadcast_in_dim3A_868 : i32 to vector<16xi32>
      %gather3A_870 = tpu.vector_load_idx %arg7[%add3A_867, %broadcast_in_dim3A_869] : memref<4096x16xf32, #tpu.memory_space<vmem>>[vector<16xi32>, vector<16xi32>], vector<16xf32>,
      %ge3A_871 = arith.constant 0 : i32
      %ge3A_872 = vector.broadcast %ge3A_871 : i32 to vector<16xi32>
      %ge3A_873 = arith.cmpi sge, %get3A_532, %ge3A_872 : vector<16xi32>
      %jit3A_874 = arith.constant 0.000000e+00 : f32
      %broadcast_in_dim3A_875 = vector.broadcast %jit3A_874 : f32 to vector<16xf32>
      %select_n3A_876 = arith.select %ge3A_873, %gather3A_870, %broadcast_in_dim3A_875 : vector<16xi1>, vector<16xf32>
      %add3A_877 = arith.addf %add3A_864, %select_n3A_876 : vector<16xf32>
      %broadcast_in_dim3A_878 = arith.constant 1 : i32
      %broadcast_in_dim3A_879 = vector.broadcast %broadcast_in_dim3A_878 : i32 to vector<16xi32>
      %gather3A_880 = tpu.vector_load_idx %arg7[%add3A_867, %broadcast_in_dim3A_879] : memref<4096x16xf32, #tpu.memory_space<vmem>>[vector<16xi32>, vector<16xi32>], vector<16xf32>,
      %ge3A_881 = arith.constant 1 : i32
      %ge3A_882 = vector.broadcast %ge3A_881 : i32 to vector<16xi32>
      %ge3A_883 = arith.cmpi sge, %get3A_532, %ge3A_882 : vector<16xi32>
      %jit3A_884 = arith.constant 0.000000e+00 : f32
      %broadcast_in_dim3A_885 = vector.broadcast %jit3A_884 : f32 to vector<16xf32>
      %select_n3A_886 = arith.select %ge3A_883, %gather3A_880, %broadcast_in_dim3A_885 : vector<16xi1>, vector<16xf32>
      %add3A_887 = arith.addf %add3A_877, %select_n3A_886 : vector<16xf32>
      %broadcast_in_dim3A_888 = arith.constant 2 : i32
      %broadcast_in_dim3A_889 = vector.broadcast %broadcast_in_dim3A_888 : i32 to vector<16xi32>
      %gather3A_890 = tpu.vector_load_idx %arg7[%add3A_867, %broadcast_in_dim3A_889] : memref<4096x16xf32, #tpu.memory_space<vmem>>[vector<16xi32>, vector<16xi32>], vector<16xf32>,
      %ge3A_891 = arith.constant 2 : i32
      %ge3A_892 = vector.broadcast %ge3A_891 : i32 to vector<16xi32>
      %ge3A_893 = arith.cmpi sge, %get3A_532, %ge3A_892 : vector<16xi32>
      %jit3A_894 = arith.constant 0.000000e+00 : f32
      %broadcast_in_dim3A_895 = vector.broadcast %jit3A_894 : f32 to vector<16xf32>
      %select_n3A_896 = arith.select %ge3A_893, %gather3A_890, %broadcast_in_dim3A_895 : vector<16xi1>, vector<16xf32>
      %add3A_897 = arith.addf %add3A_887, %select_n3A_896 : vector<16xf32>
      %broadcast_in_dim3A_898 = arith.constant 3 : i32
      %broadcast_in_dim3A_899 = vector.broadcast %broadcast_in_dim3A_898 : i32 to vector<16xi32>
      %gather3A_900 = tpu.vector_load_idx %arg7[%add3A_867, %broadcast_in_dim3A_899] : memref<4096x16xf32, #tpu.memory_space<vmem>>[vector<16xi32>, vector<16xi32>], vector<16xf32>,
      %ge3A_901 = arith.constant 3 : i32
      %ge3A_902 = vector.broadcast %ge3A_901 : i32 to vector<16xi32>
      %ge3A_903 = arith.cmpi sge, %get3A_532, %ge3A_902 : vector<16xi32>
      %jit3A_904 = arith.constant 0.000000e+00 : f32
      %broadcast_in_dim3A_905 = vector.broadcast %jit3A_904 : f32 to vector<16xf32>
      %select_n3A_906 = arith.select %ge3A_903, %gather3A_900, %broadcast_in_dim3A_905 : vector<16xi1>, vector<16xf32>
      %add3A_907 = arith.addf %add3A_897, %select_n3A_906 : vector<16xf32>
      %broadcast_in_dim3A_908 = arith.constant 4 : i32
      %broadcast_in_dim3A_909 = vector.broadcast %broadcast_in_dim3A_908 : i32 to vector<16xi32>
      %gather3A_910 = tpu.vector_load_idx %arg7[%add3A_867, %broadcast_in_dim3A_909] : memref<4096x16xf32, #tpu.memory_space<vmem>>[vector<16xi32>, vector<16xi32>], vector<16xf32>,
      %ge3A_911 = arith.constant 4 : i32
      %ge3A_912 = vector.broadcast %ge3A_911 : i32 to vector<16xi32>
      %ge3A_913 = arith.cmpi sge, %get3A_532, %ge3A_912 : vector<16xi32>
      %jit3A_914 = arith.constant 0.000000e+00 : f32
      %broadcast_in_dim3A_915 = vector.broadcast %jit3A_914 : f32 to vector<16xf32>
      %select_n3A_916 = arith.select %ge3A_913, %gather3A_910, %broadcast_in_dim3A_915 : vector<16xi1>, vector<16xf32>
      %add3A_917 = arith.addf %add3A_907, %select_n3A_916 : vector<16xf32>
      %broadcast_in_dim3A_918 = arith.constant 5 : i32
      %broadcast_in_dim3A_919 = vector.broadcast %broadcast_in_dim3A_918 : i32 to vector<16xi32>
      %gather3A_920 = tpu.vector_load_idx %arg7[%add3A_867, %broadcast_in_dim3A_919] : memref<4096x16xf32, #tpu.memory_space<vmem>>[vector<16xi32>, vector<16xi32>], vector<16xf32>,
      %ge3A_921 = arith.constant 5 : i32
      %ge3A_922 = vector.broadcast %ge3A_921 : i32 to vector<16xi32>
      %ge3A_923 = arith.cmpi sge, %get3A_532, %ge3A_922 : vector<16xi32>
      %jit3A_924 = arith.constant 0.000000e+00 : f32
      %broadcast_in_dim3A_925 = vector.broadcast %jit3A_924 : f32 to vector<16xf32>
      %select_n3A_926 = arith.select %ge3A_923, %gather3A_920, %broadcast_in_dim3A_925 : vector<16xi1>, vector<16xf32>
      %add3A_927 = arith.addf %add3A_917, %select_n3A_926 : vector<16xf32>
      %broadcast_in_dim3A_928 = arith.constant 6 : i32
      %broadcast_in_dim3A_929 = vector.broadcast %broadcast_in_dim3A_928 : i32 to vector<16xi32>
      %gather3A_930 = tpu.vector_load_idx %arg7[%add3A_867, %broadcast_in_dim3A_929] : memref<4096x16xf32, #tpu.memory_space<vmem>>[vector<16xi32>, vector<16xi32>], vector<16xf32>,
      %ge3A_931 = arith.constant 6 : i32
      %ge3A_932 = vector.broadcast %ge3A_931 : i32 to vector<16xi32>
      %ge3A_933 = arith.cmpi sge, %get3A_532, %ge3A_932 : vector<16xi32>
      %jit3A_934 = arith.constant 0.000000e+00 : f32
      %broadcast_in_dim3A_935 = vector.broadcast %jit3A_934 : f32 to vector<16xf32>
      %select_n3A_936 = arith.select %ge3A_933, %gather3A_930, %broadcast_in_dim3A_935 : vector<16xi1>, vector<16xf32>
      %add3A_937 = arith.addf %add3A_927, %select_n3A_936 : vector<16xf32>
      %broadcast_in_dim3A_938 = arith.constant 7 : i32
      %broadcast_in_dim3A_939 = vector.broadcast %broadcast_in_dim3A_938 : i32 to vector<16xi32>
      %gather3A_940 = tpu.vector_load_idx %arg7[%add3A_867, %broadcast_in_dim3A_939] : memref<4096x16xf32, #tpu.memory_space<vmem>>[vector<16xi32>, vector<16xi32>], vector<16xf32>,
      %ge3A_941 = arith.constant 7 : i32
      %ge3A_942 = vector.broadcast %ge3A_941 : i32 to vector<16xi32>
      %ge3A_943 = arith.cmpi sge, %get3A_532, %ge3A_942 : vector<16xi32>
      %jit3A_944 = arith.constant 0.000000e+00 : f32
      %broadcast_in_dim3A_945 = vector.broadcast %jit3A_944 : f32 to vector<16xf32>
      %select_n3A_946 = arith.select %ge3A_943, %gather3A_940, %broadcast_in_dim3A_945 : vector<16xi1>, vector<16xf32>
      %add3A_947 = arith.addf %add3A_937, %select_n3A_946 : vector<16xf32>
      %add3A_948 = arith.constant 2560 : i32
      %add3A_949 = vector.broadcast %add3A_948 : i32 to vector<16xi32>
      %add3A_950 = arith.addi %add3A_949, %add3A_534 : vector<16xi32>
      %broadcast_in_dim3A_951 = arith.constant 0 : i32
      %broadcast_in_dim3A_952 = vector.broadcast %broadcast_in_dim3A_951 : i32 to vector<16xi32>
      %gather3A_953 = tpu.vector_load_idx %arg7[%add3A_950, %broadcast_in_dim3A_952] : memref<4096x16xf32, #tpu.memory_space<vmem>>[vector<16xi32>, vector<16xi32>], vector<16xf32>,
      %ge3A_954 = arith.constant 0 : i32
      %ge3A_955 = vector.broadcast %ge3A_954 : i32 to vector<16xi32>
      %ge3A_956 = arith.cmpi sge, %get3A_532, %ge3A_955 : vector<16xi32>
      %jit3A_957 = arith.constant 0.000000e+00 : f32
      %broadcast_in_dim3A_958 = vector.broadcast %jit3A_957 : f32 to vector<16xf32>
      %select_n3A_959 = arith.select %ge3A_956, %gather3A_953, %broadcast_in_dim3A_958 : vector<16xi1>, vector<16xf32>
      %add3A_960 = arith.addf %add3A_947, %select_n3A_959 : vector<16xf32>
      %broadcast_in_dim3A_961 = arith.constant 1 : i32
      %broadcast_in_dim3A_962 = vector.broadcast %broadcast_in_dim3A_961 : i32 to vector<16xi32>
      %gather3A_963 = tpu.vector_load_idx %arg7[%add3A_950, %broadcast_in_dim3A_962] : memref<4096x16xf32, #tpu.memory_space<vmem>>[vector<16xi32>, vector<16xi32>], vector<16xf32>,
      %ge3A_964 = arith.constant 1 : i32
      %ge3A_965 = vector.broadcast %ge3A_964 : i32 to vector<16xi32>
      %ge3A_966 = arith.cmpi sge, %get3A_532, %ge3A_965 : vector<16xi32>
      %jit3A_967 = arith.constant 0.000000e+00 : f32
      %broadcast_in_dim3A_968 = vector.broadcast %jit3A_967 : f32 to vector<16xf32>
      %select_n3A_969 = arith.select %ge3A_966, %gather3A_963, %broadcast_in_dim3A_968 : vector<16xi1>, vector<16xf32>
      %add3A_970 = arith.addf %add3A_960, %select_n3A_969 : vector<16xf32>
      %broadcast_in_dim3A_971 = arith.constant 2 : i32
      %broadcast_in_dim3A_972 = vector.broadcast %broadcast_in_dim3A_971 : i32 to vector<16xi32>
      %gather3A_973 = tpu.vector_load_idx %arg7[%add3A_950, %broadcast_in_dim3A_972] : memref<4096x16xf32, #tpu.memory_space<vmem>>[vector<16xi32>, vector<16xi32>], vector<16xf32>,
      %ge3A_974 = arith.constant 2 : i32
      %ge3A_975 = vector.broadcast %ge3A_974 : i32 to vector<16xi32>
      %ge3A_976 = arith.cmpi sge, %get3A_532, %ge3A_975 : vector<16xi32>
      %jit3A_977 = arith.constant 0.000000e+00 : f32
      %broadcast_in_dim3A_978 = vector.broadcast %jit3A_977 : f32 to vector<16xf32>
      %select_n3A_979 = arith.select %ge3A_976, %gather3A_973, %broadcast_in_dim3A_978 : vector<16xi1>, vector<16xf32>
      %add3A_980 = arith.addf %add3A_970, %select_n3A_979 : vector<16xf32>
      %broadcast_in_dim3A_981 = arith.constant 3 : i32
      %broadcast_in_dim3A_982 = vector.broadcast %broadcast_in_dim3A_981 : i32 to vector<16xi32>
      %gather3A_983 = tpu.vector_load_idx %arg7[%add3A_950, %broadcast_in_dim3A_982] : memref<4096x16xf32, #tpu.memory_space<vmem>>[vector<16xi32>, vector<16xi32>], vector<16xf32>,
      %ge3A_984 = arith.constant 3 : i32
      %ge3A_985 = vector.broadcast %ge3A_984 : i32 to vector<16xi32>
      %ge3A_986 = arith.cmpi sge, %get3A_532, %ge3A_985 : vector<16xi32>
      %jit3A_987 = arith.constant 0.000000e+00 : f32
      %broadcast_in_dim3A_988 = vector.broadcast %jit3A_987 : f32 to vector<16xf32>
      %select_n3A_989 = arith.select %ge3A_986, %gather3A_983, %broadcast_in_dim3A_988 : vector<16xi1>, vector<16xf32>
      %add3A_990 = arith.addf %add3A_980, %select_n3A_989 : vector<16xf32>
      %broadcast_in_dim3A_991 = arith.constant 4 : i32
      %broadcast_in_dim3A_992 = vector.broadcast %broadcast_in_dim3A_991 : i32 to vector<16xi32>
      %gather3A_993 = tpu.vector_load_idx %arg7[%add3A_950, %broadcast_in_dim3A_992] : memref<4096x16xf32, #tpu.memory_space<vmem>>[vector<16xi32>, vector<16xi32>], vector<16xf32>,
      %ge3A_994 = arith.constant 4 : i32
      %ge3A_995 = vector.broadcast %ge3A_994 : i32 to vector<16xi32>
      %ge3A_996 = arith.cmpi sge, %get3A_532, %ge3A_995 : vector<16xi32>
      %jit3A_997 = arith.constant 0.000000e+00 : f32
      %broadcast_in_dim3A_998 = vector.broadcast %jit3A_997 : f32 to vector<16xf32>
      %select_n3A_999 = arith.select %ge3A_996, %gather3A_993, %broadcast_in_dim3A_998 : vector<16xi1>, vector<16xf32>
      %add3A_1000 = arith.addf %add3A_990, %select_n3A_999 : vector<16xf32>
      %broadcast_in_dim3A_1001 = arith.constant 5 : i32
      %broadcast_in_dim3A_1002 = vector.broadcast %broadcast_in_dim3A_1001 : i32 to vector<16xi32>
      %gather3A_1003 = tpu.vector_load_idx %arg7[%add3A_950, %broadcast_in_dim3A_1002] : memref<4096x16xf32, #tpu.memory_space<vmem>>[vector<16xi32>, vector<16xi32>], vector<16xf32>,
      %ge3A_1004 = arith.constant 5 : i32
      %ge3A_1005 = vector.broadcast %ge3A_1004 : i32 to vector<16xi32>
      %ge3A_1006 = arith.cmpi sge, %get3A_532, %ge3A_1005 : vector<16xi32>
      %jit3A_1007 = arith.constant 0.000000e+00 : f32
      %broadcast_in_dim3A_1008 = vector.broadcast %jit3A_1007 : f32 to vector<16xf32>
      %select_n3A_1009 = arith.select %ge3A_1006, %gather3A_1003, %broadcast_in_dim3A_1008 : vector<16xi1>, vector<16xf32>
      %add3A_1010 = arith.addf %add3A_1000, %select_n3A_1009 : vector<16xf32>
      %broadcast_in_dim3A_1011 = arith.constant 6 : i32
      %broadcast_in_dim3A_1012 = vector.broadcast %broadcast_in_dim3A_1011 : i32 to vector<16xi32>
      %gather3A_1013 = tpu.vector_load_idx %arg7[%add3A_950, %broadcast_in_dim3A_1012] : memref<4096x16xf32, #tpu.memory_space<vmem>>[vector<16xi32>, vector<16xi32>], vector<16xf32>,
      %ge3A_1014 = arith.constant 6 : i32
      %ge3A_1015 = vector.broadcast %ge3A_1014 : i32 to vector<16xi32>
      %ge3A_1016 = arith.cmpi sge, %get3A_532, %ge3A_1015 : vector<16xi32>
      %jit3A_1017 = arith.constant 0.000000e+00 : f32
      %broadcast_in_dim3A_1018 = vector.broadcast %jit3A_1017 : f32 to vector<16xf32>
      %select_n3A_1019 = arith.select %ge3A_1016, %gather3A_1013, %broadcast_in_dim3A_1018 : vector<16xi1>, vector<16xf32>
      %add3A_1020 = arith.addf %add3A_1010, %select_n3A_1019 : vector<16xf32>
      %broadcast_in_dim3A_1021 = arith.constant 7 : i32
      %broadcast_in_dim3A_1022 = vector.broadcast %broadcast_in_dim3A_1021 : i32 to vector<16xi32>
      %gather3A_1023 = tpu.vector_load_idx %arg7[%add3A_950, %broadcast_in_dim3A_1022] : memref<4096x16xf32, #tpu.memory_space<vmem>>[vector<16xi32>, vector<16xi32>], vector<16xf32>,
      %ge3A_1024 = arith.constant 7 : i32
      %ge3A_1025 = vector.broadcast %ge3A_1024 : i32 to vector<16xi32>
      %ge3A_1026 = arith.cmpi sge, %get3A_532, %ge3A_1025 : vector<16xi32>
      %jit3A_1027 = arith.constant 0.000000e+00 : f32
      %broadcast_in_dim3A_1028 = vector.broadcast %jit3A_1027 : f32 to vector<16xf32>
      %select_n3A_1029 = arith.select %ge3A_1026, %gather3A_1023, %broadcast_in_dim3A_1028 : vector<16xi1>, vector<16xf32>
      %add3A_1030 = arith.addf %add3A_1020, %select_n3A_1029 : vector<16xf32>
      %add3A_1031 = arith.constant 3072 : i32
      %add3A_1032 = vector.broadcast %add3A_1031 : i32 to vector<16xi32>
      %add3A_1033 = arith.addi %add3A_1032, %add3A_534 : vector<16xi32>
      %broadcast_in_dim3A_1034 = arith.constant 0 : i32
      %broadcast_in_dim3A_1035 = vector.broadcast %broadcast_in_dim3A_1034 : i32 to vector<16xi32>
      %gather3A_1036 = tpu.vector_load_idx %arg7[%add3A_1033, %broadcast_in_dim3A_1035] : memref<4096x16xf32, #tpu.memory_space<vmem>>[vector<16xi32>, vector<16xi32>], vector<16xf32>,
      %ge3A_1037 = arith.constant 0 : i32
      %ge3A_1038 = vector.broadcast %ge3A_1037 : i32 to vector<16xi32>
      %ge3A_1039 = arith.cmpi sge, %get3A_532, %ge3A_1038 : vector<16xi32>
      %jit3A_1040 = arith.constant 0.000000e+00 : f32
      %broadcast_in_dim3A_1041 = vector.broadcast %jit3A_1040 : f32 to vector<16xf32>
      %select_n3A_1042 = arith.select %ge3A_1039, %gather3A_1036, %broadcast_in_dim3A_1041 : vector<16xi1>, vector<16xf32>
      %add3A_1043 = arith.addf %add3A_1030, %select_n3A_1042 : vector<16xf32>
      %broadcast_in_dim3A_1044 = arith.constant 1 : i32
      %broadcast_in_dim3A_1045 = vector.broadcast %broadcast_in_dim3A_1044 : i32 to vector<16xi32>
      %gather3A_1046 = tpu.vector_load_idx %arg7[%add3A_1033, %broadcast_in_dim3A_1045] : memref<4096x16xf32, #tpu.memory_space<vmem>>[vector<16xi32>, vector<16xi32>], vector<16xf32>,
      %ge3A_1047 = arith.constant 1 : i32
      %ge3A_1048 = vector.broadcast %ge3A_1047 : i32 to vector<16xi32>
      %ge3A_1049 = arith.cmpi sge, %get3A_532, %ge3A_1048 : vector<16xi32>
      %jit3A_1050 = arith.constant 0.000000e+00 : f32
      %broadcast_in_dim3A_1051 = vector.broadcast %jit3A_1050 : f32 to vector<16xf32>
      %select_n3A_1052 = arith.select %ge3A_1049, %gather3A_1046, %broadcast_in_dim3A_1051 : vector<16xi1>, vector<16xf32>
      %add3A_1053 = arith.addf %add3A_1043, %select_n3A_1052 : vector<16xf32>
      %broadcast_in_dim3A_1054 = arith.constant 2 : i32
      %broadcast_in_dim3A_1055 = vector.broadcast %broadcast_in_dim3A_1054 : i32 to vector<16xi32>
      %gather3A_1056 = tpu.vector_load_idx %arg7[%add3A_1033, %broadcast_in_dim3A_1055] : memref<4096x16xf32, #tpu.memory_space<vmem>>[vector<16xi32>, vector<16xi32>], vector<16xf32>,
      %ge3A_1057 = arith.constant 2 : i32
      %ge3A_1058 = vector.broadcast %ge3A_1057 : i32 to vector<16xi32>
      %ge3A_1059 = arith.cmpi sge, %get3A_532, %ge3A_1058 : vector<16xi32>
      %jit3A_1060 = arith.constant 0.000000e+00 : f32
      %broadcast_in_dim3A_1061 = vector.broadcast %jit3A_1060 : f32 to vector<16xf32>
      %select_n3A_1062 = arith.select %ge3A_1059, %gather3A_1056, %broadcast_in_dim3A_1061 : vector<16xi1>, vector<16xf32>
      %add3A_1063 = arith.addf %add3A_1053, %select_n3A_1062 : vector<16xf32>
      %broadcast_in_dim3A_1064 = arith.constant 3 : i32
      %broadcast_in_dim3A_1065 = vector.broadcast %broadcast_in_dim3A_1064 : i32 to vector<16xi32>
      %gather3A_1066 = tpu.vector_load_idx %arg7[%add3A_1033, %broadcast_in_dim3A_1065] : memref<4096x16xf32, #tpu.memory_space<vmem>>[vector<16xi32>, vector<16xi32>], vector<16xf32>,
      %ge3A_1067 = arith.constant 3 : i32
      %ge3A_1068 = vector.broadcast %ge3A_1067 : i32 to vector<16xi32>
      %ge3A_1069 = arith.cmpi sge, %get3A_532, %ge3A_1068 : vector<16xi32>
      %jit3A_1070 = arith.constant 0.000000e+00 : f32
      %broadcast_in_dim3A_1071 = vector.broadcast %jit3A_1070 : f32 to vector<16xf32>
      %select_n3A_1072 = arith.select %ge3A_1069, %gather3A_1066, %broadcast_in_dim3A_1071 : vector<16xi1>, vector<16xf32>
      %add3A_1073 = arith.addf %add3A_1063, %select_n3A_1072 : vector<16xf32>
      %broadcast_in_dim3A_1074 = arith.constant 4 : i32
      %broadcast_in_dim3A_1075 = vector.broadcast %broadcast_in_dim3A_1074 : i32 to vector<16xi32>
      %gather3A_1076 = tpu.vector_load_idx %arg7[%add3A_1033, %broadcast_in_dim3A_1075] : memref<4096x16xf32, #tpu.memory_space<vmem>>[vector<16xi32>, vector<16xi32>], vector<16xf32>,
      %ge3A_1077 = arith.constant 4 : i32
      %ge3A_1078 = vector.broadcast %ge3A_1077 : i32 to vector<16xi32>
      %ge3A_1079 = arith.cmpi sge, %get3A_532, %ge3A_1078 : vector<16xi32>
      %jit3A_1080 = arith.constant 0.000000e+00 : f32
      %broadcast_in_dim3A_1081 = vector.broadcast %jit3A_1080 : f32 to vector<16xf32>
      %select_n3A_1082 = arith.select %ge3A_1079, %gather3A_1076, %broadcast_in_dim3A_1081 : vector<16xi1>, vector<16xf32>
      %add3A_1083 = arith.addf %add3A_1073, %select_n3A_1082 : vector<16xf32>
      %broadcast_in_dim3A_1084 = arith.constant 5 : i32
      %broadcast_in_dim3A_1085 = vector.broadcast %broadcast_in_dim3A_1084 : i32 to vector<16xi32>
      %gather3A_1086 = tpu.vector_load_idx %arg7[%add3A_1033, %broadcast_in_dim3A_1085] : memref<4096x16xf32, #tpu.memory_space<vmem>>[vector<16xi32>, vector<16xi32>], vector<16xf32>,
      %ge3A_1087 = arith.constant 5 : i32
      %ge3A_1088 = vector.broadcast %ge3A_1087 : i32 to vector<16xi32>
      %ge3A_1089 = arith.cmpi sge, %get3A_532, %ge3A_1088 : vector<16xi32>
      %jit3A_1090 = arith.constant 0.000000e+00 : f32
      %broadcast_in_dim3A_1091 = vector.broadcast %jit3A_1090 : f32 to vector<16xf32>
      %select_n3A_1092 = arith.select %ge3A_1089, %gather3A_1086, %broadcast_in_dim3A_1091 : vector<16xi1>, vector<16xf32>
      %add3A_1093 = arith.addf %add3A_1083, %select_n3A_1092 : vector<16xf32>
      %broadcast_in_dim3A_1094 = arith.constant 6 : i32
      %broadcast_in_dim3A_1095 = vector.broadcast %broadcast_in_dim3A_1094 : i32 to vector<16xi32>
      %gather3A_1096 = tpu.vector_load_idx %arg7[%add3A_1033, %broadcast_in_dim3A_1095] : memref<4096x16xf32, #tpu.memory_space<vmem>>[vector<16xi32>, vector<16xi32>], vector<16xf32>,
      %ge3A_1097 = arith.constant 6 : i32
      %ge3A_1098 = vector.broadcast %ge3A_1097 : i32 to vector<16xi32>
      %ge3A_1099 = arith.cmpi sge, %get3A_532, %ge3A_1098 : vector<16xi32>
      %jit3A_1100 = arith.constant 0.000000e+00 : f32
      %broadcast_in_dim3A_1101 = vector.broadcast %jit3A_1100 : f32 to vector<16xf32>
      %select_n3A_1102 = arith.select %ge3A_1099, %gather3A_1096, %broadcast_in_dim3A_1101 : vector<16xi1>, vector<16xf32>
      %add3A_1103 = arith.addf %add3A_1093, %select_n3A_1102 : vector<16xf32>
      %broadcast_in_dim3A_1104 = arith.constant 7 : i32
      %broadcast_in_dim3A_1105 = vector.broadcast %broadcast_in_dim3A_1104 : i32 to vector<16xi32>
      %gather3A_1106 = tpu.vector_load_idx %arg7[%add3A_1033, %broadcast_in_dim3A_1105] : memref<4096x16xf32, #tpu.memory_space<vmem>>[vector<16xi32>, vector<16xi32>], vector<16xf32>,
      %ge3A_1107 = arith.constant 7 : i32
      %ge3A_1108 = vector.broadcast %ge3A_1107 : i32 to vector<16xi32>
      %ge3A_1109 = arith.cmpi sge, %get3A_532, %ge3A_1108 : vector<16xi32>
      %jit3A_1110 = arith.constant 0.000000e+00 : f32
      %broadcast_in_dim3A_1111 = vector.broadcast %jit3A_1110 : f32 to vector<16xf32>
      %select_n3A_1112 = arith.select %ge3A_1109, %gather3A_1106, %broadcast_in_dim3A_1111 : vector<16xi1>, vector<16xf32>
      %add3A_1113 = arith.addf %add3A_1103, %select_n3A_1112 : vector<16xf32>
      %add3A_1114 = arith.constant 3584 : i32
      %add3A_1115 = vector.broadcast %add3A_1114 : i32 to vector<16xi32>
      %add3A_1116 = arith.addi %add3A_1115, %add3A_534 : vector<16xi32>
      %broadcast_in_dim3A_1117 = arith.constant 0 : i32
      %broadcast_in_dim3A_1118 = vector.broadcast %broadcast_in_dim3A_1117 : i32 to vector<16xi32>
      %gather3A_1119 = tpu.vector_load_idx %arg7[%add3A_1116, %broadcast_in_dim3A_1118] : memref<4096x16xf32, #tpu.memory_space<vmem>>[vector<16xi32>, vector<16xi32>], vector<16xf32>,
      %ge3A_1120 = arith.constant 0 : i32
      %ge3A_1121 = vector.broadcast %ge3A_1120 : i32 to vector<16xi32>
      %ge3A_1122 = arith.cmpi sge, %get3A_532, %ge3A_1121 : vector<16xi32>
      %jit3A_1123 = arith.constant 0.000000e+00 : f32
      %broadcast_in_dim3A_1124 = vector.broadcast %jit3A_1123 : f32 to vector<16xf32>
      %select_n3A_1125 = arith.select %ge3A_1122, %gather3A_1119, %broadcast_in_dim3A_1124 : vector<16xi1>, vector<16xf32>
      %add3A_1126 = arith.addf %add3A_1113, %select_n3A_1125 : vector<16xf32>
      %broadcast_in_dim3A_1127 = arith.constant 1 : i32
      %broadcast_in_dim3A_1128 = vector.broadcast %broadcast_in_dim3A_1127 : i32 to vector<16xi32>
      %gather3A_1129 = tpu.vector_load_idx %arg7[%add3A_1116, %broadcast_in_dim3A_1128] : memref<4096x16xf32, #tpu.memory_space<vmem>>[vector<16xi32>, vector<16xi32>], vector<16xf32>,
      %ge3A_1130 = arith.constant 1 : i32
      %ge3A_1131 = vector.broadcast %ge3A_1130 : i32 to vector<16xi32>
      %ge3A_1132 = arith.cmpi sge, %get3A_532, %ge3A_1131 : vector<16xi32>
      %jit3A_1133 = arith.constant 0.000000e+00 : f32
      %broadcast_in_dim3A_1134 = vector.broadcast %jit3A_1133 : f32 to vector<16xf32>
      %select_n3A_1135 = arith.select %ge3A_1132, %gather3A_1129, %broadcast_in_dim3A_1134 : vector<16xi1>, vector<16xf32>
      %add3A_1136 = arith.addf %add3A_1126, %select_n3A_1135 : vector<16xf32>
      %broadcast_in_dim3A_1137 = arith.constant 2 : i32
      %broadcast_in_dim3A_1138 = vector.broadcast %broadcast_in_dim3A_1137 : i32 to vector<16xi32>
      %gather3A_1139 = tpu.vector_load_idx %arg7[%add3A_1116, %broadcast_in_dim3A_1138] : memref<4096x16xf32, #tpu.memory_space<vmem>>[vector<16xi32>, vector<16xi32>], vector<16xf32>,
      %ge3A_1140 = arith.constant 2 : i32
      %ge3A_1141 = vector.broadcast %ge3A_1140 : i32 to vector<16xi32>
      %ge3A_1142 = arith.cmpi sge, %get3A_532, %ge3A_1141 : vector<16xi32>
      %jit3A_1143 = arith.constant 0.000000e+00 : f32
      %broadcast_in_dim3A_1144 = vector.broadcast %jit3A_1143 : f32 to vector<16xf32>
      %select_n3A_1145 = arith.select %ge3A_1142, %gather3A_1139, %broadcast_in_dim3A_1144 : vector<16xi1>, vector<16xf32>
      %add3A_1146 = arith.addf %add3A_1136, %select_n3A_1145 : vector<16xf32>
      %broadcast_in_dim3A_1147 = arith.constant 3 : i32
      %broadcast_in_dim3A_1148 = vector.broadcast %broadcast_in_dim3A_1147 : i32 to vector<16xi32>
      %gather3A_1149 = tpu.vector_load_idx %arg7[%add3A_1116, %broadcast_in_dim3A_1148] : memref<4096x16xf32, #tpu.memory_space<vmem>>[vector<16xi32>, vector<16xi32>], vector<16xf32>,
      %ge3A_1150 = arith.constant 3 : i32
      %ge3A_1151 = vector.broadcast %ge3A_1150 : i32 to vector<16xi32>
      %ge3A_1152 = arith.cmpi sge, %get3A_532, %ge3A_1151 : vector<16xi32>
      %jit3A_1153 = arith.constant 0.000000e+00 : f32
      %broadcast_in_dim3A_1154 = vector.broadcast %jit3A_1153 : f32 to vector<16xf32>
      %select_n3A_1155 = arith.select %ge3A_1152, %gather3A_1149, %broadcast_in_dim3A_1154 : vector<16xi1>, vector<16xf32>
      %add3A_1156 = arith.addf %add3A_1146, %select_n3A_1155 : vector<16xf32>
      %broadcast_in_dim3A_1157 = arith.constant 4 : i32
      %broadcast_in_dim3A_1158 = vector.broadcast %broadcast_in_dim3A_1157 : i32 to vector<16xi32>
      %gather3A_1159 = tpu.vector_load_idx %arg7[%add3A_1116, %broadcast_in_dim3A_1158] : memref<4096x16xf32, #tpu.memory_space<vmem>>[vector<16xi32>, vector<16xi32>], vector<16xf32>,
      %ge3A_1160 = arith.constant 4 : i32
      %ge3A_1161 = vector.broadcast %ge3A_1160 : i32 to vector<16xi32>
      %ge3A_1162 = arith.cmpi sge, %get3A_532, %ge3A_1161 : vector<16xi32>
      %jit3A_1163 = arith.constant 0.000000e+00 : f32
      %broadcast_in_dim3A_1164 = vector.broadcast %jit3A_1163 : f32 to vector<16xf32>
      %select_n3A_1165 = arith.select %ge3A_1162, %gather3A_1159, %broadcast_in_dim3A_1164 : vector<16xi1>, vector<16xf32>
      %add3A_1166 = arith.addf %add3A_1156, %select_n3A_1165 : vector<16xf32>
      %broadcast_in_dim3A_1167 = arith.constant 5 : i32
      %broadcast_in_dim3A_1168 = vector.broadcast %broadcast_in_dim3A_1167 : i32 to vector<16xi32>
      %gather3A_1169 = tpu.vector_load_idx %arg7[%add3A_1116, %broadcast_in_dim3A_1168] : memref<4096x16xf32, #tpu.memory_space<vmem>>[vector<16xi32>, vector<16xi32>], vector<16xf32>,
      %ge3A_1170 = arith.constant 5 : i32
      %ge3A_1171 = vector.broadcast %ge3A_1170 : i32 to vector<16xi32>
      %ge3A_1172 = arith.cmpi sge, %get3A_532, %ge3A_1171 : vector<16xi32>
      %jit3A_1173 = arith.constant 0.000000e+00 : f32
      %broadcast_in_dim3A_1174 = vector.broadcast %jit3A_1173 : f32 to vector<16xf32>
      %select_n3A_1175 = arith.select %ge3A_1172, %gather3A_1169, %broadcast_in_dim3A_1174 : vector<16xi1>, vector<16xf32>
      %add3A_1176 = arith.addf %add3A_1166, %select_n3A_1175 : vector<16xf32>
      %broadcast_in_dim3A_1177 = arith.constant 6 : i32
      %broadcast_in_dim3A_1178 = vector.broadcast %broadcast_in_dim3A_1177 : i32 to vector<16xi32>
      %gather3A_1179 = tpu.vector_load_idx %arg7[%add3A_1116, %broadcast_in_dim3A_1178] : memref<4096x16xf32, #tpu.memory_space<vmem>>[vector<16xi32>, vector<16xi32>], vector<16xf32>,
      %ge3A_1180 = arith.constant 6 : i32
      %ge3A_1181 = vector.broadcast %ge3A_1180 : i32 to vector<16xi32>
      %ge3A_1182 = arith.cmpi sge, %get3A_532, %ge3A_1181 : vector<16xi32>
      %jit3A_1183 = arith.constant 0.000000e+00 : f32
      %broadcast_in_dim3A_1184 = vector.broadcast %jit3A_1183 : f32 to vector<16xf32>
      %select_n3A_1185 = arith.select %ge3A_1182, %gather3A_1179, %broadcast_in_dim3A_1184 : vector<16xi1>, vector<16xf32>
      %add3A_1186 = arith.addf %add3A_1176, %select_n3A_1185 : vector<16xf32>
      %broadcast_in_dim3A_1187 = arith.constant 7 : i32
      %broadcast_in_dim3A_1188 = vector.broadcast %broadcast_in_dim3A_1187 : i32 to vector<16xi32>
      %gather3A_1189 = tpu.vector_load_idx %arg7[%add3A_1116, %broadcast_in_dim3A_1188] : memref<4096x16xf32, #tpu.memory_space<vmem>>[vector<16xi32>, vector<16xi32>], vector<16xf32>,
      %ge3A_1190 = arith.constant 7 : i32
      %ge3A_1191 = vector.broadcast %ge3A_1190 : i32 to vector<16xi32>
      %ge3A_1192 = arith.cmpi sge, %get3A_532, %ge3A_1191 : vector<16xi32>
      %jit3A_1193 = arith.constant 0.000000e+00 : f32
      %broadcast_in_dim3A_1194 = vector.broadcast %jit3A_1193 : f32 to vector<16xf32>
      %select_n3A_1195 = arith.select %ge3A_1192, %gather3A_1189, %broadcast_in_dim3A_1194 : vector<16xi1>, vector<16xf32>
      %add3A_1196 = arith.addf %add3A_1186, %select_n3A_1195 : vector<16xf32>
      %sub3A = arith.constant 1 : i32
      %sub3A_1197 = vector.broadcast %sub3A : i32 to vector<16xi32>
      %sub3A_1198 = arith.subi %get3A_530, %sub3A_1197 : vector<16xi32>
      %max3A = arith.constant 0 : i32
      %max3A_1199 = vector.broadcast %max3A : i32 to vector<16xi32>
      %max3A_1200 = arith.maxsi %sub3A_1198, %max3A_1199 : vector<16xi32>
      %mul3A_1201 = arith.constant 512 : i32
      %mul3A_1202 = vector.broadcast %mul3A_1201 : i32 to vector<16xi32>
      %mul3A_1203 = arith.muli %max3A_1200, %mul3A_1202 : vector<16xi32>
      %add3A_1204 = arith.addi %mul3A_1203, %add3A_534 : vector<16xi32>
      %gather3A_1205 = tpu.vector_load_idx %arg7[%add3A_1204, %get3A_532] : memref<4096x16xf32, #tpu.memory_space<vmem>>[vector<16xi32>, vector<16xi32>], vector<16xf32>,
      %sub3A_1206 = arith.constant 1.000000e+00 : f32
      %sub3A_1207 = vector.broadcast %sub3A_1206 : f32 to vector<16xf32>
      %sub3A_1208 = arith.subf %sub3A_1207, %add3A_1196 : vector<16xf32>
      %add3A_1209 = arith.constant 9.99999993E-9 : f32
      %add3A_1210 = vector.broadcast %add3A_1209 : f32 to vector<16xf32>
      %add3A_1211 = arith.addf %sub3A_1208, %add3A_1210 : vector<16xf32>
      %add3A_1212 = arith.constant 9.99999993E-9 : f32
      %add3A_1213 = vector.broadcast %add3A_1212 : f32 to vector<16xf32>
      %add3A_1214 = arith.addf %gather3A_1205, %add3A_1213 : vector<16xf32>
      %bitcast3A = vector.bitcast %add3A_1214 : vector<16xf32> to vector<16xi32>
      %shift_right_arithmetic3A = arith.constant 23 : i32
      %shift_right_arithmetic3A_1215 = vector.broadcast %shift_right_arithmetic3A : i32 to vector<16xi32>
      %shift_right_arithmetic3A_1216 = arith.shrsi %bitcast3A, %shift_right_arithmetic3A_1215 : vector<16xi32>
      %and3A = arith.constant 255 : i32
      %and3A_1217 = vector.broadcast %and3A : i32 to vector<16xi32>
      %and3A_1218 = arith.andi %shift_right_arithmetic3A_1216, %and3A_1217 : vector<16xi32>
      %sub3A_1219 = arith.constant 127 : i32
      %sub3A_1220 = vector.broadcast %sub3A_1219 : i32 to vector<16xi32>
      %sub3A_1221 = arith.subi %and3A_1218, %sub3A_1220 : vector<16xi32>
      %and3A_1222 = arith.constant 8388607 : i32
      %and3A_1223 = vector.broadcast %and3A_1222 : i32 to vector<16xi32>
      %and3A_1224 = arith.andi %bitcast3A, %and3A_1223 : vector<16xi32>
      %or3A = arith.constant 1065353216 : i32
      %or3A_1225 = vector.broadcast %or3A : i32 to vector<16xi32>
      %or3A_1226 = arith.ori %and3A_1224, %or3A_1225 : vector<16xi32>
      %bitcast3A_1227 = vector.bitcast %or3A_1226 : vector<16xi32> to vector<16xf32>
      %sub3A_1228 = arith.constant 1.000000e+00 : f32
      %sub3A_1229 = vector.broadcast %sub3A_1228 : f32 to vector<16xf32>
      %sub3A_1230 = arith.subf %bitcast3A_1227, %sub3A_1229 : vector<16xf32>
      %add3A_1231 = arith.constant 1.000000e+00 : f32
      %add3A_1232 = vector.broadcast %add3A_1231 : f32 to vector<16xf32>
      %add3A_1233 = arith.addf %bitcast3A_1227, %add3A_1232 : vector<16xf32>
      %div3A = arith.divf %sub3A_1230, %add3A_1233 : vector<16xf32>
      %mul3A_1234 = arith.mulf %div3A, %div3A : vector<16xf32>
      %mul3A_1235 = arith.constant 2.000000e+00 : f32
      %mul3A_1236 = vector.broadcast %mul3A_1235 : f32 to vector<16xf32>
      %mul3A_1237 = arith.mulf %mul3A_1236, %div3A : vector<16xf32>
      %mul3A_1238 = arith.constant 0.111111112 : f32
      %mul3A_1239 = vector.broadcast %mul3A_1238 : f32 to vector<16xf32>
      %mul3A_1240 = arith.mulf %mul3A_1234, %mul3A_1239 : vector<16xf32>
      %add3A_1241 = arith.constant 0.142857149 : f32
      %add3A_1242 = vector.broadcast %add3A_1241 : f32 to vector<16xf32>
      %add3A_1243 = arith.addf %add3A_1242, %mul3A_1240 : vector<16xf32>
      %mul3A_1244 = arith.mulf %mul3A_1234, %add3A_1243 : vector<16xf32>
      %add3A_1245 = arith.constant 2.000000e-01 : f32
      %add3A_1246 = vector.broadcast %add3A_1245 : f32 to vector<16xf32>
      %add3A_1247 = arith.addf %add3A_1246, %mul3A_1244 : vector<16xf32>
      %mul3A_1248 = arith.mulf %mul3A_1234, %add3A_1247 : vector<16xf32>
      %add3A_1249 = arith.constant 0.333333343 : f32
      %add3A_1250 = vector.broadcast %add3A_1249 : f32 to vector<16xf32>
      %add3A_1251 = arith.addf %add3A_1250, %mul3A_1248 : vector<16xf32>
      %mul3A_1252 = arith.mulf %mul3A_1234, %add3A_1251 : vector<16xf32>
      %add3A_1253 = arith.constant 1.000000e+00 : f32
      %add3A_1254 = vector.broadcast %add3A_1253 : f32 to vector<16xf32>
      %add3A_1255 = arith.addf %add3A_1254, %mul3A_1252 : vector<16xf32>
      %mul3A_1256 = arith.mulf %mul3A_1237, %add3A_1255 : vector<16xf32>
      %convert_element_type3A = arith.sitofp %sub3A_1221 : vector<16xi32> to vector<16xf32>
      %mul3A_1257 = arith.constant 0.693147182 : f32
      %mul3A_1258 = vector.broadcast %mul3A_1257 : f32 to vector<16xf32>
      %mul3A_1259 = arith.mulf %convert_element_type3A, %mul3A_1258 : vector<16xf32>
      %add3A_1260 = arith.addf %mul3A_1259, %mul3A_1256 : vector<16xf32>
      %bitcast3A_1261 = vector.bitcast %add3A_1211 : vector<16xf32> to vector<16xi32>
      %shift_right_arithmetic3A_1262 = arith.constant 23 : i32
      %shift_right_arithmetic3A_1263 = vector.broadcast %shift_right_arithmetic3A_1262 : i32 to vector<16xi32>
      %shift_right_arithmetic3A_1264 = arith.shrsi %bitcast3A_1261, %shift_right_arithmetic3A_1263 : vector<16xi32>
      %and3A_1265 = arith.constant 255 : i32
      %and3A_1266 = vector.broadcast %and3A_1265 : i32 to vector<16xi32>
      %and3A_1267 = arith.andi %shift_right_arithmetic3A_1264, %and3A_1266 : vector<16xi32>
      %sub3A_1268 = arith.constant 127 : i32
      %sub3A_1269 = vector.broadcast %sub3A_1268 : i32 to vector<16xi32>
      %sub3A_1270 = arith.subi %and3A_1267, %sub3A_1269 : vector<16xi32>
      %and3A_1271 = arith.constant 8388607 : i32
      %and3A_1272 = vector.broadcast %and3A_1271 : i32 to vector<16xi32>
      %and3A_1273 = arith.andi %bitcast3A_1261, %and3A_1272 : vector<16xi32>
      %or3A_1274 = arith.constant 1065353216 : i32
      %or3A_1275 = vector.broadcast %or3A_1274 : i32 to vector<16xi32>
      %or3A_1276 = arith.ori %and3A_1273, %or3A_1275 : vector<16xi32>
      %bitcast3A_1277 = vector.bitcast %or3A_1276 : vector<16xi32> to vector<16xf32>
      %sub3A_1278 = arith.constant 1.000000e+00 : f32
      %sub3A_1279 = vector.broadcast %sub3A_1278 : f32 to vector<16xf32>
      %sub3A_1280 = arith.subf %bitcast3A_1277, %sub3A_1279 : vector<16xf32>
      %add3A_1281 = arith.constant 1.000000e+00 : f32
      %add3A_1282 = vector.broadcast %add3A_1281 : f32 to vector<16xf32>
      %add3A_1283 = arith.addf %bitcast3A_1277, %add3A_1282 : vector<16xf32>
      %div3A_1284 = arith.divf %sub3A_1280, %add3A_1283 : vector<16xf32>
      %mul3A_1285 = arith.mulf %div3A_1284, %div3A_1284 : vector<16xf32>
      %mul3A_1286 = arith.constant 2.000000e+00 : f32
      %mul3A_1287 = vector.broadcast %mul3A_1286 : f32 to vector<16xf32>
      %mul3A_1288 = arith.mulf %mul3A_1287, %div3A_1284 : vector<16xf32>
      %mul3A_1289 = arith.constant 0.111111112 : f32
      %mul3A_1290 = vector.broadcast %mul3A_1289 : f32 to vector<16xf32>
      %mul3A_1291 = arith.mulf %mul3A_1285, %mul3A_1290 : vector<16xf32>
      %add3A_1292 = arith.constant 0.142857149 : f32
      %add3A_1293 = vector.broadcast %add3A_1292 : f32 to vector<16xf32>
      %add3A_1294 = arith.addf %add3A_1293, %mul3A_1291 : vector<16xf32>
      %mul3A_1295 = arith.mulf %mul3A_1285, %add3A_1294 : vector<16xf32>
      %add3A_1296 = arith.constant 2.000000e-01 : f32
      %add3A_1297 = vector.broadcast %add3A_1296 : f32 to vector<16xf32>
      %add3A_1298 = arith.addf %add3A_1297, %mul3A_1295 : vector<16xf32>
      %mul3A_1299 = arith.mulf %mul3A_1285, %add3A_1298 : vector<16xf32>
      %add3A_1300 = arith.constant 0.333333343 : f32
      %add3A_1301 = vector.broadcast %add3A_1300 : f32 to vector<16xf32>
      %add3A_1302 = arith.addf %add3A_1301, %mul3A_1299 : vector<16xf32>
      %mul3A_1303 = arith.mulf %mul3A_1285, %add3A_1302 : vector<16xf32>
      %add3A_1304 = arith.constant 1.000000e+00 : f32
      %add3A_1305 = vector.broadcast %add3A_1304 : f32 to vector<16xf32>
      %add3A_1306 = arith.addf %add3A_1305, %mul3A_1303 : vector<16xf32>
      %mul3A_1307 = arith.mulf %mul3A_1288, %add3A_1306 : vector<16xf32>
      %convert_element_type3A_1308 = arith.sitofp %sub3A_1270 : vector<16xi32> to vector<16xf32>
      %mul3A_1309 = arith.constant 0.693147182 : f32
      %mul3A_1310 = vector.broadcast %mul3A_1309 : f32 to vector<16xf32>
      %mul3A_1311 = arith.mulf %convert_element_type3A_1308, %mul3A_1310 : vector<16xf32>
      %add3A_1312 = arith.addf %mul3A_1311, %mul3A_1307 : vector<16xf32>
      %gt3A = arith.constant 0 : i32
      %gt3A_1313 = vector.broadcast %gt3A : i32 to vector<16xi32>
      %gt3A_1314 = arith.cmpi sgt, %get3A_530, %gt3A_1313 : vector<16xi32>
      %gt3A_1315 = arith.constant 0.000000e+00 : f32
      %gt3A_1316 = vector.broadcast %gt3A_1315 : f32 to vector<16xf32>
      %gt3A_1317 = arith.cmpf ogt, %add3A_1211, %gt3A_1316 : vector<16xf32>
      %jit3A_1318 = arith.constant 0.000000e+00 : f32
      %broadcast_in_dim3A_1319 = vector.broadcast %jit3A_1318 : f32 to vector<16xf32>
      %select_n3A_1320 = arith.select %gt3A_1317, %add3A_1312, %broadcast_in_dim3A_1319 : vector<16xi1>, vector<16xf32>
      %select_n3A_1321 = arith.select %gt3A_1314, %add3A_1260, %select_n3A_1320 : vector<16xi1>, vector<16xf32>
      %add3A_1322 = arith.addf %scan3A_527, %select_n3A_1321 : vector<16xf32>
      scf.yield %add3A_1322 : vector<16xf32>
    }
    %scan3A_524 = arith.constant 32 : i32
    %swap3A = arith.constant 0 : index
    %swap3A_525 = tpu.vector_load %arg10[%swap3A] {strides = array<i32>} : memref<16xf32, #tpu.memory_space<vmem>>, vector<16xf32>,
    tpu.vector_store %arg10[%swap3A], %scan3A_523 {strides = array<i32>} : memref<16xf32, #tpu.memory_space<vmem>>, vector<16xf32>,
    "tpu.region"() ({
      %run_scoped3A = tpu.sem_alloc : memref<!tpu.dma_semaphore, #tpu.memory_space<semaphore_mem>>
      %dma_start3A_526 = arith.constant 0 : i32
      %dma_start3A_527 = tpu.memref_slice %arg5[%add3A, %dma_start3A_526] : memref<32x16xf32, #tpu.memory_space<hbm>> -> memref<1x16xf32, #tpu.memory_space<hbm>>
      %dma_start3A_528 = tpu.memref_squeeze %dma_start3A_527 : memref<1x16xf32, #tpu.memory_space<hbm>> -> memref<16xf32, #tpu.memory_space<hbm>>
      %dma_start3A_529 = arith.constant 0 : i32
      %dma_start3A_530 = tpu.memref_slice %arg5[%add3A, %dma_start3A_529] : memref<32x16xf32, #tpu.memory_space<hbm>> -> memref<1x16xf32, #tpu.memory_space<hbm>>
      %dma_start3A_531 = tpu.memref_squeeze %dma_start3A_530 : memref<1x16xf32, #tpu.memory_space<hbm>> -> memref<16xf32, #tpu.memory_space<hbm>>
      tpu.enqueue_dma source(%arg10 : memref<16xf32, #tpu.memory_space<vmem>>) target(%dma_start3A_531 : memref<16xf32, #tpu.memory_space<hbm>>) target_semaphore(%run_scoped3A : memref<!tpu.dma_semaphore, #tpu.memory_space<semaphore_mem>>)
      %dma_wait3A_532 = arith.constant 0 : i32
      %dma_wait3A_533 = tpu.memref_slice %arg5[%add3A, %dma_wait3A_532] : memref<32x16xf32, #tpu.memory_space<hbm>> -> memref<1x16xf32, #tpu.memory_space<hbm>>
      %dma_wait3A_534 = tpu.memref_squeeze %dma_wait3A_533 : memref<1x16xf32, #tpu.memory_space<hbm>> -> memref<16xf32, #tpu.memory_space<hbm>>
      %dma_wait3A_535 = arith.constant 0 : i32
      %dma_wait3A_536 = tpu.memref_slice %arg5[%add3A, %dma_wait3A_535] : memref<32x16xf32, #tpu.memory_space<hbm>> -> memref<1x16xf32, #tpu.memory_space<hbm>>
      %dma_wait3A_537 = tpu.memref_squeeze %dma_wait3A_536 : memref<1x16xf32, #tpu.memory_space<hbm>> -> memref<16xf32, #tpu.memory_space<hbm>>
      tpu.wait_dma2 semaphore(%run_scoped3A : memref<!tpu.dma_semaphore, #tpu.memory_space<semaphore_mem>>) src(%arg10 : memref<16xf32, #tpu.memory_space<vmem>>) dst(%dma_wait3A_537 : memref<16xf32, #tpu.memory_space<hbm>>)
      tpu.yield
    }) : () -> ()
    return
  }
}

module attributes {stable_mosaic.version = 14 : i64} {
  func.func @_finish_body(%arg0: memref<32x16xf32, #tpu.memory_space<vmem>>, %arg1: memref<1x1xf32, #tpu.memory_space<smem>>) attributes {dimension_semantics = [], scalar_prefetch = 0 : i64, scratch_operands = 0 : i64, tpu.core_type = #tpu.core_type<tc>} {
    %get3A = arith.constant 0 : index
    %get3A_0 = arith.constant 0 : index
    %get3A_1 = vector.load %arg0[%get3A, %get3A_0] : memref<32x16xf32, #tpu.memory_space<vmem>>, vector<32x16xf32>
    %reduce_sum3A = vector.shape_cast %get3A_1 : vector<32x16xf32> to vector<1x32x16xf32>
    %reduce_sum3A_2 = arith.constant dense<0.000000e+00> : vector<1xf32>
    %reduce_sum3A_3 = vector.multi_reduction <add>, %reduce_sum3A, %reduce_sum3A_2 [1, 2] : vector<1x32x16xf32> to vector<1xf32>
    %reduce_sum3A_4 = vector.shape_cast %reduce_sum3A_3 : vector<1xf32> to vector<1x1x1xf32>
    %reduce_sum3A_5 = vector.extract %reduce_sum3A_4[0, 0, 0] : f32 from vector<1x1x1xf32>
    %neg3A = arith.constant 0.000000e+00 : f32
    %neg3A_6 = arith.subf %neg3A, %reduce_sum3A_5 : f32
    %swap3A = arith.constant 0 : index
    %swap3A_7 = arith.constant 0 : index
    %swap3A_8 = memref.load %arg1[%swap3A, %swap3A_7] : memref<1x1xf32, #tpu.memory_space<smem>>
    memref.store %neg3A_6, %arg1[%swap3A, %swap3A_7] : memref<1x1xf32, #tpu.memory_space<smem>>
    return
  }
}

</mosaic_0001>

<sc_bundles>
// kernel: _run.4.cloned.1.call-start
scs
__scs_entry_jumppad:
0x0: {  	(pc) =	sbr.rel $0x88, $3  }
0x1: {  	(tag) =	ssettag $0x0;
	lr =	simm.s32 $0x1  }
0x2: {  	[smem:$0x3F9E] =	sst lr;
	_ =	strace $0xD0000000  }
0x3: {  	_ = 	snop  }
0x4: {  	_ = 	snop  }
0x5: {  	_ = 	snop  }
0x6: {  	_ = 	snop  }
0x7: {  	_ = 	snop  }
__scs_overlays_trampoline_lowered:
0x8: {  	[smem:$0x3FAD] =	sst s0  }
0x9: {  	[smem:$0x3FAE] =	sst s1  }
0xa: {  	[smem:$0x3FAF] =	sst s2  }
0xb: {  	[smem:$0x3FB0] =	sst s3  }
0xc: {  	[smem:$0x3FB1] =	sst s4  }
0xd: {  	[smem:$0x3FB2] =	sst s5  }
0xe: {  	[smem:$0x3FB3] =	sst s6  }
0xf: {  	[smem:$0x3FB4] =	sst s7  }
0x10: {  	[smem:$0x3FB5] =	sst s8  }
0x11: {  	[smem:$0x3FB6] =	sst s9;
	s0 =	simm.s32 @!p0 $0x0  }
0x12: {  	s1 =	sld [smem:$0x3F9C];
	s0 =	simm.s32 @p0 $0x1  }
0x13: {  	[smem:$0x3FB7] =	sst s0;
	s0 =	simm.s32 @!p1 $0x0  }
0x14: {  	s2 =	sld [smem:$0x3F9B];
	s0 =	simm.s32 @p1 $0x1  }
0x15: {  	[smem:$0x3FB8] =	sst s0;
	s0 =	simm.s32 @!p2 $0x0  }
0x16: {  	s3 =	sld [smem:$0x3FDB];
	s0 =	simm.s32 @p2 $0x1  }
0x17: {  	s4 =	simm.s32 $0x1BF5;
	[smem:$0x3FBA] =	sst s0  }
0x18: {  	s0 =	sld [smem:$0x3F9D];
	_ =	swait.ge [sflag:s4], $0x0  }
0x19: {  	s7 =	sld [smem:$0x3F9E]  }
0x1a: {  	s8 =	sadd.s32 $0xFFFFE003, lr  }
0x1b: {  	s9 =	sadd.s32 $0xFFFFFEF7, lr;
	s5 =	simm.s32 $0xFFFFFFFF;
	p2 =	slt.u32 s8, $0xFFFFF086  }
0x1c: {  	p1 =	slt.u32 s9, $0xF7A;
	s5 =	simm.s32 @!p2 $0x0  }
0x1d: {  	s5 =	simm.s32 @p1 $0x1;
	p0 =	seq.s32 s7, s2  }
0x1e: {  	s7 =	smul.u32 @!p0 $0xF7A, s2;
	p2 =	seq.s32 @!p0 s5, $0x0  }
0x1f: {  	s9 =	smul.u32 $0xF7A, s1;
	s8 =	simm.s32 @!p0 $0x1BF5;
	p2 =	por !p2, p0  }
0x20: {  	[sflag:s8] =	ssyncset.s32 @!p0 $0xFFFFF086;
	s6 =	sadd.s32 @!p0 s3, s7;
	s7 =	simm.s32 @!p0 $0x108  }
0x21: {  	s3 =	sadd.s32 s3, s9;
	s6 =	sadd.s32 @!p0 $0x88, s6;
	s7 =	simm.s32 @p2 $0x1082  }
0x22: {  	[simem:s7], [sflag:s8] =	dma.local @!p0 [hbm:s6], $0xF7A  }
0x23: {  	s9 =	sor.u32 $0xD0000000, s2;
	s6 =	simm.s32 $0x108;
	_ =	swait.ge @!p0 [sflag:s8], $0x0  }
0x24: {  	s3 =	sadd.s32 $0x88, s3;
	s6 =	simm.s32 @!p1 $0x1082;
	[sflag:s4] =	ssyncset.s32 $0xFFFFF086  }
0x25: {  	[simem:s6], [sflag:s4] =	dma.local [hbm:s3], $0xF7A  }
0x26: {  	[smem:$0x3F9E] =	sst s1;
	(tag) =	ssettag s2;
	_ =	strace s9  }
0x27: {  	s1 =	sld [smem:$0x3FAE]  }
0x28: {  	s2 =	sld [smem:$0x3FAF]  }
0x29: {  	s4 =	sld [smem:$0x3FB1]  }
0x2a: {  	p0 =	seq.s32 s5, $0x0;
	s5 =	sld [smem:$0x3FB2]  }
0x2b: {  	s6 =	sld [smem:$0x3FB3]  }
0x2c: {  	s7 =	sld [smem:$0x3FB4]  }
0x2d: {  	s3 =	simm.s32 $0x108;
	s8 =	sld [smem:$0x3FB5]  }
0x2e: {  	s3 =	simm.s32 @!p0 $0x1082;
	s9 =	sld [smem:$0x3FB6]  }
0x2f: {  	lr =	sadd.s32 s0, s3;
	s0 =	sld [smem:$0x3FAD]  }
0x30: {  	s3 =	sld [smem:$0x3FB0]  }
0x31: {  	[smem:$0x3FB9] =	sst s10  }
0x32: {  	s10 =	sld [smem:$0x3FB7];
	_ =	sdelay $0x3  }
0x33: {  	p0 =	seq.s32 s10, $0x1;
	s10 =	sld [smem:$0x3FB9];
	_ =	sdelay $0x3  }
0x34: {  	[smem:$0x3FB9] =	sst s10  }
0x35: {  	s10 =	sld [smem:$0x3FB8];
	_ =	sdelay $0x3  }
0x36: {  	p1 =	seq.s32 s10, $0x1;
	s10 =	sld [smem:$0x3FB9];
	_ =	sdelay $0x3  }
0x37: {  	[smem:$0x3FB9] =	sst s10  }
0x38: {  	s10 =	sld [smem:$0x3FBA]  }
0x39: {  	_ = 	snop;
	(pc) =	sbr.ind lr, $3  }
0x3a: {  	_ = 	snop  }
0x3b: {  	_ = 	snop  }
0x3c: {  	p2 =	seq.s32 s10, $0x1;
	s10 =	sld [smem:$0x3FB9]  }
0x3d: {  	_ =	shalt  }
0x3e: {  	_ =	shalt  }
0x3f: {  	_ =	shalt  }
0x40: {  	_ =	shalt  }
0x41: {  	_ =	shalt  }
0x42: {  	_ =	shalt  }
0x43: {  	_ =	shalt  }
0x44: {  	_ =	shalt  }
0x45: {  	_ =	shalt  }
0x46: {  	_ =	shalt  }
0x47: {  	_ =	shalt  }
0x48: {  	_ =	shalt  }
0x49: {  	_ =	shalt  }
0x4a: {  	_ =	shalt  }
0x4b: {  	_ =	shalt  }
0x4c: {  	_ =	shalt  }
0x4d: {  	_ =	shalt  }
0x4e: {  	_ =	shalt  }
0x4f: {  	_ =	shalt  }
0x50: {  	_ =	shalt  }
0x51: {  	_ =	shalt  }
0x52: {  	_ =	shalt  }
0x53: {  	_ =	shalt  }
0x54: {  	_ =	shalt  }
0x55: {  	_ =	shalt  }
0x56: {  	_ =	shalt  }
0x57: {  	_ =	shalt  }
0x58: {  	_ =	shalt  }
0x59: {  	_ =	shalt  }
0x5a: {  	_ =	shalt  }
0x5b: {  	_ =	shalt  }
0x5c: {  	_ =	shalt  }
0x5d: {  	_ =	shalt  }
0x5e: {  	_ =	shalt  }
0x5f: {  	_ =	shalt  }
0x60: {  	_ =	shalt  }
0x61: {  	_ =	shalt  }
0x62: {  	_ =	shalt  }
0x63: {  	_ =	shalt  }
0x64: {  	_ =	shalt  }
0x65: {  	_ =	shalt  }
0x66: {  	_ =	shalt  }
0x67: {  	_ =	shalt  }
0x68: {  	_ =	shalt  }
0x69: {  	_ =	shalt  }
0x6a: {  	_ =	shalt  }
0x6b: {  	_ =	shalt  }
0x6c: {  	_ =	shalt  }
0x6d: {  	_ =	shalt  }
0x6e: {  	_ =	shalt  }
0x6f: {  	_ =	shalt  }
0x70: {  	_ =	shalt  }
0x71: {  	_ =	shalt  }
0x72: {  	_ =	shalt  }
0x73: {  	_ =	shalt  }
0x74: {  	_ =	shalt  }
0x75: {  	_ =	shalt  }
0x76: {  	_ =	shalt  }
0x77: {  	_ =	shalt  }
0x78: {  	_ =	shalt  }
0x79: {  	_ =	shalt  }
0x7a: {  	_ =	shalt  }
0x7b: {  	_ =	shalt  }
0x7c: {  	_ =	shalt  }
0x7d: {  	_ =	shalt  }
0x7e: {  	_ =	shalt  }
0x7f: {  	_ =	shalt  }
0x80: {  	_ =	shalt  }
0x81: {  	_ =	shalt  }
0x82: {  	_ =	shalt  }
0x83: {  	_ =	shalt  }
0x84: {  	_ =	shalt  }
0x85: {  	_ =	shalt  }
0x86: {  	_ =	shalt  }
0x87: {  	_ =	shalt  }
.Lfunc_end0:
.L_simem_size_0:
called_computation_lowered:
.L_overlay_start_0:
0x88: {  	s2 =	sld [smem:$0x3FD9]  }
0x89: {  	s3 =	sld [smem:$0x3FFE];
	_ =	sdelay $0x1  }
0x8a: {  	s1 =	srdreg.scid  }
0x8b: {  	s0 =	sand.u32 $0x1, s1  }
0x8c: {  	s17 =	sshll.u32 s0, $0xA;
	s2 =	sadd.s32 s3, s2  }
0x8d: {  	s2 =	sadd.s32 s2, s17  }
0x8e: {  	[smem:$0x3FC5] =	sst s2  }
0x8f: {  	_ = 	snop  }
0x90: {  	s2 =	sld [smem:$0x3FC8]  }
0x91: {  	s18 =	sld [smem:$0x3FC7];
	(tm) =	ssettm $0x1  }
0x92: {  	s4 =	sld [smem:$0x3FFB];
	_ =	sdelay $0x3  }
0x93: {  	_ =	strace s4  }
0x94: {  	s4 =	sld [smem:$0x3FFC];
	_ =	sdelay $0x3  }
0x95: {  	_ =	strace s4  }
0x96: {  	s4 =	sld [smem:$0x3FFD];
	_ =	sdelay $0x3  }
0x97: {  	_ =	strace s4  }
0x98: {  	_ =	strace $0x8FFFFFFF  }
0x99: {  	s19 =	sld [smem:$0x3FDB];
	_ =	sdelay $0x1  }
0x9a: {  	s5 =	simm.s32 $_scs_section_size  }
0x9b: {  	s6 =	simm.s32 $_size__tile_overlayer_lowered;
	s7 =	simm.s32 $_tile_overlayer_lowered  }
0x9c: {  	s22 =	simm.s32 $0x1BFF;
	s21 =	sshll.u32 s7, $0x1;
	s4 =	sadd.s32 s5, s19  }
0x9d: {  	s8 =	simm.s32 $0x0;
	s20 =	sshll.u32 s6, $0x1;
	s6 =	sadd.s32 s21, s4  }
0x9e: {  	[timem:s8], [sflag:s22] =	dma.local [hbm:s6], s20  }
0x9f: {  	_ =	swait.ge [sflag:s22], s20  }
0xa0: {  	s5 =	ssub.s32 $0x0, s20;
	[sflag:s22] =	ssyncset.done $0x0  }
0xa1: {  	[sflag:s22] =	ssyncadd.s32 s5;
	_ =	sdelay $0x1  }
0xa2: {  	s23 =	simm.s32 $0x1B8B  }
0xa3: {  	_ =	swait.ge [sflag:s23], $0x1  }
0xa4: {  	[sflag:s23] =	ssyncset.done $0x0  }
0xa5: {  	s25 =	simm.s32 $0x1B8E;
	s24 =	sld [smem:$0x3FFE];
	[sflag:s23] =	ssyncadd.s32 $0xFFFFFFFF  }
0xa6: {  	s26 =	simm.s32 $execute0_lowered;
	[smem:$0x3FD2] =	sst s25  }
0xa7: {  	s6 =	sshll.u32 s26, $0x1;
	_ =	strace $0x80000046;
	[dreg:$0x1] =	wrdreg $0xFFFFFFFF  }
0xa8: {  	s28 =	simm.s32 $_size_execute0_lowered;
	s4 =	sadd.s32 s4, s6;
	[dreg:$0x0] =	wrdreg $0x0  }
0xa9: {  	s6 =	sshll.u32 s28, $0x1;
	[dreg:$0x2] =	wrdreg s4  }
0xaa: {  	[dreg:$0x3] =	wrdreg s6  }
0xab: {  	[dreg:$0x4] =	wrdreg $0xC0  }
0xac: {  	_ =	task [dreg:s8], $0x5FFFF  }
0xad: {  	[dreg:$0x1] =	wrdreg $0xFFFFFFFF  }
0xae: {  	[dreg:$0x0] =	wrdreg $0x60  }
0xaf: {  	[dreg:$0x2] =	wrdreg s24  }
0xb0: {  	[dreg:$0x3] =	wrdreg s2  }
0xb1: {  	[dreg:$0x4] =	wrdreg s18  }
0xb2: {  	[dreg:$0x5] =	wrdreg $0x9  }
0xb3: {  	_ =	task.clear_ibuf [dreg:s8], $0x6FFFF;
	_ =	strace $0x90000046  }
0xb4: {  	s29 =	simm.s32 $0x9;
	_ =	strace $0x80000048  }
0xb5: {  	_ =	swait.ge [sflag:s29], $0x1  }
0xb6: {  	[sflag:s29] =	ssyncadd.s32 $0xFFFFFFFF  }
0xb7: {  	_ =	strace $0x90000048  }
0xb8: {  	_ =	sfence  }
0xb9: {  	s30 =	sld [smem:$0x0];
	_ =	sdelay $0x2  }
0xba: {  	s31 =	sshll.u32 s1, $0xD;
	s1 =	sshrl.u32 s1, $0x2  }
0xbb: {  	s3 =	sand.u32 $0x4000, s31;
	s1 =	sadd.s32 s1, s30  }
0xbc: {  	s0 =	sor.u32 s3, s0;
	s1 =	sshll.u32 s1, $0x11  }
0xbd: {  	s0 =	sor.u32 s1, s0  }
0xbe: {  	s0 =	sadd.s32 $0x8F2B, s0  }
0xbf: {  	[sflag:s0] =	ssyncadd.remote.s32 $0x1  }
0xc0: {  	_ =	sfence.sel $0xFFFF  }
0xc1: {  	[dreg:$0x0] =	wrdreg $0xFFFFFFFF;
	(pc) =	sbr.abs _section_cstart, $3  }
0xc2: {  	[dreg:$0x1] =	wrdreg $0xFFFFFFFF  }
0xc3: {  	_ =	task.clear_ibuf [dreg:s8], $0x2FFFF;
	_ =	strace $0x9FFFFFFF  }
0xc4: {  	(tm) =	ssettm $0x7FFFFFFF  }
0xc5: {  	_ =	shalt  }
tec
execute0_lowered:
.L_overlay_start_1:
0x0: {  	(tag) =	ssettag $0x1  }
0x1: {  	s0 =	rddreg [dreg:$0x0]  }
0x2: {  	s1 =	rddreg [dreg:$0x1]  }
0x3: {  	s5 =	rddreg [dreg:$0x2];
	s2 =	simm.s32 $0x0  }
0x4: {  	s3 =	srdreg.scid;
	s11 =	stileid.u32;
	s12 =	simm.s32 $0x80  }
0x5: {  	s13 =	simm.s32 $0x1000;
	s22 =	simm.s32 $0x800;
	s19 =	simm.s32 $0xC80  }
0x6: {  	s20 =	simm.s32 $0xD800;
	s21 =	simm.s32 $0xD00;
	s23 =	simm.s32 $0xE000  }
0x7: {  	s24 =	simm.s32 $0xD80;
	s28 =	simm.s32 $0xF000;
	s29 =	simm.s32 $0xE80  }
0x8: {  	s30 =	simm.s32 $0xF800;
	s31 =	simm.s32 $0xF00;
	s14 =	simm.s32 $0x11400  }
0x9: {  	s15 =	simm.s32 $0x0;
	[smem:$0x7FF] =	sst s2;
	s6 =	sand.u32 $0x1, s3  }
0xa: {  	v4 =	vlaneseq.u32;
	s4 =	sshll.u32 s11, $0x1;
	s3 =	sadd.s32 $0x4000400, s0;
	s25 =	sshll.u32 s11, $0xA  }
0xb: {  	v0 =	vand.u32 $0x7, v4;
	v1 =	vmul.u32 $0x100, v4;
	v4 =	vmul.u32 $0x10, v4;
	s11 =	simm.s32 $0x1;
	_ =	strace $0x80000047;
	s4 =	sor.u32 s6, s4  }
0xc: {  	s7 =	ssub.s32 $0x2, s6;
	s26 =	sshll.u32 s6, $0x9;
	s8 =	sshll.u32 s4, $0x1  }
0xd: {  	v0 =	vmul.u32 $0x8, v0;
	s9 =	sshrl.u32 s7, $0x1;
	s10 =	sshll.u32 s4, $0x6;
	v10 =	vor.u32 $0xE000, v4;
	v11 =	vor.u32 $0xC000, v4;
	s0 =	sadd.s32 s8, s0  }
0xe: {  	v12 =	vor.u32 $0xA000, v4;
	v13 =	vor.u32 $0x8000, v4;
	v14 =	vor.u32 $0x6000, v4;
	s7 =	ssub.s32 s7, s9;
	s4 =	sadd.s32 s1, s10;
	s5 =	sadd.s32 s5, s10  }
0xf: {  	v15 =	vor.u32 $0x4000, v4;
	v16 =	vor.u32 $0x2000, v4;
	s8 =	sor.u32 s26, s25;
	s10 =	simm.s32 $0x2;
	v2 =	vor.u32 $0x100, v0;
	s25 =	simm.s32 $0xE800  }
0x10: {  	v3 =	vor.u32 $0x200, v0;
	v5 =	vor.u32 $0x300, v0;
	v6 =	vor.u32 $0x400, v0;
	s26 =	simm.s32 $0xE00;
	s1 =	simm.s32 $0xF80;
	s9 =	simm.s32 $0x10800  }
0x11: {  	v7 =	vor.u32 $0x500, v0;
	v8 =	vor.u32 $0x600, v0;
	v9 =	vor.u32 $0x700, v0;
	s6 =	sadd.s32 $0x400, s0;
	s7 =	smax.u32 s7, $0x1;
	s0 =	simm.s32 $0x10000  }
.LBB2_1:
0x12: {  	s16 =	simm.s32 $0x11000  }
0x13: {  	[tilespmem:s16], [sflag:$0x2] =	stream.linear.gather [hbm4b:s4+s2], $0x200, $0x38;
	[tilespmem:$0x11410] =	vst v63  }
0x14: {  	_ =	swait.ge [sflag:s10], $0x200  }
0x15: {  	s17 =	sadd.s32 $0x0, s8;
	[sflag:s10] =	ssyncset.done $0x0  }
0x16: {  	s18 =	simm.s32 $0x11200;
	v17 =	vmov s17;
	[sflag:s10] =	ssyncadd.s32 $0xFFFFFE00  }
0x17: {  	v17 =	vshll.u32 v17, $0x8;
	[tilespmem:s18], [sflag:$0x2] =	stream.linear.gather [hbm4b:s5+s2], $0x200, $0x38;
	[tilespmem:$0x11410] =	vst v63  }
0x18: {  	v17 =	vor.u32 v1, v17;
	_ =	swait.ge [sflag:s10], $0x200  }
0x19: {  	v18 =	vand.u32 $0xFFFFF800, v17;
	[sflag:s10] =	ssyncset.done $0x0  }
0x1a: {  	v19 =	vor.u32 v8, v18;
	[sflag:s10] =	ssyncadd.s32 $0xFFFFFE00  }
0x1b: {  	v20 =	vor.u32 v0, v18;
	[tilespmem:s22+$0x400] =	vst v19  }
0x1c: {  	v17 =	vor.u32 v9, v17;
	v22 =	vor.u32 v2, v18;
	v21 =	vor.u32 v3, v18;
	[tilespmem:s22+$0xFFFFF800] =	vst v20  }
0x1d: {  	s17 =	simm.s32 $0x20;
	s16 =	simm.s32 $0x800;
	s18 =	sadd.s32 $0x10, s8;
	v20 =	vor.u32 v5, v18;
	v19 =	vor.u32 v6, v18;
	v18 =	vor.u32 v7, v18;
	[tilespmem:s22+$0xFFFFFA00] =	vst v22  }
.LBB2_2:
0x1e: {  	p0 =	sne.s32 s17, $0x1F0;
	v22 =	vmov s18;
	[tilespmem:s16+$0xFFFFFC00] =	vst v21  }
0x1f: {  	v21 =	vshll.u32 v22, $0x8;
	[tilespmem:s16+$0xFFFFFE00] =	vst v20  }
0x20: {  	v20 =	vor.u32 v1, v21;
	[tilespmem:s16+$0x0] =	vst v19  }
.Ltmp0:
0x21: {  	v22 =	vand.u32 $0xFFFFF800, v20;
	v23 =	vor.u32 v9, v20;
	[tilespmem:s16+$0x200] =	vst v18;
	(pc) =	sbr.rel @p0 .LBB2_2-.Ltmp0, $4  }
0x22: {  	v18 =	vor.u32 v0, v22;
	v24 =	vor.u32 v2, v22;
	v25 =	vor.u32 v8, v22;
	[tilespmem:s16+$0x600] =	vst v17;
	s16 =	sadd.s32 $0x10, s16  }
0x23: {  	v21 =	vor.u32 v3, v22;
	v20 =	vor.u32 v5, v22;
	v19 =	vor.u32 v6, v22;
	[tilespmem:s16+$0x400] =	vst v25  }
0x24: {  	v17 =	vmov v23;
	[tilespmem:s16+$0xFFFFF800] =	vst v18;
	v18 =	vor.u32 v7, v22  }
0x25: {  	s18 =	sadd.s32 s17, s8;
	s17 =	sadd.s32 $0x10, s17;
	[tilespmem:s16+$0xFFFFFA00] =	vst v24  }
0x26: {  	v22 =	vmov s18;
	[tilespmem:s16+$0xFFFFFC00] =	vst v21  }
0x27: {  	[tilespmem:s16+$0xFFFFFE00] =	vst v20;
	v21 =	vshll.u32 v22, $0x8  }
0x28: {  	[tilespmem:s16+$0x0] =	vst v19;
	v20 =	vor.u32 v1, v21  }
0x29: {  	[tilespmem:s16+$0x200] =	vst v18;
	v19 =	vand.u32 $0xFFFFF800, v20  }
0x2a: {  	[tilespmem:s16+$0x600] =	vst v17;
	s17 =	sadd.s32 $0x10, s16;
	v18 =	vor.u32 v8, v19  }
0x2b: {  	v17 =	vor.u32 v0, v19;
	[tilespmem:s17+$0x400] =	vst v18  }
0x2c: {  	v18 =	vor.u32 v2, v19;
	[tilespmem:s17+$0xFFFFF800] =	vst v17  }
0x2d: {  	v17 =	vor.u32 v3, v19;
	[tilespmem:s17+$0xFFFFFA00] =	vst v18  }
0x2e: {  	v18 =	vor.u32 v5, v19;
	[tilespmem:s17+$0xFFFFFC00] =	vst v17  }
0x2f: {  	v17 =	vor.u32 v6, v19;
	[tilespmem:s17+$0xFFFFFE00] =	vst v18  }
0x30: {  	v18 =	vor.u32 v7, v19;
	[tilespmem:s17+$0x0] =	vst v17  }
0x31: {  	v17 =	vor.u32 v9, v20;
	[tilespmem:s17+$0x200] =	vst v18  }
0x32: {  	s16 =	simm.s32 $0x0;
	[tilespmem:s17+$0x600] =	vst v17  }
0x33: {  	[tilespmem:s13], [sflag:$0x1] =	stream.indirect.gather [hbm4b:s3+s12], $0x10, s16, s12, $0xb8;
	[tilespmem:$0x11410] =	vst v63  }
0x34: {  	s17 =	simm.s32 $0x1800  }
0x35: {  	[tilespmem:s17], [sflag:$0x1] =	stream.indirect.gather [hbm4b:s3+s12], $0x10, s12, s12, $0xb8;
	[tilespmem:$0x11410] =	vst v63  }
0x36: {  	s18 =	simm.s32 $0x2000;
	s17 =	simm.s32 $0x100  }
0x37: {  	[tilespmem:s18], [sflag:$0x1] =	stream.indirect.gather [hbm4b:s3+s12], $0x10, s17, s12, $0xb8;
	[tilespmem:$0x11410] =	vst v63  }
0x38: {  	s17 =	simm.s32 $0x180;
	s18 =	simm.s32 $0x2800  }
0x39: {  	[tilespmem:s18], [sflag:$0x1] =	stream.indirect.gather [hbm4b:s3+s12], $0x10, s17, s12, $0xb8;
	[tilespmem:$0x11410] =	vst v63  }
0x3a: {  	s17 =	simm.s32 $0x200;
	s18 =	simm.s32 $0x3000  }
0x3b: {  	[tilespmem:s18], [sflag:$0x1] =	stream.indirect.gather [hbm4b:s3+s12], $0x10, s17, s12, $0xb8;
	[tilespmem:$0x11410] =	vst v63  }
0x3c: {  	s17 =	simm.s32 $0x280;
	s18 =	simm.s32 $0x3800  }
0x3d: {  	[tilespmem:s18], [sflag:$0x1] =	stream.indirect.gather [hbm4b:s3+s12], $0x10, s17, s12, $0xb8;
	[tilespmem:$0x11410] =	vst v63  }
0x3e: {  	s17 =	simm.s32 $0x300;
	s18 =	simm.s32 $0x4000  }
0x3f: {  	[tilespmem:s18], [sflag:$0x1] =	stream.indirect.gather [hbm4b:s3+s12], $0x10, s17, s12, $0xb8;
	[tilespmem:$0x11410] =	vst v63  }
0x40: {  	s17 =	simm.s32 $0x380;
	s18 =	simm.s32 $0x4800  }
0x41: {  	[tilespmem:s18], [sflag:$0x1] =	stream.indirect.gather [hbm4b:s3+s12], $0x10, s17, s12, $0xb8;
	[tilespmem:$0x11410] =	vst v63  }
0x42: {  	s17 =	simm.s32 $0x400;
	s18 =	simm.s32 $0x5000  }
0x43: {  	[tilespmem:s18], [sflag:$0x1] =	stream.indirect.gather [hbm4b:s3+s12], $0x10, s17, s12, $0xb8;
	[tilespmem:$0x11410] =	vst v63  }
0x44: {  	s17 =	simm.s32 $0x480;
	s18 =	simm.s32 $0x5800  }
0x45: {  	[tilespmem:s18], [sflag:$0x1] =	stream.indirect.gather [hbm4b:s3+s12], $0x10, s17, s12, $0xb8;
	[tilespmem:$0x11410] =	vst v63  }
0x46: {  	s17 =	simm.s32 $0x500;
	s18 =	simm.s32 $0x6000  }
0x47: {  	[tilespmem:s18], [sflag:$0x1] =	stream.indirect.gather [hbm4b:s3+s12], $0x10, s17, s12, $0xb8;
	[tilespmem:$0x11410] =	vst v63  }
0x48: {  	s17 =	simm.s32 $0x580;
	s18 =	simm.s32 $0x6800  }
0x49: {  	[tilespmem:s18], [sflag:$0x1] =	stream.indirect.gather [hbm4b:s3+s12], $0x10, s17, s12, $0xb8;
	[tilespmem:$0x11410] =	vst v63  }
0x4a: {  	s17 =	simm.s32 $0x600;
	s18 =	simm.s32 $0x7000  }
0x4b: {  	[tilespmem:s18], [sflag:$0x1] =	stream.indirect.gather [hbm4b:s3+s12], $0x10, s17, s12, $0xb8;
	[tilespmem:$0x11410] =	vst v63  }
0x4c: {  	s17 =	simm.s32 $0x680;
	s18 =	simm.s32 $0x7800  }
0x4d: {  	[tilespmem:s18], [sflag:$0x1] =	stream.indirect.gather [hbm4b:s3+s12], $0x10, s17, s12, $0xb8;
	[tilespmem:$0x11410] =	vst v63  }
0x4e: {  	s17 =	simm.s32 $0x700;
	s18 =	simm.s32 $0x8000  }
0x4f: {  	[tilespmem:s18], [sflag:$0x1] =	stream.indirect.gather [hbm4b:s3+s12], $0x10, s17, s12, $0xb8;
	[tilespmem:$0x11410] =	vst v63  }
0x50: {  	s17 =	simm.s32 $0x780;
	s18 =	simm.s32 $0x8800  }
0x51: {  	[tilespmem:s18], [sflag:$0x1] =	stream.indirect.gather [hbm4b:s3+s12], $0x10, s17, s12, $0xb8;
	[tilespmem:$0x11410] =	vst v63  }
0x52: {  	s18 =	simm.s32 $0x9000  }
0x53: {  	[tilespmem:s18], [sflag:$0x1] =	stream.indirect.gather [hbm4b:s3+s12], $0x10, s22, s12, $0xb8;
	[tilespmem:$0x11410] =	vst v63  }
0x54: {  	s17 =	simm.s32 $0x880;
	s18 =	simm.s32 $0x9800  }
0x55: {  	[tilespmem:s18], [sflag:$0x1] =	stream.indirect.gather [hbm4b:s3+s12], $0x10, s17, s12, $0xb8;
	[tilespmem:$0x11410] =	vst v63  }
0x56: {  	s17 =	simm.s32 $0x900;
	s18 =	simm.s32 $0xA000  }
0x57: {  	[tilespmem:s18], [sflag:$0x1] =	stream.indirect.gather [hbm4b:s3+s12], $0x10, s17, s12, $0xb8;
	[tilespmem:$0x11410] =	vst v63  }
0x58: {  	s17 =	simm.s32 $0x980;
	s18 =	simm.s32 $0xA800  }
0x59: {  	[tilespmem:s18], [sflag:$0x1] =	stream.indirect.gather [hbm4b:s3+s12], $0x10, s17, s12, $0xb8;
	[tilespmem:$0x11410] =	vst v63  }
0x5a: {  	s17 =	simm.s32 $0xA00;
	s18 =	simm.s32 $0xB000  }
0x5b: {  	[tilespmem:s18], [sflag:$0x1] =	stream.indirect.gather [hbm4b:s3+s12], $0x10, s17, s12, $0xb8;
	[tilespmem:$0x11410] =	vst v63  }
0x5c: {  	s17 =	simm.s32 $0xA80;
	s18 =	simm.s32 $0xB800  }
0x5d: {  	[tilespmem:s18], [sflag:$0x1] =	stream.indirect.gather [hbm4b:s3+s12], $0x10, s17, s12, $0xb8;
	[tilespmem:$0x11410] =	vst v63  }
0x5e: {  	s17 =	simm.s32 $0xB00;
	s18 =	simm.s32 $0xC000  }
0x5f: {  	[tilespmem:s18], [sflag:$0x1] =	stream.indirect.gather [hbm4b:s3+s12], $0x10, s17, s12, $0xb8;
	[tilespmem:$0x11410] =	vst v63  }
0x60: {  	s17 =	simm.s32 $0xB80;
	s18 =	simm.s32 $0xC800  }
0x61: {  	[tilespmem:s18], [sflag:$0x1] =	stream.indirect.gather [hbm4b:s3+s12], $0x10, s17, s12, $0xb8;
	[tilespmem:$0x11410] =	vst v63  }
0x62: {  	s17 =	simm.s32 $0xC00;
	s18 =	simm.s32 $0xD000  }
0x63: {  	[tilespmem:s18], [sflag:$0x1] =	stream.indirect.gather [hbm4b:s3+s12], $0x10, s17, s12, $0xb8;
	[tilespmem:$0x11410] =	vst v63  }
0x64: {  	_ = 	snop  }
0x65: {  	[tilespmem:s20], [sflag:$0x1] =	stream.indirect.gather [hbm4b:s3+s12], $0x10, s19, s12, $0xb8;
	[tilespmem:$0x11410] =	vst v63  }
0x66: {  	_ = 	snop  }
0x67: {  	[tilespmem:s23], [sflag:$0x1] =	stream.indirect.gather [hbm4b:s3+s12], $0x10, s21, s12, $0xb8;
	[tilespmem:$0x11410] =	vst v63  }
0x68: {  	_ = 	snop  }
0x69: {  	[tilespmem:s25], [sflag:$0x1] =	stream.indirect.gather [hbm4b:s3+s12], $0x10, s24, s12, $0xb8;
	[tilespmem:$0x11410] =	vst v63  }
0x6a: {  	_ = 	snop  }
0x6b: {  	[tilespmem:s28], [sflag:$0x1] =	stream.indirect.gather [hbm4b:s3+s12], $0x10, s26, s12, $0xb8;
	[tilespmem:$0x11410] =	vst v63  }
0x6c: {  	_ = 	snop  }
0x6d: {  	[tilespmem:s30], [sflag:$0x1] =	stream.indirect.gather [hbm4b:s3+s12], $0x10, s29, s12, $0xb8;
	[tilespmem:$0x11410] =	vst v63  }
0x6e: {  	_ = 	snop  }
0x6f: {  	[tilespmem:s0], [sflag:$0x1] =	stream.indirect.gather [hbm4b:s3+s12], $0x10, s31, s12, $0xb8;
	[tilespmem:$0x11410] =	vst v63  }
0x70: {  	_ = 	snop  }
0x71: {  	[tilespmem:s9], [sflag:$0x1] =	stream.indirect.gather [hbm4b:s3+s12], $0x10, s1, s12, $0xb8;
	[tilespmem:$0x11410] =	vst v63  }
0x72: {  	_ =	swait.ge [sflag:s11], $0x800  }
0x73: {  	[sflag:s11] =	ssyncset.done $0x0  }
0x74: {  	[sflag:s11] =	ssyncadd.s32 $0xFFFFF800  }
0x75: {  	_ =	swait.ge [sflag:s11], $0x800  }
0x76: {  	[sflag:s11] =	ssyncset.done $0x0  }
0x77: {  	[sflag:s11] =	ssyncadd.s32 $0xFFFFF800  }
0x78: {  	_ =	swait.ge [sflag:s11], $0x800  }
0x79: {  	[sflag:s11] =	ssyncset.done $0x0  }
0x7a: {  	[sflag:s11] =	ssyncadd.s32 $0xFFFFF800  }
0x7b: {  	_ =	swait.ge [sflag:s11], $0x800  }
0x7c: {  	[sflag:s11] =	ssyncset.done $0x0  }
0x7d: {  	[sflag:s11] =	ssyncadd.s32 $0xFFFFF800  }
0x7e: {  	_ =	swait.ge [sflag:s11], $0x800  }
0x7f: {  	[sflag:s11] =	ssyncset.done $0x0  }
0x80: {  	[sflag:s11] =	ssyncadd.s32 $0xFFFFF800  }
0x81: {  	_ =	swait.ge [sflag:s11], $0x800  }
0x82: {  	[sflag:s11] =	ssyncset.done $0x0  }
0x83: {  	[sflag:s11] =	ssyncadd.s32 $0xFFFFF800  }
0x84: {  	_ =	swait.ge [sflag:s11], $0x800  }
0x85: {  	[sflag:s11] =	ssyncset.done $0x0  }
0x86: {  	[sflag:s11] =	ssyncadd.s32 $0xFFFFF800  }
0x87: {  	_ =	swait.ge [sflag:s11], $0x800  }
0x88: {  	[sflag:s11] =	ssyncset.done $0x0  }
0x89: {  	[sflag:s11] =	ssyncadd.s32 $0xFFFFF800  }
0x8a: {  	_ =	swait.ge [sflag:s11], $0x800  }
0x8b: {  	[sflag:s11] =	ssyncset.done $0x0  }
0x8c: {  	[sflag:s11] =	ssyncadd.s32 $0xFFFFF800  }
0x8d: {  	_ =	swait.ge [sflag:s11], $0x800  }
0x8e: {  	[sflag:s11] =	ssyncset.done $0x0  }
0x8f: {  	[sflag:s11] =	ssyncadd.s32 $0xFFFFF800  }
0x90: {  	_ =	swait.ge [sflag:s11], $0x800  }
0x91: {  	[sflag:s11] =	ssyncset.done $0x0  }
0x92: {  	[sflag:s11] =	ssyncadd.s32 $0xFFFFF800  }
0x93: {  	_ =	swait.ge [sflag:s11], $0x800  }
0x94: {  	[sflag:s11] =	ssyncset.done $0x0  }
0x95: {  	[sflag:s11] =	ssyncadd.s32 $0xFFFFF800  }
0x96: {  	_ =	swait.ge [sflag:s11], $0x800  }
0x97: {  	[sflag:s11] =	ssyncset.done $0x0  }
0x98: {  	[sflag:s11] =	ssyncadd.s32 $0xFFFFF800  }
0x99: {  	_ =	swait.ge [sflag:s11], $0x800  }
0x9a: {  	[sflag:s11] =	ssyncset.done $0x0  }
0x9b: {  	[sflag:s11] =	ssyncadd.s32 $0xFFFFF800  }
0x9c: {  	_ =	swait.ge [sflag:s11], $0x800  }
0x9d: {  	[sflag:s11] =	ssyncset.done $0x0  }
0x9e: {  	[sflag:s11] =	ssyncadd.s32 $0xFFFFF800  }
0x9f: {  	_ =	swait.ge [sflag:s11], $0x800  }
0xa0: {  	[sflag:s11] =	ssyncset.done $0x0  }
0xa1: {  	[sflag:s11] =	ssyncadd.s32 $0xFFFFF800  }
0xa2: {  	_ =	swait.ge [sflag:s11], $0x800  }
0xa3: {  	[sflag:s11] =	ssyncset.done $0x0  }
0xa4: {  	[sflag:s11] =	ssyncadd.s32 $0xFFFFF800  }
0xa5: {  	_ =	swait.ge [sflag:s11], $0x800  }
0xa6: {  	[sflag:s11] =	ssyncset.done $0x0  }
0xa7: {  	[sflag:s11] =	ssyncadd.s32 $0xFFFFF800  }
0xa8: {  	_ =	swait.ge [sflag:s11], $0x800  }
0xa9: {  	[sflag:s11] =	ssyncset.done $0x0  }
0xaa: {  	[sflag:s11] =	ssyncadd.s32 $0xFFFFF800  }
0xab: {  	_ =	swait.ge [sflag:s11], $0x800  }
0xac: {  	[sflag:s11] =	ssyncset.done $0x0  }
0xad: {  	[sflag:s11] =	ssyncadd.s32 $0xFFFFF800  }
0xae: {  	_ =	swait.ge [sflag:s11], $0x800  }
0xaf: {  	[sflag:s11] =	ssyncset.done $0x0  }
0xb0: {  	[sflag:s11] =	ssyncadd.s32 $0xFFFFF800  }
0xb1: {  	_ =	swait.ge [sflag:s11], $0x800  }
0xb2: {  	[sflag:s11] =	ssyncset.done $0x0  }
0xb3: {  	[sflag:s11] =	ssyncadd.s32 $0xFFFFF800  }
0xb4: {  	_ =	swait.ge [sflag:s11], $0x800  }
0xb5: {  	[sflag:s11] =	ssyncset.done $0x0  }
0xb6: {  	[sflag:s11] =	ssyncadd.s32 $0xFFFFF800  }
0xb7: {  	_ =	swait.ge [sflag:s11], $0x800  }
0xb8: {  	[sflag:s11] =	ssyncset.done $0x0  }
0xb9: {  	[sflag:s11] =	ssyncadd.s32 $0xFFFFF800  }
0xba: {  	_ =	swait.ge [sflag:s11], $0x800  }
0xbb: {  	[sflag:s11] =	ssyncset.done $0x0  }
0xbc: {  	[sflag:s11] =	ssyncadd.s32 $0xFFFFF800  }
0xbd: {  	_ =	swait.ge [sflag:s11], $0x800  }
0xbe: {  	[sflag:s11] =	ssyncset.done $0x0  }
0xbf: {  	[sflag:s11] =	ssyncadd.s32 $0xFFFFF800  }
0xc0: {  	_ =	swait.ge [sflag:s11], $0x800  }
0xc1: {  	[sflag:s11] =	ssyncset.done $0x0  }
0xc2: {  	[sflag:s11] =	ssyncadd.s32 $0xFFFFF800  }
0xc3: {  	_ =	swait.ge [sflag:s11], $0x800  }
0xc4: {  	[sflag:s11] =	ssyncset.done $0x0  }
0xc5: {  	[sflag:s11] =	ssyncadd.s32 $0xFFFFF800  }
0xc6: {  	_ =	swait.ge [sflag:s11], $0x800  }
0xc7: {  	[sflag:s11] =	ssyncset.done $0x0  }
0xc8: {  	[sflag:s11] =	ssyncadd.s32 $0xFFFFF800  }
0xc9: {  	_ =	swait.ge [sflag:s11], $0x800  }
0xca: {  	[sflag:s11] =	ssyncset.done $0x0  }
0xcb: {  	v17 =	vmov s16;
	[sflag:s11] =	ssyncadd.s32 $0xFFFFF800  }
0xcc: {  	v18 =	vshll.u32 v17, $0x4;
	_ =	swait.ge [sflag:s11], $0x800  }
0xcd: {  	v21 =	vor.u32 v4, v18;
	[sflag:s11] =	ssyncset.done $0x0  }
0xce: {  	[sflag:s11] =	ssyncadd.s32 $0xFFFFF800  }
0xcf: {  	v17 =	vor.u32 $0x1, v21;
	_ =	swait.ge [sflag:s11], $0x800  }
0xd0: {  	[sflag:s11] =	ssyncset.done $0x0  }
0xd1: {  	v19 =	vor.u32 $0x2, v21;
	[sflag:s11] =	ssyncadd.s32 $0xFFFFF800  }
0xd2: {  	s17 =	simm.s32 $0x11200;
	v20 =	vld.idx.msk [tilespmem:v21+s13+$0x0], $0xffff  }
0xd3: {  	v23 =	vor.u32 $0x3, v21;
	v22 =	vld [tilespmem:s17+$0x0]  }
0xd4: {  	v17 =	vld.idx.msk [tilespmem:v17+s13+$0x0], $0xffff  }
0xd5: {  	v24 =	vor.u32 $0x4, v21  }
0xd6: {  	v19 =	vld.idx.msk [tilespmem:v19+s13+$0x0], $0xffff  }
0xd7: {  	v25 =	vor.u32 $0x5, v21;
	v20 =	vadd.f32 $0.0e+00, v20  }
0xd8: {  	v23 =	vld.idx.msk [tilespmem:v23+s13+$0x0], $0xffff;
	vm2 =	vgt.s32 v22, $0xFFFFFFFF;
	vm0 =	vgt.s32 v22, $0x0  }
0xd9: {  	v26 =	vor.u32 $0x6, v21;
	v17 =	vnsel vm0, $0x0, v17;
	v20 =	vnsel vm2, $0x0, v20  }
0xda: {  	v24 =	vld.idx.msk [tilespmem:v24+s13+$0x0], $0xffff;
	vm1 =	vgt.s32 v22, $0x1;
	v17 =	vadd.f32 v17, v20  }
0xdb: {  	v19 =	vnsel vm1, $0x0, v19;
	v20 =	vor.u32 $0x7, v21  }
0xdc: {  	v25 =	vld.idx.msk [tilespmem:v25+s13+$0x0], $0xffff;
	vm8 =	vgt.s32 v22, $0x2;
	v17 =	vadd.f32 v19, v17  }
0xdd: {  	v23 =	vnsel vm8, $0x0, v23;
	v19 =	vor.u32 v16, v18  }
0xde: {  	v26 =	vld.idx.msk [tilespmem:v26+s13+$0x0], $0xffff;
	vm9 =	vgt.s32 v22, $0x3;
	v17 =	vadd.f32 v23, v17  }
0xdf: {  	v24 =	vnsel vm9, $0x0, v24;
	v23 =	vor.u32 $0x1, v19  }
0xe0: {  	vm5 =	vgt.s32 v22, $0x4;
	v20 =	vld.idx.msk [tilespmem:v20+s13+$0x0], $0xffff;
	v17 =	vadd.f32 v24, v17  }
0xe1: {  	v25 =	vnsel vm5, $0x0, v25;
	v24 =	vor.u32 $0x2, v19  }
0xe2: {  	vm6 =	vgt.s32 v22, $0x5;
	v27 =	vld.idx.msk [tilespmem:v19+s13+$0x0], $0xffff;
	v17 =	vadd.f32 v25, v17  }
0xe3: {  	v26 =	vnsel vm6, $0x0, v26;
	v25 =	vor.u32 $0x3, v19  }
0xe4: {  	vm7 =	vgt.s32 v22, $0x6;
	v23 =	vld.idx.msk [tilespmem:v23+s13+$0x0], $0xffff;
	v17 =	vadd.f32 v26, v17  }
0xe5: {  	v26 =	vor.u32 $0x4, v19;
	v20 =	vnsel vm7, $0x0, v20  }
0xe6: {  	v24 =	vld.idx.msk [tilespmem:v24+s13+$0x0], $0xffff;
	v17 =	vadd.f32 v20, v17  }
0xe7: {  	v20 =	vor.u32 $0x5, v19;
	v27 =	vnsel vm2, $0x0, v27  }
0xe8: {  	v25 =	vld.idx.msk [tilespmem:v25+s13+$0x0], $0xffff;
	v17 =	vadd.f32 v27, v17  }
0xe9: {  	v27 =	vor.u32 $0x6, v19;
	v23 =	vnsel vm0, $0x0, v23  }
0xea: {  	v26 =	vld.idx.msk [tilespmem:v26+s13+$0x0], $0xffff;
	v17 =	vadd.f32 v23, v17  }
0xeb: {  	v19 =	vor.u32 $0x7, v19;
	v23 =	vnsel vm1, $0x0, v24  }
0xec: {  	v20 =	vld.idx.msk [tilespmem:v20+s13+$0x0], $0xffff;
	v17 =	vadd.f32 v23, v17  }
0xed: {  	v23 =	vor.u32 v15, v18;
	v24 =	vnsel vm8, $0x0, v25  }
0xee: {  	v25 =	vld.idx.msk [tilespmem:v27+s13+$0x0], $0xffff;
	v17 =	vadd.f32 v24, v17  }
0xef: {  	v24 =	vor.u32 $0x1, v23;
	v26 =	vnsel vm9, $0x0, v26  }
0xf0: {  	v19 =	vld.idx.msk [tilespmem:v19+s13+$0x0], $0xffff;
	v17 =	vadd.f32 v26, v17  }
0xf1: {  	v26 =	vor.u32 $0x2, v23;
	v20 =	vnsel vm5, $0x0, v20  }
0xf2: {  	v27 =	vld.idx.msk [tilespmem:v23+s13+$0x0], $0xffff;
	v17 =	vadd.f32 v20, v17  }
0xf3: {  	v20 =	vor.u32 $0x3, v23;
	v25 =	vnsel vm6, $0x0, v25  }
0xf4: {  	v24 =	vld.idx.msk [tilespmem:v24+s13+$0x0], $0xffff;
	v17 =	vadd.f32 v25, v17  }
0xf5: {  	v19 =	vnsel vm7, $0x0, v19;
	v25 =	vor.u32 $0x4, v23  }
0xf6: {  	v26 =	vld.idx.msk [tilespmem:v26+s13+$0x0], $0xffff;
	v17 =	vadd.f32 v19, v17  }
0xf7: {  	v19 =	vor.u32 $0x5, v23;
	v27 =	vnsel vm2, $0x0, v27  }
0xf8: {  	v20 =	vld.idx.msk [tilespmem:v20+s13+$0x0], $0xffff;
	v17 =	vadd.f32 v27, v17  }
0xf9: {  	v27 =	vor.u32 $0x6, v23;
	v24 =	vnsel vm0, $0x0, v24  }
0xfa: {  	v25 =	vld.idx.msk [tilespmem:v25+s13+$0x0], $0xffff;
	v17 =	vadd.f32 v24, v17  }
0xfb: {  	v23 =	vor.u32 $0x7, v23;
	v24 =	vnsel vm1, $0x0, v26  }
0xfc: {  	v19 =	vld.idx.msk [tilespmem:v19+s13+$0x0], $0xffff;
	v17 =	vadd.f32 v24, v17  }
0xfd: {  	v24 =	vor.u32 v14, v18;
	v20 =	vnsel vm8, $0x0, v20  }
0xfe: {  	v26 =	vld.idx.msk [tilespmem:v27+s13+$0x0], $0xffff;
	v17 =	vadd.f32 v20, v17  }
0xff: {  	v20 =	vor.u32 $0x1, v24;
	v25 =	vnsel vm9, $0x0, v25  }
0x100: {  	v23 =	vld.idx.msk [tilespmem:v23+s13+$0x0], $0xffff;
	v17 =	vadd.f32 v25, v17  }
0x101: {  	v25 =	vor.u32 $0x2, v24;
	v19 =	vnsel vm5, $0x0, v19  }
0x102: {  	v27 =	vld.idx.msk [tilespmem:v24+s13+$0x0], $0xffff;
	v17 =	vadd.f32 v19, v17  }
0x103: {  	v19 =	vor.u32 $0x3, v24;
	v26 =	vnsel vm6, $0x0, v26  }
0x104: {  	v20 =	vld.idx.msk [tilespmem:v20+s13+$0x0], $0xffff;
	v17 =	vadd.f32 v26, v17  }
0x105: {  	v23 =	vnsel vm7, $0x0, v23;
	v26 =	vor.u32 $0x4, v24  }
0x106: {  	vm4 =	vmmov vm2;
	v25 =	vld.idx.msk [tilespmem:v25+s13+$0x0], $0xffff;
	v17 =	vadd.f32 v23, v17  }
0x107: {  	v23 =	vor.u32 $0x5, v24;
	v27 =	vnsel vm4, $0x0, v27  }
0x108: {  	vm3 =	vmmov vm0;
	v19 =	vld.idx.msk [tilespmem:v19+s13+$0x0], $0xffff;
	v17 =	vadd.f32 v27, v17  }
0x109: {  	v27 =	vor.u32 $0x6, v24;
	v20 =	vnsel vm3, $0x0, v20  }
0x10a: {  	vm2 =	vmmov vm1;
	v26 =	vld.idx.msk [tilespmem:v26+s13+$0x0], $0xffff;
	v17 =	vadd.f32 v20, v17  }
0x10b: {  	v20 =	vor.u32 $0x7, v24;
	v24 =	vnsel vm2, $0x0, v25  }
0x10c: {  	vm1 =	vmmov vm8;
	v23 =	vld.idx.msk [tilespmem:v23+s13+$0x0], $0xffff;
	v17 =	vadd.f32 v24, v17  }
0x10d: {  	v24 =	vor.u32 v13, v18;
	v19 =	vnsel vm1, $0x0, v19  }
0x10e: {  	vm0 =	vmmov vm9;
	v25 =	vld.idx.msk [tilespmem:v27+s13+$0x0], $0xffff;
	v17 =	vadd.f32 v19, v17  }
0x10f: {  	v19 =	vor.u32 $0x1, v24;
	v26 =	vnsel vm0, $0x0, v26  }
0x110: {  	v20 =	vld.idx.msk [tilespmem:v20+s13+$0x0], $0xffff;
	v17 =	vadd.f32 v26, v17  }
0x111: {  	v26 =	vor.u32 $0x2, v24;
	v23 =	vnsel vm5, $0x0, v23  }
0x112: {  	v27 =	vld.idx.msk [tilespmem:v24+s13+$0x0], $0xffff;
	v17 =	vadd.f32 v23, v17  }
0x113: {  	v23 =	vor.u32 $0x3, v24;
	v25 =	vnsel vm6, $0x0, v25  }
0x114: {  	v19 =	vld.idx.msk [tilespmem:v19+s13+$0x0], $0xffff;
	v17 =	vadd.f32 v25, v17  }
0x115: {  	v25 =	vor.u32 $0x4, v24;
	v20 =	vnsel vm7, $0x0, v20  }
0x116: {  	v26 =	vld.idx.msk [tilespmem:v26+s13+$0x0], $0xffff;
	v17 =	vadd.f32 v20, v17  }
0x117: {  	v20 =	vor.u32 $0x5, v24;
	v27 =	vnsel vm4, $0x0, v27  }
0x118: {  	v32 =	vor.u32 v12, v18;
	v23 =	vld.idx.msk [tilespmem:v23+s13+$0x0], $0xffff;
	v17 =	vadd.f32 v27, v17  }
0x119: {  	v27 =	vor.u32 $0x6, v24;
	v19 =	vnsel vm3, $0x0, v19  }
0x11a: {  	v28 =	vor.u32 $0x1, v32;
	v25 =	vld.idx.msk [tilespmem:v25+s13+$0x0], $0xffff;
	v17 =	vadd.f32 v19, v17  }
0x11b: {  	v24 =	vor.u32 $0x7, v24;
	v19 =	vnsel vm2, $0x0, v26  }
0x11c: {  	v35 =	vor.u32 $0x3, v32;
	v20 =	vld.idx.msk [tilespmem:v20+s13+$0x0], $0xffff;
	v19 =	vadd.f32 v19, v17  }
0x11d: {  	v37 =	vor.u32 $0x4, v32;
	v34 =	vld.idx.msk [tilespmem:v32+s13+$0x0], $0xffff;
	v23 =	vnsel vm1, $0x0, v23  }
0x11e: {  	v40 =	vor.u32 $0x5, v32;
	v26 =	vld.idx.msk [tilespmem:v27+s13+$0x0], $0xffff;
	v19 =	vadd.f32 v23, v19  }
0x11f: {  	v30 =	vor.u32 v10, v18;
	v33 =	vor.u32 v11, v18;
	v36 =	vld.idx.msk [tilespmem:v28+s13+$0x0], $0xffff;
	v25 =	vnsel vm0, $0x0, v25  }
0x120: {  	v28 =	vor.u32 $0x4, v30;
	v29 =	vld.idx.msk [tilespmem:v24+s13+$0x0], $0xffff;
	v19 =	vadd.f32 v25, v19  }
0x121: {  	v35 =	vld.idx.msk [tilespmem:v35+s13+$0x0], $0xffff;
	v18 =	vor.u32 $0x2, v32;
	v20 =	vnsel vm5, $0x0, v20  }
0x122: {  	v56 =	vor.u32 $0x6, v32;
	v37 =	vld.idx.msk [tilespmem:v37+s13+$0x0], $0xffff;
	v20 =	vadd.f32 v20, v19  }
0x123: {  	v44 =	vor.u32 $0x7, v33;
	s18 =	simm.s32 $0x10;
	v40 =	vld.idx.msk [tilespmem:v40+s13+$0x0], $0xffff;
	v32 =	vor.u32 $0x7, v32;
	v26 =	vnsel vm6, $0x0, v26  }
0x124: {  	v45 =	vor.u32 $0x6, v33;
	v60 =	vld.idx.msk [tilespmem:v33+s13+$0x0], $0xffff;
	v23 =	vmov s18;
	v20 =	vadd.f32 v26, v20  }
0x125: {  	v47 =	vor.u32 $0x3, v33;
	v28 =	vld.idx.msk [tilespmem:v28+s13+$0x0], $0xffff;
	v23 =	vshll.u32 v23, $0x4;
	v38 =	vnsel vm7, $0x0, v29  }
0x126: {  	v58 =	vor.u32 $0x1, v33;
	v39 =	vld.idx.msk [tilespmem:v18+s13+$0x0], $0xffff;
	v19 =	vor.u32 v4, v23;
	v20 =	vadd.f32 v38, v20  }
0x127: {  	v48 =	vor.u32 $0x2, v33;
	vm10 =	vmmov vm5;
	v34 =	vnsel vm4, $0x0, v34  }
0x128: {  	v36 =	vnsel vm3, $0x0, v36;
	v32 =	vld.idx.msk [tilespmem:v32+s13+$0x0], $0xffff;
	v41 =	vor.u32 $0x1, v19;
	v34 =	vadd.f32 v34, v20  }
0x129: {  	v40 =	vnsel vm10, $0x0, v40;
	v52 =	vnsel vm4, $0x0, v60;
	v37 =	vnsel vm0, $0x0, v37  }
0x12a: {  	v28 =	vnsel vm0, $0x0, v28;
	v42 =	vor.u32 $0x2, v19;
	v34 =	vadd.f32 v36, v34  }
0x12b: {  	s17 =	simm.s32 $0x11210;
	v35 =	vnsel vm1, $0x0, v35;
	vm8 =	vmmov vm7;
	v39 =	vnsel vm2, $0x0, v39;
	v57 =	vld.idx.msk [tilespmem:v19+s13+$0x0], $0xffff  }
0x12c: {  	vm9 =	vmmov vm6;
	v43 =	vor.u32 $0x3, v19;
	v20 =	vld [tilespmem:s17+$0x0];
	v34 =	vadd.f32 v39, v34  }
0x12d: {  	v32 =	vnsel vm8, $0x0, v32;
	v17 =	vimm.f32 $0.0e+00;
	v27 =	vor.u32 $0x5, v30;
	v41 =	vld.idx.msk [tilespmem:v41+s13+$0x0], $0xffff  }
0x12e: {  	v31 =	vor.u32 v16, v23;
	v46 =	vor.u32 $0x4, v19;
	v38 =	vld.idx.msk [tilespmem:v56+s13+$0x0], $0xffff;
	v34 =	vadd.f32 v35, v34  }
0x12f: {  	v24 =	vor.u32 v15, v23;
	v25 =	vor.u32 $0x7, v30;
	v49 =	vor.u32 $0x5, v19;
	v42 =	vld.idx.msk [tilespmem:v42+s13+$0x0], $0xffff  }
0x130: {  	v48 =	vld.idx.msk [tilespmem:v48+s13+$0x0], $0xffff;
	v50 =	vor.u32 $0x7, v19;
	v36 =	vadd.f32 $0.0e+00, v57;
	v34 =	vadd.f32 v37, v34  }
0x131: {  	v51 =	vor.u32 $0x6, v19;
	v59 =	vld.idx.msk [tilespmem:v43+s13+$0x0], $0xffff;
	vm14 =	vgt.s32 v20, $0xFFFFFFFF;
	vm11 =	vgt.s32 v20, $0x0  }
0x132: {  	v53 =	vld.idx.msk [tilespmem:v47+s13+$0x0], $0xffff;
	v36 =	vnsel vm14, $0x0, v36;
	v41 =	vnsel vm11, $0x0, v41;
	v34 =	vadd.f32 v40, v34  }
0x133: {  	v61 =	vld.idx.msk [tilespmem:v46+s13+$0x0], $0xffff;
	v38 =	vnsel vm9, $0x0, v38;
	vm12 =	vgt.s32 v20, $0x1;
	v36 =	vadd.f32 v41, v36  }
0x134: {  	v39 =	vor.u32 $0x5, v33;
	v35 =	vld.idx.msk [tilespmem:v58+s13+$0x0], $0xffff;
	v62 =	vnsel vm12, $0x0, v42;
	v34 =	vadd.f32 v38, v34  }
0x135: {  	v63 =	vld.idx.msk [tilespmem:v49+s13+$0x0], $0xffff;
	v33 =	vor.u32 $0x4, v33;
	vm13 =	vgt.s32 v20, $0x2;
	v36 =	vadd.f32 v62, v36  }
0x136: {  	v44 =	vld.idx.msk [tilespmem:v44+s13+$0x0], $0xffff;
	v54 =	vor.u32 $0x2, v31;
	v37 =	vnsel vm13, $0x0, v59;
	v32 =	vadd.f32 v32, v34  }
0x137: {  	v29 =	vor.u32 $0x3, v30;
	v51 =	vld.idx.msk [tilespmem:v51+s13+$0x0], $0xffff;
	vm15 =	vgt.s32 v20, $0x3;
	v36 =	vadd.f32 v37, v36  }
0x138: {  	v25 =	vld.idx.msk [tilespmem:v25+s13+$0x0], $0xffff;
	v49 =	vor.u32 $0x1, v31;
	v40 =	vnsel vm15, $0x0, v61;
	v32 =	vadd.f32 v52, v32  }
0x139: {  	v55 =	vld.idx.msk [tilespmem:v50+s13+$0x0], $0xffff;
	vm5 =	vgt.s32 v20, $0x4;
	v35 =	vnsel vm3, $0x0, v35;
	v36 =	vadd.f32 v40, v36  }
0x13a: {  	v26 =	vor.u32 $0x6, v30;
	v33 =	vld.idx.msk [tilespmem:v33+s13+$0x0], $0xffff;
	v38 =	vnsel vm5, $0x0, v63;
	v32 =	vadd.f32 v35, v32  }
0x13b: {  	v57 =	vld.idx.msk [tilespmem:v31+s13+$0x0], $0xffff;
	vm6 =	vgt.s32 v20, $0x5;
	v58 =	vnsel vm2, $0x0, v48;
	v36 =	vadd.f32 v38, v36  }
0x13c: {  	v56 =	vor.u32 $0x3, v31;
	v39 =	vld.idx.msk [tilespmem:v39+s13+$0x0], $0xffff;
	v34 =	vnsel vm6, $0x0, v51;
	v32 =	vadd.f32 v58, v32  }
0x13d: {  	v60 =	vld.idx.msk [tilespmem:v49+s13+$0x0], $0xffff;
	vm7 =	vgt.s32 v20, $0x6;
	v61 =	vnsel vm1, $0x0, v53;
	v34 =	vadd.f32 v34, v36  }
0x13e: {  	v59 =	vor.u32 $0x4, v31;
	v62 =	vld.idx.msk [tilespmem:v45+s13+$0x0], $0xffff;
	v37 =	vnsel vm7, $0x0, v55;
	v32 =	vadd.f32 v61, v32  }
0x13f: {  	v48 =	vld.idx.msk [tilespmem:v54+s13+$0x0], $0xffff;
	v63 =	vor.u32 $0x1, v30;
	v33 =	vnsel vm0, $0x0, v33;
	v34 =	vadd.f32 v37, v34  }
0x140: {  	v29 =	vld.idx.msk [tilespmem:v29+s13+$0x0], $0xffff;
	v49 =	vor.u32 $0x5, v31;
	v35 =	vnsel vm14, $0x0, v57;
	v32 =	vadd.f32 v33, v32  }
0x141: {  	v50 =	vor.u32 $0x2, v30;
	v40 =	vld.idx.msk [tilespmem:v56+s13+$0x0], $0xffff;
	v39 =	vnsel vm10, $0x0, v39;
	v34 =	vadd.f32 v35, v34  }
0x142: {  	v30 =	vld.idx.msk [tilespmem:v30+s13+$0x0], $0xffff;
	v51 =	vor.u32 $0x6, v31;
	v38 =	vnsel vm11, $0x0, v60;
	v32 =	vadd.f32 v39, v32  }
0x143: {  	v25 =	vnsel vm8, $0x0, v25;
	v53 =	vld.idx.msk [tilespmem:v59+s13+$0x0], $0xffff;
	v54 =	vnsel vm9, $0x0, v62;
	v34 =	vadd.f32 v38, v34  }
0x144: {  	v55 =	vnsel vm12, $0x0, v48;
	v31 =	vor.u32 $0x7, v31;
	v36 =	vld.idx.msk [tilespmem:v63+s13+$0x0], $0xffff;
	v32 =	vadd.f32 v54, v32  }
0x145: {  	v29 =	vnsel vm1, $0x0, v29;
	v37 =	vld.idx.msk [tilespmem:v49+s13+$0x0], $0xffff;
	v58 =	vnsel vm8, $0x0, v44;
	v34 =	vadd.f32 v55, v34  }
0x146: {  	v56 =	vor.u32 $0x4, v24;
	v40 =	vnsel vm13, $0x0, v40;
	v33 =	vld.idx.msk [tilespmem:v50+s13+$0x0], $0xffff;
	v32 =	vadd.f32 v58, v32  }
0x147: {  	s16 =	simm.s32 $0x11000;
	v59 =	vor.u32 $0x2, v24;
	v30 =	vnsel vm4, $0x0, v30;
	v35 =	vld.idx.msk [tilespmem:v51+s13+$0x0], $0xffff;
	v34 =	vadd.f32 v40, v34  }
0x148: {  	v18 =	vld [tilespmem:s16+$0x0];
	v60 =	vor.u32 $0x1, v24;
	v39 =	vnsel vm15, $0x0, v53;
	v30 =	vadd.f32 v30, v32  }
0x149: {  	v57 =	vor.u32 $0x3, v24;
	v31 =	vld.idx.msk [tilespmem:v31+s13+$0x0], $0xffff;
	v36 =	vnsel vm3, $0x0, v36;
	v34 =	vadd.f32 v39, v34  }
0x14a: {  	v61 =	vand.u32 $0x7, v22;
	v37 =	vnsel vm5, $0x0, v37;
	v30 =	vadd.f32 v36, v30  }
0x14b: {  	v63 =	vld.idx.msk [tilespmem:v24+s13+$0x0], $0xffff;
	v22 =	vand.u32 $0xFFFFFFF8, v22;
	v33 =	vnsel vm2, $0x0, v33;
	v34 =	vadd.f32 v37, v34  }
0x14c: {  	v21 =	vadd.s32 v21, v22;
	v22 =	vld.idx.msk [tilespmem:v27+s13+$0x0], $0xffff;
	v27 =	vnsel vm6, $0x0, v35;
	v30 =	vadd.f32 v33, v30  }
0x14d: {  	v62 =	vadd.s32 $0xFFFFFFFF, v18;
	v52 =	vor.u32 $0x5, v24;
	v41 =	vld.idx.msk [tilespmem:v60+s13+$0x0], $0xffff;
	v27 =	vadd.f32 v27, v34  }
0x14e: {  	v26 =	vld.idx.msk [tilespmem:v26+s13+$0x0], $0xffff;
	v31 =	vnsel vm7, $0x0, v31;
	vm2 =	vgt.s32 v62, $0x0;
	v29 =	vadd.f32 v29, v30  }
0x14f: {  	v44 =	vld.idx.msk [tilespmem:v59+s13+$0x0], $0xffff;
	v21 =	vor.u32 v61, v21;
	v27 =	vadd.f32 v31, v27;
	v30 =	vnsel vm2, $0x0, v62  }
0x150: {  	v31 =	vnsel vm14, $0x0, v63;
	v30 =	vshll.u32 v30, $0xD;
	v28 =	vadd.f32 v28, v29  }
0x151: {  	v22 =	vnsel vm10, $0x0, v22;
	v27 =	vadd.f32 v31, v27;
	v21 =	vadd.s32 v30, v21;
	v29 =	vld.idx.msk [tilespmem:v57+s13+$0x0], $0xffff  }
0x152: {  	v31 =	vnsel vm11, $0x0, v41;
	v30 =	vor.u32 $0x6, v24;
	v22 =	vadd.f32 v22, v28  }
0x153: {  	v26 =	vnsel vm9, $0x0, v26;
	v27 =	vadd.f32 v31, v27;
	v24 =	vor.u32 $0x7, v24;
	v28 =	vld.idx.msk [tilespmem:v56+s13+$0x0], $0xffff  }
0x154: {  	vm1 =	vmmov vm13;
	v31 =	vnsel vm12, $0x0, v44;
	v22 =	vadd.f32 v26, v22  }
0x155: {  	vm0 =	vmmov vm15;
	vm4 =	vmmov vm11;
	v27 =	vadd.f32 v31, v27;
	v26 =	vld.idx.msk [tilespmem:v52+s13+$0x0], $0xffff  }
0x156: {  	vm3 =	vmmov vm14;
	v45 =	vld.idx.msk [tilespmem:v21+s13+$0x0], $0xffff;
	v21 =	vnsel vm13, $0x0, v29;
	v22 =	vadd.f32 v25, v22  }
0x157: {  	s18 =	simm.s32 $0x20;
	v34 =	vor.u32 v12, v23;
	v31 =	vor.u32 v14, v23;
	v25 =	vld.idx.msk [tilespmem:v30+s13+$0x0], $0xffff;
	v21 =	vadd.f32 v21, v27  }
0x158: {  	v29 =	vld.idx.msk [tilespmem:v24+s13+$0x0], $0xffff;
	v24 =	vmov s18;
	v28 =	vnsel vm15, $0x0, v28;
	v22 =	vsub.f32 $1.000000000e+00, v22  }
0x159: {  	v27 =	vor.u32 $0x1, v31;
	v30 =	vor.u32 $0x2, v31;
	v28 =	vadd.f32 v28, v21  }
0x15a: {  	v21 =	vshll.u32 v24, $0x4;
	v26 =	vnsel vm5, $0x0, v26;
	v24 =	vadd.f32 $9.999999930e-09, v22  }
0x15b: {  	v46 =	vor.u32 $0x3, v31;
	v26 =	vadd.f32 v26, v28;
	v35 =	vadd.f32 $9.999999930e-09, v45  }
0x15c: {  	v47 =	vor.u32 $0x4, v31;
	v22 =	vld.idx.msk [tilespmem:v31+s13+$0x0], $0xffff;
	v25 =	vnsel vm6, $0x0, v25;
	v28 =	vand.u32 $0x7FFFFF, v24  }
0x15d: {  	v25 =	vadd.f32 v25, v26;
	v26 =	vand.u32 $0x7FFFFF, v35;
	v48 =	vor.u32 $0x3F800000, v28  }
0x15e: {  	v27 =	vld.idx.msk [tilespmem:v27+s13+$0x0], $0xffff;
	v28 =	vnsel vm7, $0x0, v29;
	v29 =	vor.u32 $0x3F800000, v26;
	v26 =	vadd.f32 $1.000000000e+00, v48  }
0x15f: {  	v42 =	vor.u32 $0x4, v34;
	v50 =	vor.u32 $0x5, v31;
	v49 =	vld.idx.msk [tilespmem:v30+s13+$0x0], $0xffff;
	v30 =	vadd.f32 $1.000000000e+00, v29  }
0x160: {  	v51 =	vor.u32 $0x6, v31;
	v25 =	vadd.f32 v28, v25;
	(erf) = vrcp.f32 v26  }
0x161: {  	v53 =	vor.u32 $0x7, v31;
	v22 =	vnsel vm3, $0x0, v22;
	(erf) = vrcp.f32 v30  }
0x162: {  	v43 =	vor.u32 $0x3, v34;
	v41 =	vor.u32 $0x5, v34;
	v26 =	vld.idx.msk [tilespmem:v46+s13+$0x0], $0xffff;
	v22 =	vadd.f32 v22, v25  }
0x163: {  	vm2 =	vmmov vm12;
	v44 =	vor.u32 $0x2, v34;
	v52 =	vld.idx.msk [tilespmem:v47+s13+$0x0], $0xffff;
	v25 =	vnsel vm4, $0x0, v27  }
0x164: {  	v54 =	vld.idx.msk [tilespmem:v50+s13+$0x0], $0xffff;
	v32 =	vor.u32 v16, v21;
	v45 =	vor.u32 v13, v23;
	v25 =	vadd.f32 v25, v22  }
0x165: {  	v33 =	vld.idx.msk [tilespmem:v51+s13+$0x0], $0xffff;
	v28 =	vor.u32 v10, v23;
	v30 =	vor.u32 v11, v23;
	v23 =	vnsel vm2, $0x0, v49  }
0x166: {  	v40 =	vld.idx.msk [tilespmem:v53+s13+$0x0], $0xffff;
	v31 =	vor.u32 v15, v21;
	v57 =	vor.u32 $0x1, v45;
	v27 =	vadd.f32 v23, v25  }
0x167: {  	v58 =	vor.u32 $0x6, v45;
	v59 =	vor.u32 $0x2, v45;
	v56 =	vnsel vm1, $0x0, v26  }
0x168: {  	v62 =	vor.u32 $0x3, v45;
	v36 =	vadd.f32 $-1.000000000e+00, v48;
	v38 =	vadd.f32 v56, v27  }
0x169: {  	v39 =	vnsel vm0, $0x0, v52;
	v37 =	vnsel vm5, $0x0, v54;
	v29 =	vadd.f32 $-1.000000000e+00, v29;
	v55 =	vpop (erf)  }
0x16a: {  	v33 =	vnsel vm6, $0x0, v33;
	v38 =	vadd.f32 v39, v38;
	v36 =	vmul.f32 v55, v36;
	v60 =	vpop (erf)  }
0x16b: {  	v40 =	vnsel vm7, $0x0, v40;
	v35 =	vshrl.u32 v35, $0x17;
	v61 =	vld.idx.msk [tilespmem:v45+s13+$0x0], $0xffff;
	v48 =	vmul.f32 v60, v29  }
0x16c: {  	v35 =	vand.u32 $0xFF, v35;
	v63 =	vld.idx.msk [tilespmem:v57+s13+$0x0], $0xffff;
	v37 =	vadd.f32 v37, v38;
	v47 =	vmul.f32 v36, v36  }
0x16d: {  	v57 =	vor.u32 $0x4, v45;
	v58 =	vld.idx.msk [tilespmem:v58+s13+$0x0], $0xffff;
	v56 =	vor.u32 $0x5, v45;
	v50 =	vmul.f32 v48, v48  }
0x16e: {  	v22 =	vor.u32 v4, v21;
	v33 =	vadd.f32 v33, v37;
	v52 =	vmul.f32 $1.111111120e-01, v47  }
0x16f: {  	v53 =	vld.idx.msk [tilespmem:v59+s13+$0x0], $0xffff;
	v23 =	vor.u32 $0x7, v28;
	v25 =	vor.u32 $0x6, v28;
	v59 =	vmul.f32 $1.111111120e-01, v50  }
0x170: {  	v60 =	vnsel vm3, $0x0, v61;
	v33 =	vadd.f32 v40, v33;
	v61 =	vadd.f32 $1.428571490e-01, v52  }
0x171: {  	v26 =	vor.u32 $0x5, v28;
	v49 =	vnsel vm4, $0x0, v63;
	v38 =	vld.idx.msk [tilespmem:v62+s13+$0x0], $0xffff;
	v40 =	vadd.f32 $1.428571490e-01, v59  }
0x172: {  	v51 =	vnsel vm6, $0x0, v58;
	v54 =	vld.idx.msk [tilespmem:v56+s13+$0x0], $0xffff;
	v33 =	vadd.f32 v60, v33;
	v46 =	vmul.f32 v61, v47  }
0x173: {  	v27 =	vor.u32 $0x4, v28;
	v45 =	vor.u32 $0x7, v45;
	v37 =	vld.idx.msk [tilespmem:v57+s13+$0x0], $0xffff;
	v40 =	vmul.f32 v40, v50  }
0x174: {  	v39 =	vor.u32 $0x6, v34;
	v33 =	vadd.f32 v49, v33;
	v46 =	vadd.f32 $2.000000030e-01, v46  }
0x175: {  	v62 =	vnsel vm2, $0x0, v53;
	v29 =	vor.u32 $0x3, v28;
	v40 =	vadd.f32 $2.000000030e-01, v40  }
0x176: {  	v36 =	vadd.f32 v36, v36;
	v33 =	vadd.f32 v62, v33;
	v46 =	vmul.f32 v46, v47  }
0x177: {  	v38 =	vnsel vm1, $0x0, v38;
	v63 =	vnsel vm5, $0x0, v54;
	v56 =	vmul.f32 v40, v50  }
0x178: {  	v37 =	vnsel vm0, $0x0, v37;
	v33 =	vadd.f32 v38, v33;
	v57 =	vadd.f32 $3.333333430e-01, v46  }
0x179: {  	v59 =	vshrl.u32 v24, $0x17;
	v49 =	vor.u32 $0x1, v34;
	v58 =	vadd.f32 $3.333333430e-01, v56  }
0x17a: {  	v61 =	vand.u32 $0xFF, v59;
	v33 =	vadd.f32 v37, v33;
	v62 =	vmul.f32 v57, v47;
	v47 =	vld.idx.msk [tilespmem:v45+s13+$0x0], $0xffff  }
0x17b: {  	v60 =	vadd.s32 $0xFFFFFF81, v35;
	v35 =	vadd.s32 $0xFFFFFF81, v61;
	v37 =	vmul.f32 v58, v50  }
0x17c: {  	v33 =	vadd.f32 v63, v33;
	v63 =	vcvt.s32.f32 v35;
	v40 =	vadd.f32 $1.000000000e+00, v62  }
0x17d: {  	v38 =	vcvt.s32.f32 v60;
	v46 =	vld.idx.msk [tilespmem:v34+s13+$0x0], $0xffff;
	v35 =	vadd.f32 v48, v48;
	v37 =	vadd.f32 $1.000000000e+00, v37  }
0x17e: {  	s18 =	simm.s32 $0x30;
	v45 =	vld.idx.msk [tilespmem:v49+s13+$0x0], $0xffff;
	v48 =	vadd.f32 v51, v33;
	v33 =	vmul.f32 v40, v36;
	v36 =	vmul.f32 $6.931471820e-01, v63  }
.LBB2_4:
0x17f: {  	v40 =	vnsel vm7, $0x0, v47;
	v35 =	vmul.f32 v37, v35;
	v37 =	vmul.f32 $6.931471820e-01, v38  }
0x180: {  	p0 =	sne.s32 s18, $0x1F0;
	v44 =	vld.idx.msk [tilespmem:v44+s13+$0x0], $0xffff;
	s16 =	sadd.s32 $0x10, s16;
	vm10 =	vmmov vm5;
	vm9 =	vmmov vm6;
	vm8 =	vmmov vm7  }
0x181: {  	v38 =	vor.u32 $0x1, v22;
	v47 =	vld [tilespmem:s16+$0x0];
	v40 =	vadd.f32 v40, v48;
	v33 =	vadd.f32 v33, v36  }
0x182: {  	s17 =	sadd.s32 $0x10, s17;
	vm5 =	vgt.f32 v24, $0.0e+00;
	v36 =	vnsel vm3, $0x0, v46;
	v43 =	vld.idx.msk [tilespmem:v43+s13+$0x0], $0xffff;
	v35 =	vadd.f32 v35, v37  }
0x183: {  	vm6 =	vgt.s32 v18, $0x0;
	v24 =	vld [tilespmem:s17+$0x0];
	v36 =	vadd.f32 v36, v40;
	v18 =	vnsel vm5, $0x0, v33  }
0x184: {  	v33 =	vor.u32 $0x2, v22;
	v37 =	vnsel vm4, $0x0, v45;
	v40 =	vld.idx.msk [tilespmem:v42+s13+$0x0], $0xffff;
	v45 =	vsel vm6, v35, v18  }
0x185: {  	v34 =	vor.u32 $0x7, v34;
	v35 =	vld.idx.msk [tilespmem:v22+s13+$0x0], $0xffff;
	v36 =	vadd.f32 v37, v36;
	v17 =	vadd.f32 v45, v17  }
0x186: {  	v37 =	vor.u32 $0x3, v22;
	v42 =	vnsel vm2, $0x0, v44;
	v44 =	vor.u32 $0x7, v30;
	v41 =	vld.idx.msk [tilespmem:v41+s13+$0x0], $0xffff;
	v18 =	vmovc v47  }
0x187: {  	v45 =	vor.u32 $0x6, v30;
	v38 =	vld.idx.msk [tilespmem:v38+s13+$0x0], $0xffff;
	v36 =	vadd.f32 v42, v36;
	v42 =	vor.u32 $0x5, v30  }
0x188: {  	v46 =	vor.u32 $0x4, v22;
	v47 =	vor.u32 $0x3, v30;
	v43 =	vnsel vm1, $0x0, v43;
	v39 =	vld.idx.msk [tilespmem:v39+s13+$0x0], $0xffff  }
0x189: {  	v48 =	vor.u32 $0x2, v30;
	v33 =	vld.idx.msk [tilespmem:v33+s13+$0x0], $0xffff;
	v36 =	vadd.f32 v43, v36;
	v43 =	vor.u32 $0x1, v30  }
0x18a: {  	v49 =	vor.u32 $0x5, v22;
	v50 =	vor.u32 $0x7, v22;
	v40 =	vnsel vm0, $0x0, v40;
	v34 =	vld.idx.msk [tilespmem:v34+s13+$0x0], $0xffff  }
0x18b: {  	v51 =	vor.u32 $0x6, v22;
	v35 =	vadd.f32 $0.0e+00, v35;
	v37 =	vld.idx.msk [tilespmem:v37+s13+$0x0], $0xffff;
	v36 =	vadd.f32 v40, v36  }
0x18c: {  	vm14 =	vgt.s32 v24, $0xFFFFFFFF;
	vm11 =	vgt.s32 v24, $0x0;
	v40 =	vnsel vm10, $0x0, v41;
	v41 =	vld.idx.msk [tilespmem:v30+s13+$0x0], $0xffff  }
0x18d: {  	v35 =	vnsel vm14, $0x0, v35;
	v38 =	vnsel vm11, $0x0, v38;
	v46 =	vld.idx.msk [tilespmem:v46+s13+$0x0], $0xffff;
	v36 =	vadd.f32 v40, v36  }
0x18e: {  	vm12 =	vgt.s32 v24, $0x1;
	v35 =	vadd.f32 v38, v35;
	v38 =	vnsel vm9, $0x0, v39;
	v39 =	vld.idx.msk [tilespmem:v43+s13+$0x0], $0xffff  }
0x18f: {  	v30 =	vor.u32 $0x4, v30;
	v33 =	vnsel vm12, $0x0, v33;
	v40 =	vld.idx.msk [tilespmem:v49+s13+$0x0], $0xffff;
	v36 =	vadd.f32 v38, v36  }
0x190: {  	vm13 =	vgt.s32 v24, $0x2;
	v33 =	vadd.f32 v33, v35;
	v34 =	vnsel vm8, $0x0, v34;
	v35 =	vld.idx.msk [tilespmem:v48+s13+$0x0], $0xffff  }
0x191: {  	v43 =	vor.u32 $0x1, v32;
	v37 =	vnsel vm13, $0x0, v37;
	v38 =	vld.idx.msk [tilespmem:v51+s13+$0x0], $0xffff;
	v34 =	vadd.f32 v34, v36  }
0x192: {  	vm15 =	vgt.s32 v24, $0x3;
	v33 =	vadd.f32 v37, v33;
	v36 =	vnsel vm3, $0x0, v41;
	v37 =	vld.idx.msk [tilespmem:v47+s13+$0x0], $0xffff  }
0x193: {  	v41 =	vnsel vm15, $0x0, v46;
	v47 =	vor.u32 $0x2, v32;
	v46 =	vld.idx.msk [tilespmem:v50+s13+$0x0], $0xffff;
	v34 =	vadd.f32 v36, v34  }
0x194: {  	vm5 =	vgt.s32 v24, $0x4;
	v33 =	vadd.f32 v41, v33;
	v36 =	vnsel vm4, $0x0, v39;
	v30 =	vld.idx.msk [tilespmem:v30+s13+$0x0], $0xffff  }
0x195: {  	v41 =	vor.u32 $0x3, v32;
	v39 =	vnsel vm5, $0x0, v40;
	v40 =	vld.idx.msk [tilespmem:v32+s13+$0x0], $0xffff;
	v34 =	vadd.f32 v36, v34  }
0x196: {  	vm6 =	vgt.s32 v24, $0x5;
	v33 =	vadd.f32 v39, v33;
	v35 =	vnsel vm2, $0x0, v35;
	v36 =	vld.idx.msk [tilespmem:v42+s13+$0x0], $0xffff  }
0x197: {  	v38 =	vnsel vm6, $0x0, v38;
	v42 =	vor.u32 $0x4, v32;
	v39 =	vld.idx.msk [tilespmem:v43+s13+$0x0], $0xffff;
	v34 =	vadd.f32 v35, v34  }
0x198: {  	vm7 =	vgt.s32 v24, $0x6;
	v33 =	vadd.f32 v38, v33;
	v35 =	vnsel vm1, $0x0, v37;
	v37 =	vld.idx.msk [tilespmem:v45+s13+$0x0], $0xffff  }
0x199: {  	v38 =	vnsel vm7, $0x0, v46;
	v43 =	vld.idx.msk [tilespmem:v47+s13+$0x0], $0xffff;
	v34 =	vadd.f32 v35, v34;
	v35 =	vor.u32 $0x1, v28  }
0x19a: {  	v33 =	vadd.f32 v38, v33;
	v38 =	vor.u32 $0x5, v32;
	v30 =	vnsel vm0, $0x0, v30;
	v44 =	vld.idx.msk [tilespmem:v44+s13+$0x0], $0xffff  }
0x19b: {  	v40 =	vnsel vm14, $0x0, v40;
	v41 =	vld.idx.msk [tilespmem:v41+s13+$0x0], $0xffff;
	v30 =	vadd.f32 v30, v34;
	v34 =	vor.u32 $0x2, v28  }
0x19c: {  	v33 =	vadd.f32 v40, v33;
	v40 =	vor.u32 $0x6, v32;
	v36 =	vnsel vm10, $0x0, v36;
	v28 =	vld.idx.msk [tilespmem:v28+s13+$0x0], $0xffff  }
0x19d: {  	v45 =	vor.u32 $0x5, v31;
	v39 =	vnsel vm11, $0x0, v39;
	v42 =	vld.idx.msk [tilespmem:v42+s13+$0x0], $0xffff;
	v30 =	vadd.f32 v36, v30  }
0x19e: {  	v32 =	vor.u32 $0x7, v32;
	v33 =	vadd.f32 v39, v33;
	v36 =	vnsel vm9, $0x0, v37;
	v35 =	vld.idx.msk [tilespmem:v35+s13+$0x0], $0xffff  }
0x19f: {  	v39 =	vor.u32 $0x4, v31;
	v37 =	vnsel vm12, $0x0, v43;
	v38 =	vld.idx.msk [tilespmem:v38+s13+$0x0], $0xffff;
	v30 =	vadd.f32 v36, v30  }
0x1a0: {  	v33 =	vadd.f32 v37, v33;
	v36 =	vor.u32 $0x3, v31;
	v37 =	vnsel vm8, $0x0, v44;
	v34 =	vld.idx.msk [tilespmem:v34+s13+$0x0], $0xffff  }
0x1a1: {  	v43 =	vor.u32 $0x2, v31;
	v41 =	vnsel vm13, $0x0, v41;
	v40 =	vld.idx.msk [tilespmem:v40+s13+$0x0], $0xffff;
	v30 =	vadd.f32 v37, v30  }
0x1a2: {  	v33 =	vadd.f32 v41, v33;
	v37 =	vor.u32 $0x1, v31;
	v28 =	vnsel vm3, $0x0, v28;
	v29 =	vld.idx.msk [tilespmem:v29+s13+$0x0], $0xffff  }
0x1a3: {  	v41 =	vnsel vm15, $0x0, v42;
	v32 =	vld.idx.msk [tilespmem:v32+s13+$0x0], $0xffff;
	v28 =	vadd.f32 v28, v30;
	v30 =	vand.u32 $0x7, v20  }
0x1a4: {  	v33 =	vadd.f32 v41, v33;
	v35 =	vnsel vm4, $0x0, v35;
	v41 =	vand.u32 $0xFFFFFFF8, v20;
	v20 =	vmovc v24;
	v27 =	vld.idx.msk [tilespmem:v27+s13+$0x0], $0xffff  }
0x1a5: {  	v24 =	vnsel vm5, $0x0, v38;
	v38 =	vld.idx.msk [tilespmem:v31+s13+$0x0], $0xffff;
	v28 =	vadd.f32 v35, v28;
	v35 =	vadd.s32 $0xFFFFFFFF, v18  }
0x1a6: {  	v24 =	vadd.f32 v24, v33;
	v33 =	vnsel vm2, $0x0, v34;
	v34 =	vadd.s32 v19, v41;
	v19 =	vmovc v22;
	v26 =	vld.idx.msk [tilespmem:v26+s13+$0x0], $0xffff  }
0x1a7: {  	v22 =	vnsel vm6, $0x0, v40;
	vm2 =	vgt.s32 v35, $0x0;
	v37 =	vld.idx.msk [tilespmem:v37+s13+$0x0], $0xffff;
	v28 =	vadd.f32 v33, v28  }
0x1a8: {  	v22 =	vadd.f32 v22, v24;
	v24 =	vnsel vm1, $0x0, v29;
	v29 =	vor.u32 v30, v34;
	v25 =	vld.idx.msk [tilespmem:v25+s13+$0x0], $0xffff  }
0x1a9: {  	v30 =	vnsel vm7, $0x0, v32;
	v32 =	vld.idx.msk [tilespmem:v43+s13+$0x0], $0xffff;
	v24 =	vadd.f32 v24, v28;
	v28 =	vnsel vm2, $0x0, v35  }
0x1aa: {  	v22 =	vadd.f32 v30, v22;
	v27 =	vnsel vm0, $0x0, v27;
	v23 =	vld.idx.msk [tilespmem:v23+s13+$0x0], $0xffff;
	v28 =	vshll.u32 v28, $0xD  }
0x1ab: {  	v30 =	vnsel vm14, $0x0, v38;
	v33 =	vld.idx.msk [tilespmem:v36+s13+$0x0], $0xffff;
	v24 =	vadd.f32 v27, v24;
	v27 =	vadd.s32 v28, v29  }
0x1ac: {  	v22 =	vadd.f32 v30, v22;
	v28 =	vor.u32 $0x6, v31;
	v26 =	vnsel vm10, $0x0, v26  }
0x1ad: {  	vm3 =	vmmov vm14;
	v29 =	vnsel vm11, $0x0, v37;
	v30 =	vld.idx.msk [tilespmem:v39+s13+$0x0], $0xffff;
	v24 =	vadd.f32 v26, v24  }
0x1ae: {  	v22 =	vadd.f32 v29, v22;
	v26 =	vor.u32 $0x7, v31;
	v25 =	vnsel vm9, $0x0, v25  }
0x1af: {  	vm4 =	vmmov vm11;
	v29 =	vnsel vm12, $0x0, v32;
	v31 =	vld.idx.msk [tilespmem:v45+s13+$0x0], $0xffff;
	v24 =	vadd.f32 v25, v24  }
0x1b0: {  	v22 =	vadd.f32 v29, v22;
	v25 =	vor.u32 v14, v21;
	v23 =	vnsel vm8, $0x0, v23;
	v27 =	vld.idx.msk [tilespmem:v27+s13+$0x0], $0xffff  }
0x1b1: {  	vm2 =	vmmov vm12;
	v29 =	vnsel vm13, $0x0, v33;
	v28 =	vld.idx.msk [tilespmem:v28+s13+$0x0], $0xffff;
	v23 =	vadd.f32 v23, v24  }
0x1b2: {  	vm1 =	vmmov vm13;
	v22 =	vadd.f32 v29, v22;
	v29 =	vor.u32 $0x1, v25  }
0x1b3: {  	vm0 =	vmmov vm15;
	v24 =	vnsel vm15, $0x0, v30;
	v26 =	vld.idx.msk [tilespmem:v26+s13+$0x0], $0xffff;
	v23 =	vsub.f32 $1.000000000e+00, v23  }
0x1b4: {  	v32 =	vor.u32 $0x2, v25;
	v30 =	vmov s18;
	v22 =	vadd.f32 v24, v22  }
0x1b5: {  	v33 =	vshll.u32 v30, $0x4;
	v30 =	vnsel vm5, $0x0, v31;
	v31 =	vld.idx.msk [tilespmem:v25+s13+$0x0], $0xffff;
	v24 =	vadd.f32 $9.999999930e-09, v23  }
0x1b6: {  	v22 =	vadd.f32 v30, v22;
	v23 =	vor.u32 $0x3, v25;
	v35 =	vadd.f32 $9.999999930e-09, v27  }
0x1b7: {  	v30 =	vor.u32 $0x4, v25;
	v27 =	vnsel vm6, $0x0, v28;
	v29 =	vld.idx.msk [tilespmem:v29+s13+$0x0], $0xffff;
	v28 =	vand.u32 $0x7FFFFF, v24  }
0x1b8: {  	v22 =	vadd.f32 v27, v22;
	v27 =	vand.u32 $0x7FFFFF, v35;
	v36 =	vor.u32 $0x3F800000, v28  }
0x1b9: {  	v26 =	vnsel vm7, $0x0, v26;
	v38 =	vor.u32 $0x3F800000, v27;
	v37 =	vld.idx.msk [tilespmem:v32+s13+$0x0], $0xffff;
	v27 =	vadd.f32 $1.000000000e+00, v36  }
0x1ba: {  	v22 =	vadd.f32 v26, v22;
	v26 =	vor.u32 $0x5, v25;
	v32 =	vadd.f32 $1.000000000e+00, v38  }
0x1bb: {  	v28 =	vor.u32 v10, v21;
	v31 =	vnsel vm3, $0x0, v31;
	v39 =	vld.idx.msk [tilespmem:v23+s13+$0x0], $0xffff;
	(erf) = vrcp.f32 v27  }
0x1bc: {  	v22 =	vadd.f32 v31, v22;
	v27 =	vor.u32 $0x6, v25;
	(erf) = vrcp.f32 v32  }
0x1bd: {  	v34 =	vor.u32 v12, v21;
	v23 =	vnsel vm4, $0x0, v29;
	v29 =	vld.idx.msk [tilespmem:v30+s13+$0x0], $0xffff;
	v30 =	vor.u32 v11, v21  }
0x1be: {  	v45 =	vor.u32 v13, v21;
	v40 =	vor.u32 $0x7, v25;
	v23 =	vadd.f32 v23, v22;
	v21 =	vmovc v33  }
0x1bf: {  	v32 =	vor.u32 v16, v21;
	v31 =	vor.u32 v15, v21;
	v25 =	vnsel vm2, $0x0, v37;
	v33 =	vld.idx.msk [tilespmem:v26+s13+$0x0], $0xffff  }
0x1c0: {  	v22 =	vor.u32 v4, v21;
	v37 =	vadd.f32 v25, v23;
	v23 =	vor.u32 $0x7, v28  }
0x1c1: {  	v26 =	vor.u32 $0x5, v28;
	v25 =	vor.u32 $0x6, v28;
	v39 =	vnsel vm1, $0x0, v39;
	v41 =	vld.idx.msk [tilespmem:v27+s13+$0x0], $0xffff  }
0x1c2: {  	v37 =	vadd.f32 v39, v37;
	v39 =	vor.u32 $0x1, v45;
	v27 =	vor.u32 $0x4, v28  }
0x1c3: {  	v42 =	vor.u32 $0x6, v45;
	v36 =	vadd.f32 $-1.000000000e+00, v36;
	v29 =	vnsel vm0, $0x0, v29;
	v40 =	vld.idx.msk [tilespmem:v40+s13+$0x0], $0xffff  }
0x1c4: {  	v38 =	vadd.f32 $-1.000000000e+00, v38;
	v29 =	vadd.f32 v29, v37;
	v37 =	vor.u32 $0x2, v45;
	v43 =	vpop (erf)  }
0x1c5: {  	v46 =	vor.u32 $0x5, v45;
	v33 =	vnsel vm5, $0x0, v33;
	v44 =	vld.idx.msk [tilespmem:v45+s13+$0x0], $0xffff;
	v36 =	vmul.f32 v43, v36;
	v43 =	vpop (erf)  }
0x1c6: {  	v47 =	vor.u32 $0x3, v45;
	v33 =	vadd.f32 v33, v29;
	v38 =	vmul.f32 v43, v38  }
0x1c7: {  	v29 =	vor.u32 $0x3, v28;
	v41 =	vnsel vm6, $0x0, v41;
	v48 =	vld.idx.msk [tilespmem:v39+s13+$0x0], $0xffff;
	v49 =	vmul.f32 v36, v36  }
0x1c8: {  	v50 =	vor.u32 $0x4, v45;
	v33 =	vadd.f32 v41, v33;
	v51 =	vld.idx.msk [tilespmem:v42+s13+$0x0], $0xffff;
	v52 =	vmul.f32 v38, v38  }
0x1c9: {  	v39 =	vor.u32 $0x6, v34;
	v40 =	vnsel vm7, $0x0, v40;
	v37 =	vld.idx.msk [tilespmem:v37+s13+$0x0], $0xffff;
	v43 =	vmul.f32 $1.111111120e-01, v49  }
0x1ca: {  	v41 =	vor.u32 $0x5, v34;
	v33 =	vadd.f32 v40, v33;
	v40 =	vld.idx.msk [tilespmem:v46+s13+$0x0], $0xffff;
	v46 =	vmul.f32 $1.111111120e-01, v52  }
0x1cb: {  	v42 =	vor.u32 $0x4, v34;
	v44 =	vnsel vm3, $0x0, v44;
	v47 =	vld.idx.msk [tilespmem:v47+s13+$0x0], $0xffff;
	v53 =	vadd.f32 $1.428571490e-01, v43  }
0x1cc: {  	v33 =	vadd.f32 v44, v33;
	v43 =	vor.u32 $0x3, v34;
	v46 =	vadd.f32 $1.428571490e-01, v46  }
0x1cd: {  	v44 =	vor.u32 $0x2, v34;
	v48 =	vnsel vm4, $0x0, v48;
	v50 =	vld.idx.msk [tilespmem:v50+s13+$0x0], $0xffff;
	v53 =	vmul.f32 v53, v49  }
0x1ce: {  	v33 =	vadd.f32 v48, v33;
	v48 =	vor.u32 $0x1, v34;
	v46 =	vmul.f32 v46, v52  }
0x1cf: {  	v45 =	vor.u32 $0x7, v45;
	v37 =	vnsel vm2, $0x0, v37;
	v53 =	vadd.f32 $2.000000030e-01, v53  }
0x1d0: {  	v51 =	vnsel vm6, $0x0, v51;
	v33 =	vadd.f32 v37, v33;
	v37 =	vadd.f32 $2.000000030e-01, v46  }
0x1d1: {  	v40 =	vnsel vm5, $0x0, v40;
	v46 =	vnsel vm1, $0x0, v47;
	v47 =	vmul.f32 v53, v49  }
0x1d2: {  	v35 =	vshrl.u32 v35, $0x17;
	v33 =	vadd.f32 v46, v33;
	v37 =	vmul.f32 v37, v52  }
0x1d3: {  	v35 =	vand.u32 $0xFF, v35;
	v46 =	vnsel vm0, $0x0, v50;
	v50 =	vadd.f32 $3.333333430e-01, v47  }
0x1d4: {  	v33 =	vadd.f32 v46, v33;
	v47 =	vld.idx.msk [tilespmem:v45+s13+$0x0], $0xffff;
	v37 =	vadd.f32 $3.333333430e-01, v37;
	v45 =	vshrl.u32 v24, $0x17  }
.Ltmp1:
0x1d5: {  	v53 =	vadd.s32 $0xFFFFFF81, v35;
	v35 =	vand.u32 $0xFF, v45;
	v45 =	vmul.f32 v50, v49;
	(pc) =	sbr.rel @p0 .LBB2_4-.Ltmp1, $4  }
0x1d6: {  	v33 =	vadd.f32 v40, v33;
	v46 =	vld.idx.msk [tilespmem:v34+s13+$0x0], $0xffff;
	v37 =	vmul.f32 v37, v52;
	v35 =	vadd.s32 $0xFFFFFF81, v35  }
0x1d7: {  	v36 =	vadd.f32 v36, v36;
	v40 =	vadd.f32 $1.000000000e+00, v45;
	v49 =	vcvt.s32.f32 v35  }
0x1d8: {  	v35 =	vadd.f32 v38, v38;
	v38 =	vcvt.s32.f32 v53;
	v45 =	vld.idx.msk [tilespmem:v48+s13+$0x0], $0xffff;
	v37 =	vadd.f32 $1.000000000e+00, v37  }
0x1d9: {  	s18 =	sadd.s32 $0x10, s18;
	v48 =	vadd.f32 v51, v33;
	v33 =	vmul.f32 v40, v36;
	v36 =	vmul.f32 $6.931471820e-01, v49  }
0x1da: {  	_ = 	snop  }
0x1db: {  	v49 =	vor.u32 $0x1, v22;
	_ =	sdelay $0x1  }
0x1dc: {  	v50 =	vor.u32 $0x2, v22  }
0x1dd: {  	s17 =	sadd.s32 $0x10, s17;
	v51 =	vld.idx.msk [tilespmem:v22+s13+$0x0], $0xffff  }
0x1de: {  	v52 =	vor.u32 $0x3, v22;
	v40 =	vld [tilespmem:s17+$0x0]  }
0x1df: {  	v49 =	vld.idx.msk [tilespmem:v49+s13+$0x0], $0xffff  }
0x1e0: {  	v53 =	vor.u32 $0x4, v22  }
0x1e1: {  	v50 =	vld.idx.msk [tilespmem:v50+s13+$0x0], $0xffff  }
0x1e2: {  	v54 =	vor.u32 $0x5, v22;
	v51 =	vadd.f32 $0.0e+00, v51  }
0x1e3: {  	v52 =	vld.idx.msk [tilespmem:v52+s13+$0x0], $0xffff;
	vm12 =	vgt.s32 v40, $0xFFFFFFFF;
	vm11 =	vgt.s32 v40, $0x0  }
0x1e4: {  	v55 =	vor.u32 $0x6, v22;
	v51 =	vnsel vm12, $0x0, v51;
	v49 =	vnsel vm11, $0x0, v49  }
0x1e5: {  	v53 =	vld.idx.msk [tilespmem:v53+s13+$0x0], $0xffff;
	vm9 =	vgt.s32 v40, $0x1;
	v49 =	vadd.f32 v49, v51  }
0x1e6: {  	v61 =	vor.u32 $0x7, v22;
	v50 =	vnsel vm9, $0x0, v50  }
0x1e7: {  	v54 =	vld.idx.msk [tilespmem:v54+s13+$0x0], $0xffff;
	vm8 =	vgt.s32 v40, $0x2;
	v49 =	vadd.f32 v50, v49  }
0x1e8: {  	v62 =	vnsel vm8, $0x0, v52  }
0x1e9: {  	v63 =	vld.idx.msk [tilespmem:v55+s13+$0x0], $0xffff;
	vm10 =	vgt.s32 v40, $0x3;
	v49 =	vadd.f32 v62, v49  }
0x1ea: {  	v57 =	vor.u32 $0x1, v32;
	v53 =	vnsel vm10, $0x0, v53  }
0x1eb: {  	vm15 =	vgt.s32 v40, $0x4;
	v51 =	vld.idx.msk [tilespmem:v61+s13+$0x0], $0xffff;
	v49 =	vadd.f32 v53, v49  }
0x1ec: {  	v58 =	vor.u32 $0x2, v32;
	v54 =	vnsel vm15, $0x0, v54  }
0x1ed: {  	v59 =	vld.idx.msk [tilespmem:v32+s13+$0x0], $0xffff;
	vm14 =	vgt.s32 v40, $0x5;
	v49 =	vadd.f32 v54, v49  }
0x1ee: {  	v60 =	vor.u32 $0x3, v32;
	v52 =	vnsel vm14, $0x0, v63  }
0x1ef: {  	vm13 =	vgt.s32 v40, $0x6;
	v50 =	vld.idx.msk [tilespmem:v57+s13+$0x0], $0xffff;
	v49 =	vadd.f32 v52, v49  }
0x1f0: {  	v61 =	vor.u32 $0x4, v32;
	v51 =	vnsel vm13, $0x0, v51  }
0x1f1: {  	v53 =	vld.idx.msk [tilespmem:v58+s13+$0x0], $0xffff;
	v49 =	vadd.f32 v51, v49  }
0x1f2: {  	v55 =	vnsel vm12, $0x0, v59;
	v62 =	vor.u32 $0x5, v32  }
0x1f3: {  	v54 =	vld.idx.msk [tilespmem:v60+s13+$0x0], $0xffff;
	v49 =	vadd.f32 v55, v49  }
0x1f4: {  	v63 =	vor.u32 $0x6, v32;
	v50 =	vnsel vm11, $0x0, v50  }
0x1f5: {  	v57 =	vld.idx.msk [tilespmem:v61+s13+$0x0], $0xffff;
	v49 =	vadd.f32 v50, v49  }
0x1f6: {  	v58 =	vor.u32 $0x7, v32;
	v59 =	vnsel vm9, $0x0, v53  }
0x1f7: {  	v51 =	vld.idx.msk [tilespmem:v62+s13+$0x0], $0xffff;
	v49 =	vadd.f32 v59, v49  }
0x1f8: {  	v60 =	vnsel vm8, $0x0, v54  }
0x1f9: {  	v61 =	vld.idx.msk [tilespmem:v63+s13+$0x0], $0xffff;
	v49 =	vadd.f32 v60, v49  }
0x1fa: {  	v62 =	vor.u32 $0x1, v31;
	v50 =	vnsel vm10, $0x0, v57  }
0x1fb: {  	v32 =	vld.idx.msk [tilespmem:v58+s13+$0x0], $0xffff;
	v49 =	vadd.f32 v50, v49  }
0x1fc: {  	v63 =	vor.u32 $0x2, v31;
	v51 =	vnsel vm15, $0x0, v51  }
0x1fd: {  	v57 =	vld.idx.msk [tilespmem:v31+s13+$0x0], $0xffff;
	v49 =	vadd.f32 v51, v49  }
0x1fe: {  	v58 =	vor.u32 $0x3, v31;
	v53 =	vnsel vm14, $0x0, v61  }
0x1ff: {  	v52 =	vld.idx.msk [tilespmem:v62+s13+$0x0], $0xffff;
	v49 =	vadd.f32 v53, v49  }
0x200: {  	v32 =	vnsel vm13, $0x0, v32;
	v59 =	vor.u32 $0x4, v31  }
0x201: {  	v50 =	vld.idx.msk [tilespmem:v63+s13+$0x0], $0xffff;
	v32 =	vadd.f32 v32, v49  }
0x202: {  	v60 =	vor.u32 $0x5, v31;
	v54 =	vnsel vm12, $0x0, v57  }
0x203: {  	v51 =	vld.idx.msk [tilespmem:v58+s13+$0x0], $0xffff;
	v32 =	vadd.f32 v54, v32  }
0x204: {  	v61 =	vor.u32 $0x6, v31;
	v52 =	vnsel vm11, $0x0, v52  }
0x205: {  	v53 =	vld.idx.msk [tilespmem:v59+s13+$0x0], $0xffff;
	v32 =	vadd.f32 v52, v32  }
0x206: {  	v62 =	vor.u32 $0x7, v31;
	v50 =	vnsel vm9, $0x0, v50  }
0x207: {  	v49 =	vld.idx.msk [tilespmem:v60+s13+$0x0], $0xffff;
	v32 =	vadd.f32 v50, v32  }
0x208: {  	v51 =	vnsel vm8, $0x0, v51;
	v50 =	vor.u32 v14, v21  }
0x209: {  	v63 =	vld.idx.msk [tilespmem:v61+s13+$0x0], $0xffff;
	v32 =	vadd.f32 v51, v32  }
0x20a: {  	v53 =	vnsel vm10, $0x0, v53;
	v57 =	vor.u32 $0x1, v50  }
0x20b: {  	v31 =	vld.idx.msk [tilespmem:v62+s13+$0x0], $0xffff;
	v32 =	vadd.f32 v53, v32  }
0x20c: {  	v49 =	vnsel vm15, $0x0, v49;
	v58 =	vor.u32 $0x2, v50  }
0x20d: {  	v59 =	vld.idx.msk [tilespmem:v50+s13+$0x0], $0xffff;
	v32 =	vadd.f32 v49, v32  }
0x20e: {  	v52 =	vnsel vm14, $0x0, v63;
	v60 =	vor.u32 $0x3, v50  }
0x20f: {  	v51 =	vld.idx.msk [tilespmem:v57+s13+$0x0], $0xffff;
	v32 =	vadd.f32 v52, v32  }
0x210: {  	v31 =	vnsel vm13, $0x0, v31;
	v61 =	vor.u32 $0x4, v50  }
0x211: {  	vm12 =	vmmov vm12;
	v53 =	vld.idx.msk [tilespmem:v58+s13+$0x0], $0xffff;
	v31 =	vadd.f32 v31, v32  }
0x212: {  	v62 =	vor.u32 $0x5, v50;
	v54 =	vnsel vm12, $0x0, v59  }
0x213: {  	vm11 =	vmmov vm11;
	v49 =	vld.idx.msk [tilespmem:v60+s13+$0x0], $0xffff;
	v31 =	vadd.f32 v54, v31  }
0x214: {  	v63 =	vor.u32 $0x6, v50;
	v51 =	vnsel vm11, $0x0, v51  }
0x215: {  	vm9 =	vmmov vm9;
	v57 =	vld.idx.msk [tilespmem:v61+s13+$0x0], $0xffff;
	v31 =	vadd.f32 v51, v31  }
0x216: {  	v50 =	vor.u32 $0x7, v50;
	v58 =	vnsel vm9, $0x0, v53  }
0x217: {  	vm8 =	vmmov vm8;
	v32 =	vld.idx.msk [tilespmem:v62+s13+$0x0], $0xffff;
	v31 =	vadd.f32 v58, v31  }
0x218: {  	v52 =	vor.u32 v13, v21;
	v49 =	vnsel vm8, $0x0, v49  }
0x219: {  	vm10 =	vmmov vm10;
	v59 =	vld.idx.msk [tilespmem:v63+s13+$0x0], $0xffff;
	v31 =	vadd.f32 v49, v31  }
0x21a: {  	v47 =	vnsel vm7, $0x0, v47;
	v44 =	vld.idx.msk [tilespmem:v44+s13+$0x0], $0xffff;
	v60 =	vor.u32 $0x1, v52;
	v51 =	vnsel vm10, $0x0, v57  }
0x21b: {  	v47 =	vadd.f32 v47, v48;
	v50 =	vld.idx.msk [tilespmem:v50+s13+$0x0], $0xffff;
	v31 =	vadd.f32 v51, v31  }
0x21c: {  	v43 =	vld.idx.msk [tilespmem:v43+s13+$0x0], $0xffff;
	v46 =	vnsel vm3, $0x0, v46;
	v61 =	vor.u32 $0x2, v52;
	v32 =	vnsel vm15, $0x0, v32  }
0x21d: {  	v46 =	vadd.f32 v46, v47;
	v62 =	vld.idx.msk [tilespmem:v52+s13+$0x0], $0xffff;
	v31 =	vadd.f32 v32, v31  }
0x21e: {  	v45 =	vnsel vm4, $0x0, v45;
	v63 =	vor.u32 $0x3, v52;
	v53 =	vnsel vm14, $0x0, v59  }
0x21f: {  	v45 =	vadd.f32 v45, v46;
	v49 =	vld.idx.msk [tilespmem:v60+s13+$0x0], $0xffff;
	v31 =	vadd.f32 v53, v31  }
0x220: {  	v44 =	vnsel vm2, $0x0, v44;
	v57 =	vor.u32 $0x4, v52;
	v56 =	vnsel vm13, $0x0, v50  }
0x221: {  	v44 =	vadd.f32 v44, v45;
	v58 =	vld.idx.msk [tilespmem:v61+s13+$0x0], $0xffff;
	v31 =	vadd.f32 v56, v31  }
0x222: {  	v42 =	vld.idx.msk [tilespmem:v42+s13+$0x0], $0xffff;
	v43 =	vnsel vm1, $0x0, v43;
	v59 =	vor.u32 $0x5, v52;
	v32 =	vnsel vm12, $0x0, v62  }
0x223: {  	v34 =	vor.u32 $0x7, v34;
	v43 =	vadd.f32 v43, v44;
	v60 =	vld.idx.msk [tilespmem:v63+s13+$0x0], $0xffff;
	v31 =	vadd.f32 v32, v31  }
0x224: {  	v41 =	vld.idx.msk [tilespmem:v41+s13+$0x0], $0xffff;
	v44 =	vor.u32 v12, v21;
	v61 =	vor.u32 $0x6, v52;
	v49 =	vnsel vm11, $0x0, v49  }
0x225: {  	v55 =	vor.u32 $0x1, v44;
	v48 =	vld.idx.msk [tilespmem:v57+s13+$0x0], $0xffff;
	v31 =	vadd.f32 v49, v31  }
0x226: {  	v39 =	vld.idx.msk [tilespmem:v39+s13+$0x0], $0xffff;
	v63 =	vor.u32 $0x7, v52;
	v62 =	vnsel vm9, $0x0, v58  }
0x227: {  	v54 =	vor.u32 $0x1, v30;
	v32 =	vld.idx.msk [tilespmem:v59+s13+$0x0], $0xffff;
	v31 =	vadd.f32 v62, v31  }
0x228: {  	vm5 =	vmmov vm5;
	v34 =	vld.idx.msk [tilespmem:v34+s13+$0x0], $0xffff;
	v53 =	vnsel vm8, $0x0, v60  }
0x229: {  	vm6 =	vmmov vm6;
	v42 =	vnsel vm0, $0x0, v42;
	v49 =	vld.idx.msk [tilespmem:v61+s13+$0x0], $0xffff;
	v31 =	vadd.f32 v53, v31  }
0x22a: {  	v42 =	vadd.f32 v42, v43;
	v43 =	vld.idx.msk [tilespmem:v55+s13+$0x0], $0xffff;
	v57 =	vor.u32 $0x2, v30;
	v56 =	vnsel vm10, $0x0, v48  }
0x22b: {  	vm7 =	vmmov vm7;
	v58 =	vld.idx.msk [tilespmem:v63+s13+$0x0], $0xffff;
	v63 =	vor.u32 $0x3, v44;
	v31 =	vadd.f32 v56, v31  }
0x22c: {  	v41 =	vnsel vm5, $0x0, v41;
	v46 =	vld.idx.msk [tilespmem:v54+s13+$0x0], $0xffff;
	v60 =	vor.u32 $0x2, v44;
	v32 =	vnsel vm15, $0x0, v32  }
0x22d: {  	v41 =	vadd.f32 v41, v42;
	v54 =	vor.u32 $0x5, v30;
	v62 =	vld.idx.msk [tilespmem:v44+s13+$0x0], $0xffff;
	v31 =	vadd.f32 v32, v31  }
0x22e: {  	v39 =	vnsel vm6, $0x0, v39;
	v34 =	vnsel vm7, $0x0, v34;
	v59 =	vld.idx.msk [tilespmem:v30+s13+$0x0], $0xffff;
	v49 =	vnsel vm14, $0x0, v49  }
0x22f: {  	v39 =	vadd.f32 v39, v41;
	v48 =	vld.idx.msk [tilespmem:v57+s13+$0x0], $0xffff;
	v61 =	vor.u32 $0x3, v30;
	v31 =	vadd.f32 v49, v31  }
0x230: {  	v52 =	vimm.s32 $0x0;
	v45 =	vnsel vm13, $0x0, v58;
	v41 =	vld.idx.msk [tilespmem:v63+s13+$0x0], $0xffff;
	v53 =	vor.u32 $0x4, v44  }
0x231: {  	v50 =	vsel vm7, $0xFFFFFFFF, v52;
	v52 =	vor.u32 $0x4, v30;
	v42 =	vld.idx.msk [tilespmem:v60+s13+$0x0], $0xffff;
	v31 =	vadd.f32 v45, v31  }
0x232: {  	v34 =	vadd.f32 v34, v39;
	v55 =	vor.u32 $0x5, v44;
	v60 =	vld.idx.msk [tilespmem:v54+s13+$0x0], $0xffff;
	v32 =	vnsel vm12, $0x0, v62  }
0x233: {  	v57 =	vor.u32 $0x6, v44;
	v54 =	vld.idx.msk [tilespmem:v28+s13+$0x0], $0xffff;
	v47 =	vnsel vm3, $0x0, v59;
	v31 =	vadd.f32 v32, v31  }
0x234: {  	v43 =	vnsel vm11, $0x0, v43;
	[tilespmem:$0x1FFF0] =	vst v50;
	v58 =	vor.u32 $0x7, v30;
	v34 =	vadd.f32 v47, v34;
	v50 =	vld.idx.msk [tilespmem:v61+s13+$0x0], $0xffff  }
0x235: {  	v46 =	vnsel vm4, $0x0, v46;
	v44 =	vor.u32 $0x7, v44;
	v39 =	vld.idx.msk [tilespmem:v53+s13+$0x0], $0xffff;
	v31 =	vadd.f32 v43, v31  }
0x236: {  	v42 =	vnsel vm9, $0x0, v42;
	v56 =	vor.u32 $0x6, v30;
	v34 =	vadd.f32 v46, v34;
	v49 =	vld.idx.msk [tilespmem:v52+s13+$0x0], $0xffff  }
0x237: {  	vm7 =	vmmov vm15;
	v59 =	vnsel vm2, $0x0, v48;
	v47 =	vld.idx.msk [tilespmem:v55+s13+$0x0], $0xffff;
	v31 =	vadd.f32 v42, v31  }
0x238: {  	v41 =	vnsel vm8, $0x0, v41;
	v46 =	vld.idx.msk [tilespmem:v57+s13+$0x0], $0xffff;
	v34 =	vadd.f32 v59, v34;
	v42 =	vor.u32 v11, v21  }
0x239: {  	v30 =	vld.idx.msk [tilespmem:v58+s13+$0x0], $0xffff;
	v62 =	vor.u32 $0x1, v28;
	v61 =	vnsel vm1, $0x0, v50;
	v31 =	vadd.f32 v41, v31  }
0x23a: {  	v44 =	vld.idx.msk [tilespmem:v44+s13+$0x0], $0xffff;
	v34 =	vadd.f32 v61, v34;
	v39 =	vnsel vm10, $0x0, v39;
	v52 =	vor.u32 $0x1, v42  }
0x23b: {  	vm13 =	vmmov vm13;
	v32 =	vld.idx.msk [tilespmem:v56+s13+$0x0], $0xffff;
	v63 =	vnsel vm0, $0x0, v49;
	v31 =	vadd.f32 v39, v31  }
0x23c: {  	v56 =	vnsel vm7, $0x0, v47;
	v34 =	vadd.f32 v63, v34;
	v63 =	vld [tilespmem:$0x1FFF0];
	v55 =	vor.u32 $0x2, v42  }
0x23d: {  	v48 =	vor.u32 $0x2, v28;
	vm14 =	vmmov vm14;
	v57 =	vld.idx.msk [tilespmem:v42+s13+$0x0], $0xffff;
	v28 =	vadd.f32 v56, v31  }
0x23e: {  	v53 =	vnsel vm5, $0x0, v60;
	v46 =	vnsel vm14, $0x0, v46;
	v59 =	vld.idx.msk [tilespmem:v62+s13+$0x0], $0xffff;
	v60 =	vor.u32 $0x3, v42  }
0x23f: {  	v44 =	vnsel vm13, $0x0, v44;
	v34 =	vadd.f32 v53, v34;
	v61 =	vld.idx.msk [tilespmem:v52+s13+$0x0], $0xffff;
	v62 =	vadd.f32 v46, v28  }
0x240: {  	v43 =	vnsel vm3, $0x0, v54;
	v58 =	vnsel vm6, $0x0, v32;
	v50 =	vor.u32 $0x4, v42  }
0x241: {  	vm15 =	vnez.u8 v63;
	v31 =	vadd.f32 v58, v34;
	v52 =	vld.idx.msk [tilespmem:v55+s13+$0x0], $0xffff;
	v51 =	vadd.f32 v44, v62  }
0x242: {  	v29 =	vld.idx.msk [tilespmem:v29+s13+$0x0], $0xffff;
	v54 =	vor.u32 $0x5, v42;
	v30 =	vnsel vm15, $0x0, v30;
	v39 =	vnsel vm12, $0x0, v57  }
0x243: {  	v55 =	vld.idx.msk [tilespmem:v60+s13+$0x0], $0xffff;
	v30 =	vadd.f32 v30, v31;
	v31 =	vadd.f32 v39, v51  }
0x244: {  	v56 =	vor.u32 $0x6, v42;
	v34 =	vnsel vm11, $0x0, v61  }
0x245: {  	v46 =	vld.idx.msk [tilespmem:v50+s13+$0x0], $0xffff;
	v31 =	vadd.f32 v34, v31  }
0x246: {  	v53 =	vld.idx.msk [tilespmem:v48+s13+$0x0], $0xffff;
	v32 =	vnsel vm4, $0x0, v59;
	v59 =	vor.u32 $0x7, v42;
	v60 =	vnsel vm9, $0x0, v52  }
0x247: {  	v63 =	vld.idx.msk [tilespmem:v54+s13+$0x0], $0xffff;
	v31 =	vadd.f32 v60, v31  }
0x248: {  	v27 =	vld.idx.msk [tilespmem:v27+s13+$0x0], $0xffff;
	v29 =	vnsel vm1, $0x0, v29;
	v48 =	vor.u32 v10, v21;
	v49 =	vnsel vm8, $0x0, v55  }
0x249: {  	s16 =	sadd.s32 $0x10, s16;
	v58 =	vand.u32 $0xFFFFFFF8, v20;
	v54 =	vor.u32 $0x2, v48;
	v50 =	vld.idx.msk [tilespmem:v56+s13+$0x0], $0xffff;
	v21 =	vadd.f32 v49, v31  }
0x24a: {  	v28 =	vld [tilespmem:s16+$0x0];
	v30 =	vadd.f32 v43, v30;
	v51 =	vor.u32 $0x1, v48;
	v52 =	vnsel vm10, $0x0, v46  }
0x24b: {  	v19 =	vadd.s32 v19, v58;
	v62 =	vnsel vm2, $0x0, v53;
	v53 =	vld.idx.msk [tilespmem:v59+s13+$0x0], $0xffff;
	v21 =	vadd.f32 v52, v21  }
0x24c: {  	v26 =	vld.idx.msk [tilespmem:v26+s13+$0x0], $0xffff;
	v57 =	vand.u32 $0x7, v20;
	v55 =	vnsel vm7, $0x0, v63;
	v30 =	vadd.f32 v32, v30  }
0x24d: {  	v19 =	vor.u32 v57, v19;
	v56 =	vld.idx.msk [tilespmem:v48+s13+$0x0], $0xffff;
	v57 =	vor.u32 $0x3, v48;
	v21 =	vadd.f32 v55, v21  }
0x24e: {  	v25 =	vld.idx.msk [tilespmem:v25+s13+$0x0], $0xffff;
	v27 =	vnsel vm0, $0x0, v27;
	v30 =	vadd.f32 v62, v30;
	v34 =	vnsel vm14, $0x0, v50  }
0x24f: {  	v59 =	vor.u32 $0x4, v48;
	v61 =	vadd.s32 $0xFFFFFFFF, v28;
	v58 =	vld.idx.msk [tilespmem:v51+s13+$0x0], $0xffff;
	v21 =	vadd.f32 v34, v21  }
0x250: {  	v23 =	vld.idx.msk [tilespmem:v23+s13+$0x0], $0xffff;
	vm4 =	vgt.s32 v61, $0x0;
	v29 =	vadd.f32 v29, v30;
	v30 =	vnsel vm13, $0x0, v53  }
0x251: {  	v62 =	vor.u32 $0x5, v48;
	v41 =	vnsel vm4, $0x0, v61;
	v61 =	vld.idx.msk [tilespmem:v54+s13+$0x0], $0xffff;
	v21 =	vadd.f32 v30, v21  }
0x252: {  	s16 =	sadd.s32 $0x10, s16;
	v41 =	vshll.u32 v41, $0xD;
	v63 =	vld.idx.msk [tilespmem:v57+s13+$0x0], $0xffff;
	v27 =	vadd.f32 v27, v29;
	v29 =	vnsel vm12, $0x0, v56  }
0x253: {  	v26 =	vnsel vm5, $0x0, v26;
	v60 =	vadd.s32 v41, v19;
	v19 =	vld [tilespmem:s16+$0x0];
	v21 =	vadd.f32 v29, v21  }
0x254: {  	v39 =	vor.u32 $0x6, v48;
	v26 =	vadd.f32 v26, v27;
	v27 =	vnsel vm11, $0x0, v58  }
0x255: {  	v25 =	vnsel vm6, $0x0, v25;
	v23 =	vnsel vm15, $0x0, v23;
	v31 =	vld.idx.msk [tilespmem:v59+s13+$0x0], $0xffff;
	v21 =	vadd.f32 v27, v21  }
0x256: {  	v42 =	vor.u32 $0x7, v48;
	v25 =	vadd.f32 v25, v26;
	v26 =	vnsel vm9, $0x0, v61  }
0x257: {  	v44 =	vand.u32 $0x7, v40;
	v46 =	vand.u32 $0xFFFFFFF8, v40;
	v43 =	vld.idx.msk [tilespmem:v62+s13+$0x0], $0xffff;
	v21 =	vadd.f32 v26, v21  }
0x258: {  	v41 =	vld.idx.msk [tilespmem:v60+s13+$0x0], $0xffff;
	v45 =	vadd.s32 $0xFFFFFFFF, v19;
	v23 =	vadd.f32 v23, v25;
	v25 =	vnsel vm8, $0x0, v63  }
0x259: {  	v47 =	vadd.s32 v22, v46;
	vm9 =	vgt.s32 v45, $0x0;
	v29 =	vld.idx.msk [tilespmem:v39+s13+$0x0], $0xffff;
	v21 =	vadd.f32 v25, v21  }
0x25a: {  	v49 =	vnsel vm10, $0x0, v31;
	v48 =	vnsel vm9, $0x0, v45;
	v23 =	vsub.f32 $1.000000000e+00, v23  }
0x25b: {  	v22 =	vor.u32 v44, v47;
	v50 =	vld.idx.msk [tilespmem:v42+s13+$0x0], $0xffff;
	v25 =	vshll.u32 v48, $0xD;
	v21 =	vadd.f32 v49, v21  }
0x25c: {  	v20 =	vadd.f32 $9.999999930e-09, v23;
	v23 =	vnsel vm7, $0x0, v43;
	v22 =	vadd.s32 v25, v22  }
0x25d: {  	v27 =	vadd.f32 $9.999999930e-09, v41;
	v21 =	vadd.f32 v23, v21  }
0x25e: {  	v51 =	vand.u32 $0x7FFFFF, v20;
	v29 =	vnsel vm14, $0x0, v29  }
0x25f: {  	v52 =	vand.u32 $0x7FFFFF, v27;
	v25 =	vor.u32 $0x3F800000, v51;
	v21 =	vadd.f32 v29, v21  }
0x260: {  	v26 =	vnsel vm13, $0x0, v50;
	v53 =	vadd.f32 $1.000000000e+00, v25;
	v23 =	vor.u32 $0x3F800000, v52  }
0x261: {  	v54 =	vadd.f32 $1.000000000e+00, v23;
	v22 =	vld.idx.msk [tilespmem:v22+s13+$0x0], $0xffff;
	v21 =	vadd.f32 v26, v21  }
0x262: {  	(erf) = vrcp.f32 v53  }
0x263: {  	(erf) = vrcp.f32 v54;
	v21 =	vsub.f32 $1.000000000e+00, v21;
	_ =	sdelay $0x1  }
0x264: {  	v21 =	vadd.f32 $9.999999930e-09, v21  }
0x265: {  	v22 =	vadd.f32 $9.999999930e-09, v22  }
0x266: {  	v55 =	vand.u32 $0x7FFFFF, v21  }
0x267: {  	v56 =	vand.u32 $0x7FFFFF, v22;
	v26 =	vor.u32 $0x3F800000, v55  }
0x268: {  	v29 =	vor.u32 $0x3F800000, v56;
	v57 =	vadd.f32 $1.000000000e+00, v26  }
0x269: {  	v59 =	vadd.f32 $1.000000000e+00, v29  }
0x26a: {  	v58 =	vpop (erf);
	(erf) = vrcp.f32 v57  }
0x26b: {  	v60 =	vpop (erf);
	(erf) = vrcp.f32 v59;
	_ =	sdelay $0x1  }
0x26c: {  	v23 =	vadd.f32 $-1.000000000e+00, v23  }
0x26d: {  	v35 =	vmul.f32 v37, v35;
	v40 =	vmul.f32 $6.931471820e-01, v38  }
0x26e: {  	v33 =	vadd.f32 v33, v36;
	v25 =	vadd.f32 $-1.000000000e+00, v25;
	v23 =	vmul.f32 v60, v23  }
0x26f: {  	v35 =	vadd.f32 v35, v40;
	vm11 =	vgt.s32 v18, $0x0;
	vm10 =	vgt.f32 v24, $0.0e+00  }
0x270: {  	v44 =	vnsel vm10, $0x0, v33;
	v25 =	vmul.f32 v58, v25;
	v31 =	vmul.f32 v23, v23  }
0x271: {  	vm12 =	vgt.f32 v20, $0.0e+00;
	v27 =	vshrl.u32 v27, $0x17;
	v26 =	vadd.f32 $-1.000000000e+00, v26  }
0x272: {  	v29 =	vadd.f32 $-1.000000000e+00, v29;
	v61 =	vmul.f32 v25, v25;
	v63 =	vmul.f32 $1.111111120e-01, v31;
	v41 =	vpop (erf)  }
0x273: {  	vm13 =	vgt.s32 v28, $0x0;
	v27 =	vand.u32 $0xFF, v27;
	v26 =	vmul.f32 v41, v26;
	v43 =	vpop (erf)  }
0x274: {  	v62 =	vmul.f32 $1.111111120e-01, v61;
	v34 =	vadd.f32 $1.428571490e-01, v63;
	v29 =	vmul.f32 v43, v29  }
0x275: {  	v48 =	vshrl.u32 v20, $0x17;
	v27 =	vadd.s32 $0xFFFFFF81, v27;
	v45 =	vmul.f32 v26, v26  }
0x276: {  	v32 =	vadd.f32 $1.428571490e-01, v62;
	v34 =	vmul.f32 v34, v31;
	v46 =	vmul.f32 v29, v29  }
0x277: {  	v37 =	vand.u32 $0xFF, v48;
	v27 =	vcvt.s32.f32 v27;
	v47 =	vmul.f32 $1.111111120e-01, v45  }
0x278: {  	v32 =	vmul.f32 v32, v61;
	v18 =	vadd.f32 $2.000000030e-01, v34;
	v49 =	vmul.f32 $1.111111120e-01, v46  }
0x279: {  	v51 =	vadd.s32 $0xFFFFFF81, v37;
	v53 =	vsel vm11, v35, v44;
	v36 =	vadd.f32 $1.428571490e-01, v47  }
0x27a: {  	v42 =	vadd.f32 $2.000000030e-01, v32;
	v18 =	vmul.f32 v18, v31;
	v50 =	vadd.f32 $1.428571490e-01, v49  }
0x27b: {  	v22 =	vshrl.u32 v22, $0x17;
	v56 =	vmul.f32 $6.931471820e-01, v27;
	v36 =	vmul.f32 v36, v45  }
0x27c: {  	v24 =	vmul.f32 v42, v61;
	v18 =	vadd.f32 $3.333333430e-01, v18;
	v30 =	vmul.f32 v50, v46  }
0x27d: {  	v58 =	vshrl.u32 v21, $0x17;
	v22 =	vand.u32 $0xFF, v22;
	v36 =	vadd.f32 $2.000000030e-01, v36  }
0x27e: {  	v24 =	vadd.f32 $3.333333430e-01, v24;
	v18 =	vmul.f32 v18, v31;
	v52 =	vadd.f32 $2.000000030e-01, v30  }
0x27f: {  	v25 =	vadd.f32 v25, v25;
	v23 =	vadd.f32 v23, v23;
	v54 =	vmul.f32 v36, v45  }
0x280: {  	v24 =	vmul.f32 v24, v61;
	v18 =	vadd.f32 $1.000000000e+00, v18;
	v55 =	vmul.f32 v52, v46  }
0x281: {  	v22 =	vadd.s32 $0xFFFFFF81, v22;
	v26 =	vadd.f32 v26, v26;
	v57 =	vadd.f32 $3.333333430e-01, v54  }
0x282: {  	v24 =	vadd.f32 $1.000000000e+00, v24;
	v18 =	vmul.f32 v18, v23;
	v23 =	vadd.f32 $3.333333430e-01, v55  }
0x283: {  	v31 =	vcvt.s32.f32 v51;
	v30 =	vand.u32 $0xFF, v58;
	v27 =	vmul.f32 v57, v45  }
0x284: {  	v24 =	vmul.f32 v24, v25;
	v30 =	vadd.s32 $0xFFFFFF81, v30;
	v23 =	vmul.f32 v23, v46  }
0x285: {  	v31 =	vmul.f32 $6.931471820e-01, v31;
	v30 =	vcvt.s32.f32 v30;
	v27 =	vadd.f32 $1.000000000e+00, v27  }
0x286: {  	v22 =	vcvt.s32.f32 v22;
	v29 =	vadd.f32 v29, v29;
	v23 =	vadd.f32 $1.000000000e+00, v23  }
0x287: {  	v24 =	vadd.f32 v24, v31;
	v60 =	vmul.f32 $6.931471820e-01, v30;
	v59 =	vmul.f32 v27, v26  }
0x288: {  	v22 =	vmul.f32 $6.931471820e-01, v22;
	v18 =	vadd.f32 v18, v56;
	v61 =	vmul.f32 v23, v29  }
0x289: {  	v17 =	vadd.f32 v53, v17;
	v62 =	vnsel vm12, $0x0, v24;
	v63 =	vadd.f32 v59, v60  }
0x28a: {  	vm14 =	vgt.f32 v21, $0.0e+00;
	v18 =	vsel vm13, v18, v62;
	v20 =	vadd.f32 v61, v22  }
0x28b: {  	vm15 =	vgt.s32 v19, $0x0;
	v17 =	vadd.f32 v18, v17;
	v18 =	vnsel vm14, $0x0, v63  }
0x28c: {  	v18 =	vsel vm15, v20, v18  }
0x28d: {  	s15 =	sadd.s32 $0x1, s15;
	v17 =	vadd.f32 v18, v17  }
0x28e: {  	p0 =	sne.s32 s15, s7  }
.Ltmp2:
0x28f: {  	[tilespmem:$0x11400] =	vst v17;
	(pc) =	sbr.rel @p0 .LBB2_1-.Ltmp2, $4  }
0x290: {  	[hbm4b:s6+s2] =	stream.linear.scatter [tilespmem:s14], [sflag:$0x2], $0x10, $0x38;
	[tilespmem:$0x11410] =	vst v63  }
0x291: {  	_ =	swait.ge [sflag:s10], $0x10  }
0x292: {  	[sflag:s10] =	ssyncset.done $0x0  }
0x293: {  	[sflag:s10] =	ssyncadd.s32 $0xFFFFFFF0  }
0x294: {  	_ =	sfence.sel $0x180000  }
0x295: {  	[bflag:$0x0] =	sbarrier.arrive $0xFFFF  }
0x296: {  	_ =	strace $0x90000047  }
0x297: {  	s0 =	stileid.u32;
	[bflag:$0x2] =	sbarrier.arrive $0xFFFF  }
0x298: {  	p0 =	sne.s32 s0, $0x0;
	s0 =	rddreg [dreg:$0x3]  }
0x299: {  	s0 =	sadd.s32 @!p0 $0x100000, s0  }
0x29a: {  	[sflag:s0] =	ssyncadd.tile.s32 @!p0 $0x1;
	_ =	shalt  }
.Lfunc_end2:
_tile_overlayer_lowered:
.L_overlay_start_2:
0x29b: {  	(tag) =	ssettag $0x2  }
0x29c: {  	s0 =	rddreg [dreg:$0x0];
	s2 =	stileid.u32  }
0x29d: {  	s1 =	rddreg [dreg:$0x1];
	p0 =	sne.s32 s2, $0x0  }
0x29e: {  	s3 =	rddreg [dreg:$0x2];
	[bflag:$0x3] =	sbarrier.arrive $0xFFFF;
	s2 =	simm.s32 @!p0 $0x1C02  }
0x29f: {  	[timem:s3], [sflag:s2] =	dma.local @!p0 [hbm:s0], s1  }
0x2a0: {  	s0 =	simm.s32 @!p0 $0x2  }
0x2a1: {  	_ =	swait.ge @!p0 [sflag:s0], s1  }
0x2a2: {  	s1 =	ssub.s32 @!p0 $0x0, s1;
	[sflag:s0] =	ssyncset.done @!p0 $0x0  }
0x2a3: {  	[sflag:s0] =	ssyncadd.s32 @!p0 s1  }
0x2a4: {  	[bflag:$0x3] =	sbarrier.arrive $0xFFFF  }
0x2a5: {  	_ =	shalt  }

</sc_bundles>
